<compile_context>
chip_gen: v7x
topology: tpu7x:2x2x1
jax: 0.10.2.dev20260603
libtpu: 0.0.44.dev20260713+nightly
codegen_flags: <defaults>
</compile_context>

<pallas_src>
import functools

import jax
import jax.numpy as jnp
from jax import lax
from jax.experimental import pallas as pl
from jax.experimental.pallas import tpu as pltpu
from jax.experimental.pallas import tpu_sc as plsc

B = 16384
D = 64
N = 100000
NC = 2
NS = 16
NW = NC * NS
FPW = D // NW
CH = 2048
NCH = B // CH
LANES = 16


@functools.partial(
    pl.kernel,
    out_type=jax.ShapeDtypeStruct((D, B), jnp.float32),
    mesh=plsc.VectorSubcoreMesh(core_axis_name="c", subcore_axis_name="s"),
    compiler_params=pltpu.CompilerParams(needs_layout_passes=False),
    scratch_types=[
        pltpu.VMEM((N,), jnp.float32),
        pltpu.VMEM((B,), jnp.float32),
        pltpu.VMEM((CH,), jnp.int32),
        pltpu.VMEM((CH,), jnp.int32),
        pltpu.VMEM((CH,), jnp.int32),
        pltpu.VMEM((CH,), jnp.int32),
        pltpu.VMEM((CH,), jnp.int32),
        pltpu.VMEM((CH,), jnp.int32),
        pltpu.SemaphoreType.DMA,
        pltpu.SemaphoreType.DMA,
        pltpu.SemaphoreType.DMA,
        pltpu.SemaphoreType.DMA,
        pltpu.SemaphoreType.DMA,
        pltpu.SemaphoreType.DMA,
        pltpu.SemaphoreType.DMA,
        pltpu.SemaphoreType.DMA,
        pltpu.SemaphoreType.DMA,
    ],
)
def _plane_affine(xt_hbm, idx_hbm, st_hbm, ht_hbm, out_hbm,
                  plane_v, row_v, idx0_v, idx1_v, idx2_v, idx3_v,
                  idx4_v, idx5_v,
                  sem_p, sem_x, sem_i0, sem_i1, sem_i2, sem_i3,
                  sem_i4, sem_i5, sem_o):
    wid = lax.axis_index("s") * NC + lax.axis_index("c")

    idxb = (idx0_v, idx1_v, idx2_v, idx3_v, idx4_v, idx5_v)
    isem = (sem_i0, sem_i1, sem_i2, sem_i3, sem_i4, sem_i5)
    NBUF = 6

    def fetch_idx(c, buf):
        pltpu.async_copy(idx_hbm.at[pl.ds(c * CH, CH)], idxb[buf], isem[buf])

    def wait_idx(buf):
        pltpu.make_async_copy(
            idx_hbm.at[pl.ds(0, CH)], idxb[buf], isem[buf]).wait()

    def sweep(idx_ref, cbase, mul):
        @plsc.parallel_loop(0, CH, LANES, unroll=8)
        def body(i):
            iv = idx_ref[pl.ds(i, LANES)]
            g = plsc.load_gather(plane_v, [iv])
            s = pl.ds(cbase + i, LANES)
            if mul:
                row_v[s] = row_v[s] * g
            else:
                row_v[s] = row_v[s] + g

    kctr = [0]

    def pass_(mul):
        for _ in range(NCH):
            k = kctr[0]
            u = k % NBUF
            wait_idx(u)
            sweep(idxb[u], (k % NCH) * CH, mul)
            fetch_idx((k + NBUF) % NCH, u)
            kctr[0] += 1

    for k in range(NBUF):
        fetch_idx(k % NCH, k % NBUF)

    for f in range(FPW):
        j = wid * FPW + f
        pltpu.async_copy(xt_hbm.at[j], row_v, sem_x)
        pltpu.async_copy(st_hbm.at[j], plane_v, sem_p)
        pltpu.make_async_copy(st_hbm.at[j], plane_v, sem_p).wait()
        pltpu.make_async_copy(xt_hbm.at[j], row_v, sem_x).wait()
        pass_(mul=True)
        pltpu.async_copy(ht_hbm.at[j], plane_v, sem_p)
        pltpu.make_async_copy(ht_hbm.at[j], plane_v, sem_p).wait()
        pass_(mul=False)
        pltpu.async_copy(row_v, out_hbm.at[j], sem_o)
        pltpu.make_async_copy(row_v, out_hbm.at[j], sem_o).wait()

    for u in range(NBUF):
        wait_idx(u)


def kernel(x, batch_idx, scale_weight, shift_weight):
    idx = jnp.asarray(batch_idx, jnp.int32)
    out_t = _plane_affine(x.T, idx, scale_weight.T, shift_weight.T)
    return out_t.T

# --- scband reference (transcript-rebuilt; emitter-appended) ---
"""Pipeline reference for scband-batch-specific-norm-15187004358826 (READ-ONLY COPY).

The authoritative reference and input builder live on the scoring server;
editing this copy changes nothing except your own understanding.
"""

import jax, jax.numpy as jnp
import numpy as np

N_BATCHES = 100000
FEATURE_DIM = 64
BATCH = 16384

def setup_inputs(seed: int = 0) -> dict:
    key = jax.random.key(seed)
    k1, k2 = jax.random.split(key)
    x = jax.random.normal(k1, (BATCH, FEATURE_DIM), dtype=jnp.float32)
    batch_idx = jax.random.randint(k2, (BATCH,), 0, N_BATCHES, dtype=jnp.int64 if jax.config.jax_enable_x64 else jnp.int32)
    # Learned parameters per module init: scale=ones, shift=zeros
    scale_weight = jnp.ones((N_BATCHES, FEATURE_DIM), dtype=jnp.float32)
    shift_weight = jnp.zeros((N_BATCHES, FEATURE_DIM), dtype=jnp.float32)
    return {"x": x, "batch_idx": batch_idx, "scale_weight": scale_weight, "shift_weight": shift_weight}

def reference(x, batch_idx, scale_weight, shift_weight):
    # Embedding lookups (gathers), then elementwise affine transform
    scale = jnp.take(scale_weight, batch_idx, axis=0)
    shift = jnp.take(shift_weight, batch_idx, axis=0)
    return x * scale + shift

if __name__ == "__main__":
    import jax
    _d = setup_inputs()
    print(jax.jit(kernel)(*tuple(_d.values())))

</pallas_src>

<mosaic_0001>
#map = affine_map<(d0, d1) -> (0, 0)>
#map1 = affine_map<(d0, d1) -> (0)>
module attributes {stable_mosaic.version = 14 : i64} {
  func.func @_plane_affine(%arg0: i32, %arg1: i32, %arg2: memref<64x16384xf32, #tpu.memory_space<hbm>>, %arg3: memref<16384xi32, #tpu.memory_space<hbm>>, %arg4: memref<64x100000xf32, #tpu.memory_space<hbm>>, %arg5: memref<64x100000xf32, #tpu.memory_space<hbm>>, %arg6: memref<64x16384xf32, #tpu.memory_space<hbm>>, %arg7: memref<100000xf32, #tpu.memory_space<vmem>>, %arg8: memref<16384xf32, #tpu.memory_space<vmem>>, %arg9: memref<2048xi32, #tpu.memory_space<vmem>>, %arg10: memref<2048xi32, #tpu.memory_space<vmem>>, %arg11: memref<2048xi32, #tpu.memory_space<vmem>>, %arg12: memref<2048xi32, #tpu.memory_space<vmem>>, %arg13: memref<2048xi32, #tpu.memory_space<vmem>>, %arg14: memref<2048xi32, #tpu.memory_space<vmem>>, %arg15: memref<!tpu.dma_semaphore, #tpu.memory_space<semaphore_mem>>, %arg16: memref<!tpu.dma_semaphore, #tpu.memory_space<semaphore_mem>>, %arg17: memref<!tpu.dma_semaphore, #tpu.memory_space<semaphore_mem>>, %arg18: memref<!tpu.dma_semaphore, #tpu.memory_space<semaphore_mem>>, %arg19: memref<!tpu.dma_semaphore, #tpu.memory_space<semaphore_mem>>, %arg20: memref<!tpu.dma_semaphore, #tpu.memory_space<semaphore_mem>>, %arg21: memref<!tpu.dma_semaphore, #tpu.memory_space<semaphore_mem>>, %arg22: memref<!tpu.dma_semaphore, #tpu.memory_space<semaphore_mem>>, %arg23: memref<!tpu.dma_semaphore, #tpu.memory_space<semaphore_mem>>) attributes {dimension_semantics = [#tpu.dimension_semantics<core_parallel>, #tpu.dimension_semantics<subcore_parallel>], iteration_bounds = array<i64: 2, 16>, scalar_prefetch = 0 : i64, scratch_operands = 17 : i64, tpu.core_type = #tpu.core_type<sc_vector_subcore>, window_params = [{transform_indices = #map}, {transform_indices = #map1}, {transform_indices = #map}, {transform_indices = #map}, {transform_indices = #map}]} {
    %mul3A = arith.constant 2 : i32
    %mul3A_0 = arith.muli %arg1, %mul3A : i32
    %add3A = arith.addi %mul3A_0, %arg0 : i32
    %dma_start3A = arith.constant 0 : i32
    %dma_start3A_1 = tpu.memref_slice %arg3[%dma_start3A] : memref<16384xi32, #tpu.memory_space<hbm>> -> memref<2048xi32, #tpu.memory_space<hbm>>
    %dma_start3A_2 = arith.constant 0 : i32
    %dma_start3A_3 = tpu.memref_slice %arg3[%dma_start3A_2] : memref<16384xi32, #tpu.memory_space<hbm>> -> memref<2048xi32, #tpu.memory_space<hbm>>
    tpu.enqueue_dma source(%dma_start3A_3 : memref<2048xi32, #tpu.memory_space<hbm>>) target(%arg9 : memref<2048xi32, #tpu.memory_space<vmem>>) target_semaphore(%arg17 : memref<!tpu.dma_semaphore, #tpu.memory_space<semaphore_mem>>)
    %dma_start3A_4 = arith.constant 2048 : i32
    %dma_start3A_5 = tpu.memref_slice %arg3[%dma_start3A_4] : memref<16384xi32, #tpu.memory_space<hbm>> -> memref<2048xi32, #tpu.memory_space<hbm>>
    %dma_start3A_6 = arith.constant 2048 : i32
    %dma_start3A_7 = tpu.memref_slice %arg3[%dma_start3A_6] : memref<16384xi32, #tpu.memory_space<hbm>> -> memref<2048xi32, #tpu.memory_space<hbm>>
    tpu.enqueue_dma source(%dma_start3A_7 : memref<2048xi32, #tpu.memory_space<hbm>>) target(%arg10 : memref<2048xi32, #tpu.memory_space<vmem>>) target_semaphore(%arg18 : memref<!tpu.dma_semaphore, #tpu.memory_space<semaphore_mem>>)
    %dma_start3A_8 = arith.constant 4096 : i32
    %dma_start3A_9 = tpu.memref_slice %arg3[%dma_start3A_8] : memref<16384xi32, #tpu.memory_space<hbm>> -> memref<2048xi32, #tpu.memory_space<hbm>>
    %dma_start3A_10 = arith.constant 4096 : i32
    %dma_start3A_11 = tpu.memref_slice %arg3[%dma_start3A_10] : memref<16384xi32, #tpu.memory_space<hbm>> -> memref<2048xi32, #tpu.memory_space<hbm>>
    tpu.enqueue_dma source(%dma_start3A_11 : memref<2048xi32, #tpu.memory_space<hbm>>) target(%arg11 : memref<2048xi32, #tpu.memory_space<vmem>>) target_semaphore(%arg19 : memref<!tpu.dma_semaphore, #tpu.memory_space<semaphore_mem>>)
    %dma_start3A_12 = arith.constant 6144 : i32
    %dma_start3A_13 = tpu.memref_slice %arg3[%dma_start3A_12] : memref<16384xi32, #tpu.memory_space<hbm>> -> memref<2048xi32, #tpu.memory_space<hbm>>
    %dma_start3A_14 = arith.constant 6144 : i32
    %dma_start3A_15 = tpu.memref_slice %arg3[%dma_start3A_14] : memref<16384xi32, #tpu.memory_space<hbm>> -> memref<2048xi32, #tpu.memory_space<hbm>>
    tpu.enqueue_dma source(%dma_start3A_15 : memref<2048xi32, #tpu.memory_space<hbm>>) target(%arg12 : memref<2048xi32, #tpu.memory_space<vmem>>) target_semaphore(%arg20 : memref<!tpu.dma_semaphore, #tpu.memory_space<semaphore_mem>>)
    %dma_start3A_16 = arith.constant 8192 : i32
    %dma_start3A_17 = tpu.memref_slice %arg3[%dma_start3A_16] : memref<16384xi32, #tpu.memory_space<hbm>> -> memref<2048xi32, #tpu.memory_space<hbm>>
    %dma_start3A_18 = arith.constant 8192 : i32
    %dma_start3A_19 = tpu.memref_slice %arg3[%dma_start3A_18] : memref<16384xi32, #tpu.memory_space<hbm>> -> memref<2048xi32, #tpu.memory_space<hbm>>
    tpu.enqueue_dma source(%dma_start3A_19 : memref<2048xi32, #tpu.memory_space<hbm>>) target(%arg13 : memref<2048xi32, #tpu.memory_space<vmem>>) target_semaphore(%arg21 : memref<!tpu.dma_semaphore, #tpu.memory_space<semaphore_mem>>)
    %dma_start3A_20 = arith.constant 10240 : i32
    %dma_start3A_21 = tpu.memref_slice %arg3[%dma_start3A_20] : memref<16384xi32, #tpu.memory_space<hbm>> -> memref<2048xi32, #tpu.memory_space<hbm>>
    %dma_start3A_22 = arith.constant 10240 : i32
    %dma_start3A_23 = tpu.memref_slice %arg3[%dma_start3A_22] : memref<16384xi32, #tpu.memory_space<hbm>> -> memref<2048xi32, #tpu.memory_space<hbm>>
    tpu.enqueue_dma source(%dma_start3A_23 : memref<2048xi32, #tpu.memory_space<hbm>>) target(%arg14 : memref<2048xi32, #tpu.memory_space<vmem>>) target_semaphore(%arg22 : memref<!tpu.dma_semaphore, #tpu.memory_space<semaphore_mem>>)
    %mul3A_24 = arith.constant 2 : i32
    %mul3A_25 = arith.muli %add3A, %mul3A_24 : i32
    %add3A_26 = arith.constant 0 : i32
    %add3A_27 = arith.addi %mul3A_25, %add3A_26 : i32
    %dma_start3A_28 = arith.constant 0 : i32
    %dma_start3A_29 = tpu.memref_slice %arg2[%add3A_27, %dma_start3A_28] : memref<64x16384xf32, #tpu.memory_space<hbm>> -> memref<1x16384xf32, #tpu.memory_space<hbm>>
    %dma_start3A_30 = tpu.memref_squeeze %dma_start3A_29 : memref<1x16384xf32, #tpu.memory_space<hbm>> -> memref<16384xf32, #tpu.memory_space<hbm>>
    %dma_start3A_31 = arith.constant 0 : i32
    %dma_start3A_32 = tpu.memref_slice %arg2[%add3A_27, %dma_start3A_31] : memref<64x16384xf32, #tpu.memory_space<hbm>> -> memref<1x16384xf32, #tpu.memory_space<hbm>>
    %dma_start3A_33 = tpu.memref_squeeze %dma_start3A_32 : memref<1x16384xf32, #tpu.memory_space<hbm>> -> memref<16384xf32, #tpu.memory_space<hbm>>
    tpu.enqueue_dma source(%dma_start3A_33 : memref<16384xf32, #tpu.memory_space<hbm>>) target(%arg8 : memref<16384xf32, #tpu.memory_space<vmem>>) target_semaphore(%arg16 : memref<!tpu.dma_semaphore, #tpu.memory_space<semaphore_mem>>)
    %dma_start3A_34 = arith.constant 0 : i32
    %dma_start3A_35 = tpu.memref_slice %arg4[%add3A_27, %dma_start3A_34] : memref<64x100000xf32, #tpu.memory_space<hbm>> -> memref<1x100000xf32, #tpu.memory_space<hbm>>
    %dma_start3A_36 = tpu.memref_squeeze %dma_start3A_35 : memref<1x100000xf32, #tpu.memory_space<hbm>> -> memref<100000xf32, #tpu.memory_space<hbm>>
    %dma_start3A_37 = arith.constant 0 : i32
    %dma_start3A_38 = tpu.memref_slice %arg4[%add3A_27, %dma_start3A_37] : memref<64x100000xf32, #tpu.memory_space<hbm>> -> memref<1x100000xf32, #tpu.memory_space<hbm>>
    %dma_start3A_39 = tpu.memref_squeeze %dma_start3A_38 : memref<1x100000xf32, #tpu.memory_space<hbm>> -> memref<100000xf32, #tpu.memory_space<hbm>>
    tpu.enqueue_dma source(%dma_start3A_39 : memref<100000xf32, #tpu.memory_space<hbm>>) target(%arg7 : memref<100000xf32, #tpu.memory_space<vmem>>) target_semaphore(%arg15 : memref<!tpu.dma_semaphore, #tpu.memory_space<semaphore_mem>>)
    %dma_wait3A = arith.constant 0 : i32
    %dma_wait3A_40 = tpu.memref_slice %arg4[%add3A_27, %dma_wait3A] : memref<64x100000xf32, #tpu.memory_space<hbm>> -> memref<1x100000xf32, #tpu.memory_space<hbm>>
    %dma_wait3A_41 = tpu.memref_squeeze %dma_wait3A_40 : memref<1x100000xf32, #tpu.memory_space<hbm>> -> memref<100000xf32, #tpu.memory_space<hbm>>
    %dma_wait3A_42 = arith.constant 0 : i32
    %dma_wait3A_43 = tpu.memref_slice %arg4[%add3A_27, %dma_wait3A_42] : memref<64x100000xf32, #tpu.memory_space<hbm>> -> memref<1x100000xf32, #tpu.memory_space<hbm>>
    %dma_wait3A_44 = tpu.memref_squeeze %dma_wait3A_43 : memref<1x100000xf32, #tpu.memory_space<hbm>> -> memref<100000xf32, #tpu.memory_space<hbm>>
    tpu.wait_dma2 semaphore(%arg15 : memref<!tpu.dma_semaphore, #tpu.memory_space<semaphore_mem>>) src(%dma_wait3A_44 : memref<100000xf32, #tpu.memory_space<hbm>>) dst(%arg7 : memref<100000xf32, #tpu.memory_space<vmem>>)
    %dma_wait3A_45 = arith.constant 0 : i32
    %dma_wait3A_46 = tpu.memref_slice %arg2[%add3A_27, %dma_wait3A_45] : memref<64x16384xf32, #tpu.memory_space<hbm>> -> memref<1x16384xf32, #tpu.memory_space<hbm>>
    %dma_wait3A_47 = tpu.memref_squeeze %dma_wait3A_46 : memref<1x16384xf32, #tpu.memory_space<hbm>> -> memref<16384xf32, #tpu.memory_space<hbm>>
    %dma_wait3A_48 = arith.constant 0 : i32
    %dma_wait3A_49 = tpu.memref_slice %arg2[%add3A_27, %dma_wait3A_48] : memref<64x16384xf32, #tpu.memory_space<hbm>> -> memref<1x16384xf32, #tpu.memory_space<hbm>>
    %dma_wait3A_50 = tpu.memref_squeeze %dma_wait3A_49 : memref<1x16384xf32, #tpu.memory_space<hbm>> -> memref<16384xf32, #tpu.memory_space<hbm>>
    tpu.wait_dma2 semaphore(%arg16 : memref<!tpu.dma_semaphore, #tpu.memory_space<semaphore_mem>>) src(%dma_wait3A_50 : memref<16384xf32, #tpu.memory_space<hbm>>) dst(%arg8 : memref<16384xf32, #tpu.memory_space<vmem>>)
    %dma_wait3A_51 = arith.constant 0 : i32
    %dma_wait3A_52 = tpu.memref_slice %arg3[%dma_wait3A_51] : memref<16384xi32, #tpu.memory_space<hbm>> -> memref<2048xi32, #tpu.memory_space<hbm>>
    %dma_wait3A_53 = arith.constant 0 : i32
    %dma_wait3A_54 = tpu.memref_slice %arg3[%dma_wait3A_53] : memref<16384xi32, #tpu.memory_space<hbm>> -> memref<2048xi32, #tpu.memory_space<hbm>>
    tpu.wait_dma2 semaphore(%arg17 : memref<!tpu.dma_semaphore, #tpu.memory_space<semaphore_mem>>) src(%dma_wait3A_54 : memref<2048xi32, #tpu.memory_space<hbm>>) dst(%arg9 : memref<2048xi32, #tpu.memory_space<vmem>>)
    %parallel_loop3A = arith.constant 0 : i32
    %parallel_loop3A_55 = arith.constant 2048 : i32
    %parallel_loop3A_56 = arith.constant 16 : i32
    scf.for %parallel_loop3A_502 = %parallel_loop3A to %parallel_loop3A_55 step %parallel_loop3A_56  : i32 {
      %parallel_loop3A_503 = arith.index_cast %parallel_loop3A_502 : i32 to index
      %parallel_loop3A_504 = tpu.vector_load %arg9[%parallel_loop3A_503] {strides = array<i32>} : memref<2048xi32, #tpu.memory_space<vmem>>, vector<16xi32>,
      %parallel_loop3A_505 = tpu.vector_load_idx %arg7[%parallel_loop3A_504] : memref<100000xf32, #tpu.memory_space<vmem>>[vector<16xi32>], vector<16xf32>,
      %parallel_loop3A_506 = arith.constant 0 : i32
      %parallel_loop3A_507 = arith.addi %parallel_loop3A_506, %parallel_loop3A_502 : i32
      %parallel_loop3A_508 = arith.index_cast %parallel_loop3A_507 : i32 to index
      %parallel_loop3A_509 = tpu.vector_load %arg8[%parallel_loop3A_508] {strides = array<i32>} : memref<16384xf32, #tpu.memory_space<vmem>>, vector<16xf32>,
      %parallel_loop3A_510 = arith.mulf %parallel_loop3A_509, %parallel_loop3A_505 : vector<16xf32>
      %parallel_loop3A_511 = arith.index_cast %parallel_loop3A_507 : i32 to index
      %parallel_loop3A_512 = tpu.vector_load %arg8[%parallel_loop3A_511] {strides = array<i32>} : memref<16384xf32, #tpu.memory_space<vmem>>, vector<16xf32>,
      tpu.vector_store %arg8[%parallel_loop3A_511], %parallel_loop3A_510 {strides = array<i32>} : memref<16384xf32, #tpu.memory_space<vmem>>, vector<16xf32>,
    } {sc.loop_unroll_factor = 8 : i64, sc.parallel_access}
    %dma_start3A_57 = arith.constant 12288 : i32
    %dma_start3A_58 = tpu.memref_slice %arg3[%dma_start3A_57] : memref<16384xi32, #tpu.memory_space<hbm>> -> memref<2048xi32, #tpu.memory_space<hbm>>
    %dma_start3A_59 = arith.constant 12288 : i32
    %dma_start3A_60 = tpu.memref_slice %arg3[%dma_start3A_59] : memref<16384xi32, #tpu.memory_space<hbm>> -> memref<2048xi32, #tpu.memory_space<hbm>>
    tpu.enqueue_dma source(%dma_start3A_60 : memref<2048xi32, #tpu.memory_space<hbm>>) target(%arg9 : memref<2048xi32, #tpu.memory_space<vmem>>) target_semaphore(%arg17 : memref<!tpu.dma_semaphore, #tpu.memory_space<semaphore_mem>>)
    %dma_wait3A_61 = arith.constant 0 : i32
    %dma_wait3A_62 = tpu.memref_slice %arg3[%dma_wait3A_61] : memref<16384xi32, #tpu.memory_space<hbm>> -> memref<2048xi32, #tpu.memory_space<hbm>>
    %dma_wait3A_63 = arith.constant 0 : i32
    %dma_wait3A_64 = tpu.memref_slice %arg3[%dma_wait3A_63] : memref<16384xi32, #tpu.memory_space<hbm>> -> memref<2048xi32, #tpu.memory_space<hbm>>
    tpu.wait_dma2 semaphore(%arg18 : memref<!tpu.dma_semaphore, #tpu.memory_space<semaphore_mem>>) src(%dma_wait3A_64 : memref<2048xi32, #tpu.memory_space<hbm>>) dst(%arg10 : memref<2048xi32, #tpu.memory_space<vmem>>)
    %parallel_loop3A_65 = arith.constant 0 : i32
    %parallel_loop3A_66 = arith.constant 2048 : i32
    %parallel_loop3A_67 = arith.constant 16 : i32
    scf.for %parallel_loop3A_502 = %parallel_loop3A_65 to %parallel_loop3A_66 step %parallel_loop3A_67  : i32 {
      %parallel_loop3A_503 = arith.index_cast %parallel_loop3A_502 : i32 to index
      %parallel_loop3A_504 = tpu.vector_load %arg10[%parallel_loop3A_503] {strides = array<i32>} : memref<2048xi32, #tpu.memory_space<vmem>>, vector<16xi32>,
      %parallel_loop3A_505 = tpu.vector_load_idx %arg7[%parallel_loop3A_504] : memref<100000xf32, #tpu.memory_space<vmem>>[vector<16xi32>], vector<16xf32>,
      %parallel_loop3A_506 = arith.constant 2048 : i32
      %parallel_loop3A_507 = arith.addi %parallel_loop3A_506, %parallel_loop3A_502 : i32
      %parallel_loop3A_508 = arith.index_cast %parallel_loop3A_507 : i32 to index
      %parallel_loop3A_509 = tpu.vector_load %arg8[%parallel_loop3A_508] {strides = array<i32>} : memref<16384xf32, #tpu.memory_space<vmem>>, vector<16xf32>,
      %parallel_loop3A_510 = arith.mulf %parallel_loop3A_509, %parallel_loop3A_505 : vector<16xf32>
      %parallel_loop3A_511 = arith.index_cast %parallel_loop3A_507 : i32 to index
      %parallel_loop3A_512 = tpu.vector_load %arg8[%parallel_loop3A_511] {strides = array<i32>} : memref<16384xf32, #tpu.memory_space<vmem>>, vector<16xf32>,
      tpu.vector_store %arg8[%parallel_loop3A_511], %parallel_loop3A_510 {strides = array<i32>} : memref<16384xf32, #tpu.memory_space<vmem>>, vector<16xf32>,
    } {sc.loop_unroll_factor = 8 : i64, sc.parallel_access}
    %dma_start3A_68 = arith.constant 14336 : i32
    %dma_start3A_69 = tpu.memref_slice %arg3[%dma_start3A_68] : memref<16384xi32, #tpu.memory_space<hbm>> -> memref<2048xi32, #tpu.memory_space<hbm>>
    %dma_start3A_70 = arith.constant 14336 : i32
    %dma_start3A_71 = tpu.memref_slice %arg3[%dma_start3A_70] : memref<16384xi32, #tpu.memory_space<hbm>> -> memref<2048xi32, #tpu.memory_space<hbm>>
    tpu.enqueue_dma source(%dma_start3A_71 : memref<2048xi32, #tpu.memory_space<hbm>>) target(%arg10 : memref<2048xi32, #tpu.memory_space<vmem>>) target_semaphore(%arg18 : memref<!tpu.dma_semaphore, #tpu.memory_space<semaphore_mem>>)
    %dma_wait3A_72 = arith.constant 0 : i32
    %dma_wait3A_73 = tpu.memref_slice %arg3[%dma_wait3A_72] : memref<16384xi32, #tpu.memory_space<hbm>> -> memref<2048xi32, #tpu.memory_space<hbm>>
    %dma_wait3A_74 = arith.constant 0 : i32
    %dma_wait3A_75 = tpu.memref_slice %arg3[%dma_wait3A_74] : memref<16384xi32, #tpu.memory_space<hbm>> -> memref<2048xi32, #tpu.memory_space<hbm>>
    tpu.wait_dma2 semaphore(%arg19 : memref<!tpu.dma_semaphore, #tpu.memory_space<semaphore_mem>>) src(%dma_wait3A_75 : memref<2048xi32, #tpu.memory_space<hbm>>) dst(%arg11 : memref<2048xi32, #tpu.memory_space<vmem>>)
    %parallel_loop3A_76 = arith.constant 0 : i32
    %parallel_loop3A_77 = arith.constant 2048 : i32
    %parallel_loop3A_78 = arith.constant 16 : i32
    scf.for %parallel_loop3A_502 = %parallel_loop3A_76 to %parallel_loop3A_77 step %parallel_loop3A_78  : i32 {
      %parallel_loop3A_503 = arith.index_cast %parallel_loop3A_502 : i32 to index
      %parallel_loop3A_504 = tpu.vector_load %arg11[%parallel_loop3A_503] {strides = array<i32>} : memref<2048xi32, #tpu.memory_space<vmem>>, vector<16xi32>,
      %parallel_loop3A_505 = tpu.vector_load_idx %arg7[%parallel_loop3A_504] : memref<100000xf32, #tpu.memory_space<vmem>>[vector<16xi32>], vector<16xf32>,
      %parallel_loop3A_506 = arith.constant 4096 : i32
      %parallel_loop3A_507 = arith.addi %parallel_loop3A_506, %parallel_loop3A_502 : i32
      %parallel_loop3A_508 = arith.index_cast %parallel_loop3A_507 : i32 to index
      %parallel_loop3A_509 = tpu.vector_load %arg8[%parallel_loop3A_508] {strides = array<i32>} : memref<16384xf32, #tpu.memory_space<vmem>>, vector<16xf32>,
      %parallel_loop3A_510 = arith.mulf %parallel_loop3A_509, %parallel_loop3A_505 : vector<16xf32>
      %parallel_loop3A_511 = arith.index_cast %parallel_loop3A_507 : i32 to index
      %parallel_loop3A_512 = tpu.vector_load %arg8[%parallel_loop3A_511] {strides = array<i32>} : memref<16384xf32, #tpu.memory_space<vmem>>, vector<16xf32>,
      tpu.vector_store %arg8[%parallel_loop3A_511], %parallel_loop3A_510 {strides = array<i32>} : memref<16384xf32, #tpu.memory_space<vmem>>, vector<16xf32>,
    } {sc.loop_unroll_factor = 8 : i64, sc.parallel_access}
    %dma_start3A_79 = arith.constant 0 : i32
    %dma_start3A_80 = tpu.memref_slice %arg3[%dma_start3A_79] : memref<16384xi32, #tpu.memory_space<hbm>> -> memref<2048xi32, #tpu.memory_space<hbm>>
    %dma_start3A_81 = arith.constant 0 : i32
    %dma_start3A_82 = tpu.memref_slice %arg3[%dma_start3A_81] : memref<16384xi32, #tpu.memory_space<hbm>> -> memref<2048xi32, #tpu.memory_space<hbm>>
    tpu.enqueue_dma source(%dma_start3A_82 : memref<2048xi32, #tpu.memory_space<hbm>>) target(%arg11 : memref<2048xi32, #tpu.memory_space<vmem>>) target_semaphore(%arg19 : memref<!tpu.dma_semaphore, #tpu.memory_space<semaphore_mem>>)
    %dma_wait3A_83 = arith.constant 0 : i32
    %dma_wait3A_84 = tpu.memref_slice %arg3[%dma_wait3A_83] : memref<16384xi32, #tpu.memory_space<hbm>> -> memref<2048xi32, #tpu.memory_space<hbm>>
    %dma_wait3A_85 = arith.constant 0 : i32
    %dma_wait3A_86 = tpu.memref_slice %arg3[%dma_wait3A_85] : memref<16384xi32, #tpu.memory_space<hbm>> -> memref<2048xi32, #tpu.memory_space<hbm>>
    tpu.wait_dma2 semaphore(%arg20 : memref<!tpu.dma_semaphore, #tpu.memory_space<semaphore_mem>>) src(%dma_wait3A_86 : memref<2048xi32, #tpu.memory_space<hbm>>) dst(%arg12 : memref<2048xi32, #tpu.memory_space<vmem>>)
    %parallel_loop3A_87 = arith.constant 0 : i32
    %parallel_loop3A_88 = arith.constant 2048 : i32
    %parallel_loop3A_89 = arith.constant 16 : i32
    scf.for %parallel_loop3A_502 = %parallel_loop3A_87 to %parallel_loop3A_88 step %parallel_loop3A_89  : i32 {
      %parallel_loop3A_503 = arith.index_cast %parallel_loop3A_502 : i32 to index
      %parallel_loop3A_504 = tpu.vector_load %arg12[%parallel_loop3A_503] {strides = array<i32>} : memref<2048xi32, #tpu.memory_space<vmem>>, vector<16xi32>,
      %parallel_loop3A_505 = tpu.vector_load_idx %arg7[%parallel_loop3A_504] : memref<100000xf32, #tpu.memory_space<vmem>>[vector<16xi32>], vector<16xf32>,
      %parallel_loop3A_506 = arith.constant 6144 : i32
      %parallel_loop3A_507 = arith.addi %parallel_loop3A_506, %parallel_loop3A_502 : i32
      %parallel_loop3A_508 = arith.index_cast %parallel_loop3A_507 : i32 to index
      %parallel_loop3A_509 = tpu.vector_load %arg8[%parallel_loop3A_508] {strides = array<i32>} : memref<16384xf32, #tpu.memory_space<vmem>>, vector<16xf32>,
      %parallel_loop3A_510 = arith.mulf %parallel_loop3A_509, %parallel_loop3A_505 : vector<16xf32>
      %parallel_loop3A_511 = arith.index_cast %parallel_loop3A_507 : i32 to index
      %parallel_loop3A_512 = tpu.vector_load %arg8[%parallel_loop3A_511] {strides = array<i32>} : memref<16384xf32, #tpu.memory_space<vmem>>, vector<16xf32>,
      tpu.vector_store %arg8[%parallel_loop3A_511], %parallel_loop3A_510 {strides = array<i32>} : memref<16384xf32, #tpu.memory_space<vmem>>, vector<16xf32>,
    } {sc.loop_unroll_factor = 8 : i64, sc.parallel_access}
    %dma_start3A_90 = arith.constant 2048 : i32
    %dma_start3A_91 = tpu.memref_slice %arg3[%dma_start3A_90] : memref<16384xi32, #tpu.memory_space<hbm>> -> memref<2048xi32, #tpu.memory_space<hbm>>
    %dma_start3A_92 = arith.constant 2048 : i32
    %dma_start3A_93 = tpu.memref_slice %arg3[%dma_start3A_92] : memref<16384xi32, #tpu.memory_space<hbm>> -> memref<2048xi32, #tpu.memory_space<hbm>>
    tpu.enqueue_dma source(%dma_start3A_93 : memref<2048xi32, #tpu.memory_space<hbm>>) target(%arg12 : memref<2048xi32, #tpu.memory_space<vmem>>) target_semaphore(%arg20 : memref<!tpu.dma_semaphore, #tpu.memory_space<semaphore_mem>>)
    %dma_wait3A_94 = arith.constant 0 : i32
    %dma_wait3A_95 = tpu.memref_slice %arg3[%dma_wait3A_94] : memref<16384xi32, #tpu.memory_space<hbm>> -> memref<2048xi32, #tpu.memory_space<hbm>>
    %dma_wait3A_96 = arith.constant 0 : i32
    %dma_wait3A_97 = tpu.memref_slice %arg3[%dma_wait3A_96] : memref<16384xi32, #tpu.memory_space<hbm>> -> memref<2048xi32, #tpu.memory_space<hbm>>
    tpu.wait_dma2 semaphore(%arg21 : memref<!tpu.dma_semaphore, #tpu.memory_space<semaphore_mem>>) src(%dma_wait3A_97 : memref<2048xi32, #tpu.memory_space<hbm>>) dst(%arg13 : memref<2048xi32, #tpu.memory_space<vmem>>)
    %parallel_loop3A_98 = arith.constant 0 : i32
    %parallel_loop3A_99 = arith.constant 2048 : i32
    %parallel_loop3A_100 = arith.constant 16 : i32
    scf.for %parallel_loop3A_502 = %parallel_loop3A_98 to %parallel_loop3A_99 step %parallel_loop3A_100  : i32 {
      %parallel_loop3A_503 = arith.index_cast %parallel_loop3A_502 : i32 to index
      %parallel_loop3A_504 = tpu.vector_load %arg13[%parallel_loop3A_503] {strides = array<i32>} : memref<2048xi32, #tpu.memory_space<vmem>>, vector<16xi32>,
      %parallel_loop3A_505 = tpu.vector_load_idx %arg7[%parallel_loop3A_504] : memref<100000xf32, #tpu.memory_space<vmem>>[vector<16xi32>], vector<16xf32>,
      %parallel_loop3A_506 = arith.constant 8192 : i32
      %parallel_loop3A_507 = arith.addi %parallel_loop3A_506, %parallel_loop3A_502 : i32
      %parallel_loop3A_508 = arith.index_cast %parallel_loop3A_507 : i32 to index
      %parallel_loop3A_509 = tpu.vector_load %arg8[%parallel_loop3A_508] {strides = array<i32>} : memref<16384xf32, #tpu.memory_space<vmem>>, vector<16xf32>,
      %parallel_loop3A_510 = arith.mulf %parallel_loop3A_509, %parallel_loop3A_505 : vector<16xf32>
      %parallel_loop3A_511 = arith.index_cast %parallel_loop3A_507 : i32 to index
      %parallel_loop3A_512 = tpu.vector_load %arg8[%parallel_loop3A_511] {strides = array<i32>} : memref<16384xf32, #tpu.memory_space<vmem>>, vector<16xf32>,
      tpu.vector_store %arg8[%parallel_loop3A_511], %parallel_loop3A_510 {strides = array<i32>} : memref<16384xf32, #tpu.memory_space<vmem>>, vector<16xf32>,
    } {sc.loop_unroll_factor = 8 : i64, sc.parallel_access}
    %dma_start3A_101 = arith.constant 4096 : i32
    %dma_start3A_102 = tpu.memref_slice %arg3[%dma_start3A_101] : memref<16384xi32, #tpu.memory_space<hbm>> -> memref<2048xi32, #tpu.memory_space<hbm>>
    %dma_start3A_103 = arith.constant 4096 : i32
    %dma_start3A_104 = tpu.memref_slice %arg3[%dma_start3A_103] : memref<16384xi32, #tpu.memory_space<hbm>> -> memref<2048xi32, #tpu.memory_space<hbm>>
    tpu.enqueue_dma source(%dma_start3A_104 : memref<2048xi32, #tpu.memory_space<hbm>>) target(%arg13 : memref<2048xi32, #tpu.memory_space<vmem>>) target_semaphore(%arg21 : memref<!tpu.dma_semaphore, #tpu.memory_space<semaphore_mem>>)
    %dma_wait3A_105 = arith.constant 0 : i32
    %dma_wait3A_106 = tpu.memref_slice %arg3[%dma_wait3A_105] : memref<16384xi32, #tpu.memory_space<hbm>> -> memref<2048xi32, #tpu.memory_space<hbm>>
    %dma_wait3A_107 = arith.constant 0 : i32
    %dma_wait3A_108 = tpu.memref_slice %arg3[%dma_wait3A_107] : memref<16384xi32, #tpu.memory_space<hbm>> -> memref<2048xi32, #tpu.memory_space<hbm>>
    tpu.wait_dma2 semaphore(%arg22 : memref<!tpu.dma_semaphore, #tpu.memory_space<semaphore_mem>>) src(%dma_wait3A_108 : memref<2048xi32, #tpu.memory_space<hbm>>) dst(%arg14 : memref<2048xi32, #tpu.memory_space<vmem>>)
    %parallel_loop3A_109 = arith.constant 0 : i32
    %parallel_loop3A_110 = arith.constant 2048 : i32
    %parallel_loop3A_111 = arith.constant 16 : i32
    scf.for %parallel_loop3A_502 = %parallel_loop3A_109 to %parallel_loop3A_110 step %parallel_loop3A_111  : i32 {
      %parallel_loop3A_503 = arith.index_cast %parallel_loop3A_502 : i32 to index
      %parallel_loop3A_504 = tpu.vector_load %arg14[%parallel_loop3A_503] {strides = array<i32>} : memref<2048xi32, #tpu.memory_space<vmem>>, vector<16xi32>,
      %parallel_loop3A_505 = tpu.vector_load_idx %arg7[%parallel_loop3A_504] : memref<100000xf32, #tpu.memory_space<vmem>>[vector<16xi32>], vector<16xf32>,
      %parallel_loop3A_506 = arith.constant 10240 : i32
      %parallel_loop3A_507 = arith.addi %parallel_loop3A_506, %parallel_loop3A_502 : i32
      %parallel_loop3A_508 = arith.index_cast %parallel_loop3A_507 : i32 to index
      %parallel_loop3A_509 = tpu.vector_load %arg8[%parallel_loop3A_508] {strides = array<i32>} : memref<16384xf32, #tpu.memory_space<vmem>>, vector<16xf32>,
      %parallel_loop3A_510 = arith.mulf %parallel_loop3A_509, %parallel_loop3A_505 : vector<16xf32>
      %parallel_loop3A_511 = arith.index_cast %parallel_loop3A_507 : i32 to index
      %parallel_loop3A_512 = tpu.vector_load %arg8[%parallel_loop3A_511] {strides = array<i32>} : memref<16384xf32, #tpu.memory_space<vmem>>, vector<16xf32>,
      tpu.vector_store %arg8[%parallel_loop3A_511], %parallel_loop3A_510 {strides = array<i32>} : memref<16384xf32, #tpu.memory_space<vmem>>, vector<16xf32>,
    } {sc.loop_unroll_factor = 8 : i64, sc.parallel_access}
    %dma_start3A_112 = arith.constant 6144 : i32
    %dma_start3A_113 = tpu.memref_slice %arg3[%dma_start3A_112] : memref<16384xi32, #tpu.memory_space<hbm>> -> memref<2048xi32, #tpu.memory_space<hbm>>
    %dma_start3A_114 = arith.constant 6144 : i32
    %dma_start3A_115 = tpu.memref_slice %arg3[%dma_start3A_114] : memref<16384xi32, #tpu.memory_space<hbm>> -> memref<2048xi32, #tpu.memory_space<hbm>>
    tpu.enqueue_dma source(%dma_start3A_115 : memref<2048xi32, #tpu.memory_space<hbm>>) target(%arg14 : memref<2048xi32, #tpu.memory_space<vmem>>) target_semaphore(%arg22 : memref<!tpu.dma_semaphore, #tpu.memory_space<semaphore_mem>>)
    %dma_wait3A_116 = arith.constant 0 : i32
    %dma_wait3A_117 = tpu.memref_slice %arg3[%dma_wait3A_116] : memref<16384xi32, #tpu.memory_space<hbm>> -> memref<2048xi32, #tpu.memory_space<hbm>>
    %dma_wait3A_118 = arith.constant 0 : i32
    %dma_wait3A_119 = tpu.memref_slice %arg3[%dma_wait3A_118] : memref<16384xi32, #tpu.memory_space<hbm>> -> memref<2048xi32, #tpu.memory_space<hbm>>
    tpu.wait_dma2 semaphore(%arg17 : memref<!tpu.dma_semaphore, #tpu.memory_space<semaphore_mem>>) src(%dma_wait3A_119 : memref<2048xi32, #tpu.memory_space<hbm>>) dst(%arg9 : memref<2048xi32, #tpu.memory_space<vmem>>)
    %parallel_loop3A_120 = arith.constant 0 : i32
    %parallel_loop3A_121 = arith.constant 2048 : i32
    %parallel_loop3A_122 = arith.constant 16 : i32
    scf.for %parallel_loop3A_502 = %parallel_loop3A_120 to %parallel_loop3A_121 step %parallel_loop3A_122  : i32 {
      %parallel_loop3A_503 = arith.index_cast %parallel_loop3A_502 : i32 to index
      %parallel_loop3A_504 = tpu.vector_load %arg9[%parallel_loop3A_503] {strides = array<i32>} : memref<2048xi32, #tpu.memory_space<vmem>>, vector<16xi32>,
      %parallel_loop3A_505 = tpu.vector_load_idx %arg7[%parallel_loop3A_504] : memref<100000xf32, #tpu.memory_space<vmem>>[vector<16xi32>], vector<16xf32>,
      %parallel_loop3A_506 = arith.constant 12288 : i32
      %parallel_loop3A_507 = arith.addi %parallel_loop3A_506, %parallel_loop3A_502 : i32
      %parallel_loop3A_508 = arith.index_cast %parallel_loop3A_507 : i32 to index
      %parallel_loop3A_509 = tpu.vector_load %arg8[%parallel_loop3A_508] {strides = array<i32>} : memref<16384xf32, #tpu.memory_space<vmem>>, vector<16xf32>,
      %parallel_loop3A_510 = arith.mulf %parallel_loop3A_509, %parallel_loop3A_505 : vector<16xf32>
      %parallel_loop3A_511 = arith.index_cast %parallel_loop3A_507 : i32 to index
      %parallel_loop3A_512 = tpu.vector_load %arg8[%parallel_loop3A_511] {strides = array<i32>} : memref<16384xf32, #tpu.memory_space<vmem>>, vector<16xf32>,
      tpu.vector_store %arg8[%parallel_loop3A_511], %parallel_loop3A_510 {strides = array<i32>} : memref<16384xf32, #tpu.memory_space<vmem>>, vector<16xf32>,
    } {sc.loop_unroll_factor = 8 : i64, sc.parallel_access}
    %dma_start3A_123 = arith.constant 8192 : i32
    %dma_start3A_124 = tpu.memref_slice %arg3[%dma_start3A_123] : memref<16384xi32, #tpu.memory_space<hbm>> -> memref<2048xi32, #tpu.memory_space<hbm>>
    %dma_start3A_125 = arith.constant 8192 : i32
    %dma_start3A_126 = tpu.memref_slice %arg3[%dma_start3A_125] : memref<16384xi32, #tpu.memory_space<hbm>> -> memref<2048xi32, #tpu.memory_space<hbm>>
    tpu.enqueue_dma source(%dma_start3A_126 : memref<2048xi32, #tpu.memory_space<hbm>>) target(%arg9 : memref<2048xi32, #tpu.memory_space<vmem>>) target_semaphore(%arg17 : memref<!tpu.dma_semaphore, #tpu.memory_space<semaphore_mem>>)
    %dma_wait3A_127 = arith.constant 0 : i32
    %dma_wait3A_128 = tpu.memref_slice %arg3[%dma_wait3A_127] : memref<16384xi32, #tpu.memory_space<hbm>> -> memref<2048xi32, #tpu.memory_space<hbm>>
    %dma_wait3A_129 = arith.constant 0 : i32
    %dma_wait3A_130 = tpu.memref_slice %arg3[%dma_wait3A_129] : memref<16384xi32, #tpu.memory_space<hbm>> -> memref<2048xi32, #tpu.memory_space<hbm>>
    tpu.wait_dma2 semaphore(%arg18 : memref<!tpu.dma_semaphore, #tpu.memory_space<semaphore_mem>>) src(%dma_wait3A_130 : memref<2048xi32, #tpu.memory_space<hbm>>) dst(%arg10 : memref<2048xi32, #tpu.memory_space<vmem>>)
    %parallel_loop3A_131 = arith.constant 0 : i32
    %parallel_loop3A_132 = arith.constant 2048 : i32
    %parallel_loop3A_133 = arith.constant 16 : i32
    scf.for %parallel_loop3A_502 = %parallel_loop3A_131 to %parallel_loop3A_132 step %parallel_loop3A_133  : i32 {
      %parallel_loop3A_503 = arith.index_cast %parallel_loop3A_502 : i32 to index
      %parallel_loop3A_504 = tpu.vector_load %arg10[%parallel_loop3A_503] {strides = array<i32>} : memref<2048xi32, #tpu.memory_space<vmem>>, vector<16xi32>,
      %parallel_loop3A_505 = tpu.vector_load_idx %arg7[%parallel_loop3A_504] : memref<100000xf32, #tpu.memory_space<vmem>>[vector<16xi32>], vector<16xf32>,
      %parallel_loop3A_506 = arith.constant 14336 : i32
      %parallel_loop3A_507 = arith.addi %parallel_loop3A_506, %parallel_loop3A_502 : i32
      %parallel_loop3A_508 = arith.index_cast %parallel_loop3A_507 : i32 to index
      %parallel_loop3A_509 = tpu.vector_load %arg8[%parallel_loop3A_508] {strides = array<i32>} : memref<16384xf32, #tpu.memory_space<vmem>>, vector<16xf32>,
      %parallel_loop3A_510 = arith.mulf %parallel_loop3A_509, %parallel_loop3A_505 : vector<16xf32>
      %parallel_loop3A_511 = arith.index_cast %parallel_loop3A_507 : i32 to index
      %parallel_loop3A_512 = tpu.vector_load %arg8[%parallel_loop3A_511] {strides = array<i32>} : memref<16384xf32, #tpu.memory_space<vmem>>, vector<16xf32>,
      tpu.vector_store %arg8[%parallel_loop3A_511], %parallel_loop3A_510 {strides = array<i32>} : memref<16384xf32, #tpu.memory_space<vmem>>, vector<16xf32>,
    } {sc.loop_unroll_factor = 8 : i64, sc.parallel_access}
    %dma_start3A_134 = arith.constant 10240 : i32
    %dma_start3A_135 = tpu.memref_slice %arg3[%dma_start3A_134] : memref<16384xi32, #tpu.memory_space<hbm>> -> memref<2048xi32, #tpu.memory_space<hbm>>
    %dma_start3A_136 = arith.constant 10240 : i32
    %dma_start3A_137 = tpu.memref_slice %arg3[%dma_start3A_136] : memref<16384xi32, #tpu.memory_space<hbm>> -> memref<2048xi32, #tpu.memory_space<hbm>>
    tpu.enqueue_dma source(%dma_start3A_137 : memref<2048xi32, #tpu.memory_space<hbm>>) target(%arg10 : memref<2048xi32, #tpu.memory_space<vmem>>) target_semaphore(%arg18 : memref<!tpu.dma_semaphore, #tpu.memory_space<semaphore_mem>>)
    %dma_start3A_138 = arith.constant 0 : i32
    %dma_start3A_139 = tpu.memref_slice %arg5[%add3A_27, %dma_start3A_138] : memref<64x100000xf32, #tpu.memory_space<hbm>> -> memref<1x100000xf32, #tpu.memory_space<hbm>>
    %dma_start3A_140 = tpu.memref_squeeze %dma_start3A_139 : memref<1x100000xf32, #tpu.memory_space<hbm>> -> memref<100000xf32, #tpu.memory_space<hbm>>
    %dma_start3A_141 = arith.constant 0 : i32
    %dma_start3A_142 = tpu.memref_slice %arg5[%add3A_27, %dma_start3A_141] : memref<64x100000xf32, #tpu.memory_space<hbm>> -> memref<1x100000xf32, #tpu.memory_space<hbm>>
    %dma_start3A_143 = tpu.memref_squeeze %dma_start3A_142 : memref<1x100000xf32, #tpu.memory_space<hbm>> -> memref<100000xf32, #tpu.memory_space<hbm>>
    tpu.enqueue_dma source(%dma_start3A_143 : memref<100000xf32, #tpu.memory_space<hbm>>) target(%arg7 : memref<100000xf32, #tpu.memory_space<vmem>>) target_semaphore(%arg15 : memref<!tpu.dma_semaphore, #tpu.memory_space<semaphore_mem>>)
    %dma_wait3A_144 = arith.constant 0 : i32
    %dma_wait3A_145 = tpu.memref_slice %arg5[%add3A_27, %dma_wait3A_144] : memref<64x100000xf32, #tpu.memory_space<hbm>> -> memref<1x100000xf32, #tpu.memory_space<hbm>>
    %dma_wait3A_146 = tpu.memref_squeeze %dma_wait3A_145 : memref<1x100000xf32, #tpu.memory_space<hbm>> -> memref<100000xf32, #tpu.memory_space<hbm>>
    %dma_wait3A_147 = arith.constant 0 : i32
    %dma_wait3A_148 = tpu.memref_slice %arg5[%add3A_27, %dma_wait3A_147] : memref<64x100000xf32, #tpu.memory_space<hbm>> -> memref<1x100000xf32, #tpu.memory_space<hbm>>
    %dma_wait3A_149 = tpu.memref_squeeze %dma_wait3A_148 : memref<1x100000xf32, #tpu.memory_space<hbm>> -> memref<100000xf32, #tpu.memory_space<hbm>>
    tpu.wait_dma2 semaphore(%arg15 : memref<!tpu.dma_semaphore, #tpu.memory_space<semaphore_mem>>) src(%dma_wait3A_149 : memref<100000xf32, #tpu.memory_space<hbm>>) dst(%arg7 : memref<100000xf32, #tpu.memory_space<vmem>>)
    %dma_wait3A_150 = arith.constant 0 : i32
    %dma_wait3A_151 = tpu.memref_slice %arg3[%dma_wait3A_150] : memref<16384xi32, #tpu.memory_space<hbm>> -> memref<2048xi32, #tpu.memory_space<hbm>>
    %dma_wait3A_152 = arith.constant 0 : i32
    %dma_wait3A_153 = tpu.memref_slice %arg3[%dma_wait3A_152] : memref<16384xi32, #tpu.memory_space<hbm>> -> memref<2048xi32, #tpu.memory_space<hbm>>
    tpu.wait_dma2 semaphore(%arg19 : memref<!tpu.dma_semaphore, #tpu.memory_space<semaphore_mem>>) src(%dma_wait3A_153 : memref<2048xi32, #tpu.memory_space<hbm>>) dst(%arg11 : memref<2048xi32, #tpu.memory_space<vmem>>)
    %parallel_loop3A_154 = arith.constant 0 : i32
    %parallel_loop3A_155 = arith.constant 2048 : i32
    %parallel_loop3A_156 = arith.constant 16 : i32
    scf.for %parallel_loop3A_502 = %parallel_loop3A_154 to %parallel_loop3A_155 step %parallel_loop3A_156  : i32 {
      %parallel_loop3A_503 = arith.index_cast %parallel_loop3A_502 : i32 to index
      %parallel_loop3A_504 = tpu.vector_load %arg11[%parallel_loop3A_503] {strides = array<i32>} : memref<2048xi32, #tpu.memory_space<vmem>>, vector<16xi32>,
      %parallel_loop3A_505 = tpu.vector_load_idx %arg7[%parallel_loop3A_504] : memref<100000xf32, #tpu.memory_space<vmem>>[vector<16xi32>], vector<16xf32>,
      %parallel_loop3A_506 = arith.constant 0 : i32
      %parallel_loop3A_507 = arith.addi %parallel_loop3A_506, %parallel_loop3A_502 : i32
      %parallel_loop3A_508 = arith.index_cast %parallel_loop3A_507 : i32 to index
      %parallel_loop3A_509 = tpu.vector_load %arg8[%parallel_loop3A_508] {strides = array<i32>} : memref<16384xf32, #tpu.memory_space<vmem>>, vector<16xf32>,
      %parallel_loop3A_510 = arith.addf %parallel_loop3A_509, %parallel_loop3A_505 : vector<16xf32>
      %parallel_loop3A_511 = arith.index_cast %parallel_loop3A_507 : i32 to index
      %parallel_loop3A_512 = tpu.vector_load %arg8[%parallel_loop3A_511] {strides = array<i32>} : memref<16384xf32, #tpu.memory_space<vmem>>, vector<16xf32>,
      tpu.vector_store %arg8[%parallel_loop3A_511], %parallel_loop3A_510 {strides = array<i32>} : memref<16384xf32, #tpu.memory_space<vmem>>, vector<16xf32>,
    } {sc.loop_unroll_factor = 8 : i64, sc.parallel_access}
    %dma_start3A_157 = arith.constant 12288 : i32
    %dma_start3A_158 = tpu.memref_slice %arg3[%dma_start3A_157] : memref<16384xi32, #tpu.memory_space<hbm>> -> memref<2048xi32, #tpu.memory_space<hbm>>
    %dma_start3A_159 = arith.constant 12288 : i32
    %dma_start3A_160 = tpu.memref_slice %arg3[%dma_start3A_159] : memref<16384xi32, #tpu.memory_space<hbm>> -> memref<2048xi32, #tpu.memory_space<hbm>>
    tpu.enqueue_dma source(%dma_start3A_160 : memref<2048xi32, #tpu.memory_space<hbm>>) target(%arg11 : memref<2048xi32, #tpu.memory_space<vmem>>) target_semaphore(%arg19 : memref<!tpu.dma_semaphore, #tpu.memory_space<semaphore_mem>>)
    %dma_wait3A_161 = arith.constant 0 : i32
    %dma_wait3A_162 = tpu.memref_slice %arg3[%dma_wait3A_161] : memref<16384xi32, #tpu.memory_space<hbm>> -> memref<2048xi32, #tpu.memory_space<hbm>>
    %dma_wait3A_163 = arith.constant 0 : i32
    %dma_wait3A_164 = tpu.memref_slice %arg3[%dma_wait3A_163] : memref<16384xi32, #tpu.memory_space<hbm>> -> memref<2048xi32, #tpu.memory_space<hbm>>
    tpu.wait_dma2 semaphore(%arg20 : memref<!tpu.dma_semaphore, #tpu.memory_space<semaphore_mem>>) src(%dma_wait3A_164 : memref<2048xi32, #tpu.memory_space<hbm>>) dst(%arg12 : memref<2048xi32, #tpu.memory_space<vmem>>)
    %parallel_loop3A_165 = arith.constant 0 : i32
    %parallel_loop3A_166 = arith.constant 2048 : i32
    %parallel_loop3A_167 = arith.constant 16 : i32
    scf.for %parallel_loop3A_502 = %parallel_loop3A_165 to %parallel_loop3A_166 step %parallel_loop3A_167  : i32 {
      %parallel_loop3A_503 = arith.index_cast %parallel_loop3A_502 : i32 to index
      %parallel_loop3A_504 = tpu.vector_load %arg12[%parallel_loop3A_503] {strides = array<i32>} : memref<2048xi32, #tpu.memory_space<vmem>>, vector<16xi32>,
      %parallel_loop3A_505 = tpu.vector_load_idx %arg7[%parallel_loop3A_504] : memref<100000xf32, #tpu.memory_space<vmem>>[vector<16xi32>], vector<16xf32>,
      %parallel_loop3A_506 = arith.constant 2048 : i32
      %parallel_loop3A_507 = arith.addi %parallel_loop3A_506, %parallel_loop3A_502 : i32
      %parallel_loop3A_508 = arith.index_cast %parallel_loop3A_507 : i32 to index
      %parallel_loop3A_509 = tpu.vector_load %arg8[%parallel_loop3A_508] {strides = array<i32>} : memref<16384xf32, #tpu.memory_space<vmem>>, vector<16xf32>,
      %parallel_loop3A_510 = arith.addf %parallel_loop3A_509, %parallel_loop3A_505 : vector<16xf32>
      %parallel_loop3A_511 = arith.index_cast %parallel_loop3A_507 : i32 to index
      %parallel_loop3A_512 = tpu.vector_load %arg8[%parallel_loop3A_511] {strides = array<i32>} : memref<16384xf32, #tpu.memory_space<vmem>>, vector<16xf32>,
      tpu.vector_store %arg8[%parallel_loop3A_511], %parallel_loop3A_510 {strides = array<i32>} : memref<16384xf32, #tpu.memory_space<vmem>>, vector<16xf32>,
    } {sc.loop_unroll_factor = 8 : i64, sc.parallel_access}
    %dma_start3A_168 = arith.constant 14336 : i32
    %dma_start3A_169 = tpu.memref_slice %arg3[%dma_start3A_168] : memref<16384xi32, #tpu.memory_space<hbm>> -> memref<2048xi32, #tpu.memory_space<hbm>>
    %dma_start3A_170 = arith.constant 14336 : i32
    %dma_start3A_171 = tpu.memref_slice %arg3[%dma_start3A_170] : memref<16384xi32, #tpu.memory_space<hbm>> -> memref<2048xi32, #tpu.memory_space<hbm>>
    tpu.enqueue_dma source(%dma_start3A_171 : memref<2048xi32, #tpu.memory_space<hbm>>) target(%arg12 : memref<2048xi32, #tpu.memory_space<vmem>>) target_semaphore(%arg20 : memref<!tpu.dma_semaphore, #tpu.memory_space<semaphore_mem>>)
    %dma_wait3A_172 = arith.constant 0 : i32
    %dma_wait3A_173 = tpu.memref_slice %arg3[%dma_wait3A_172] : memref<16384xi32, #tpu.memory_space<hbm>> -> memref<2048xi32, #tpu.memory_space<hbm>>
    %dma_wait3A_174 = arith.constant 0 : i32
    %dma_wait3A_175 = tpu.memref_slice %arg3[%dma_wait3A_174] : memref<16384xi32, #tpu.memory_space<hbm>> -> memref<2048xi32, #tpu.memory_space<hbm>>
    tpu.wait_dma2 semaphore(%arg21 : memref<!tpu.dma_semaphore, #tpu.memory_space<semaphore_mem>>) src(%dma_wait3A_175 : memref<2048xi32, #tpu.memory_space<hbm>>) dst(%arg13 : memref<2048xi32, #tpu.memory_space<vmem>>)
    %parallel_loop3A_176 = arith.constant 0 : i32
    %parallel_loop3A_177 = arith.constant 2048 : i32
    %parallel_loop3A_178 = arith.constant 16 : i32
    scf.for %parallel_loop3A_502 = %parallel_loop3A_176 to %parallel_loop3A_177 step %parallel_loop3A_178  : i32 {
      %parallel_loop3A_503 = arith.index_cast %parallel_loop3A_502 : i32 to index
      %parallel_loop3A_504 = tpu.vector_load %arg13[%parallel_loop3A_503] {strides = array<i32>} : memref<2048xi32, #tpu.memory_space<vmem>>, vector<16xi32>,
      %parallel_loop3A_505 = tpu.vector_load_idx %arg7[%parallel_loop3A_504] : memref<100000xf32, #tpu.memory_space<vmem>>[vector<16xi32>], vector<16xf32>,
      %parallel_loop3A_506 = arith.constant 4096 : i32
      %parallel_loop3A_507 = arith.addi %parallel_loop3A_506, %parallel_loop3A_502 : i32
      %parallel_loop3A_508 = arith.index_cast %parallel_loop3A_507 : i32 to index
      %parallel_loop3A_509 = tpu.vector_load %arg8[%parallel_loop3A_508] {strides = array<i32>} : memref<16384xf32, #tpu.memory_space<vmem>>, vector<16xf32>,
      %parallel_loop3A_510 = arith.addf %parallel_loop3A_509, %parallel_loop3A_505 : vector<16xf32>
      %parallel_loop3A_511 = arith.index_cast %parallel_loop3A_507 : i32 to index
      %parallel_loop3A_512 = tpu.vector_load %arg8[%parallel_loop3A_511] {strides = array<i32>} : memref<16384xf32, #tpu.memory_space<vmem>>, vector<16xf32>,
      tpu.vector_store %arg8[%parallel_loop3A_511], %parallel_loop3A_510 {strides = array<i32>} : memref<16384xf32, #tpu.memory_space<vmem>>, vector<16xf32>,
    } {sc.loop_unroll_factor = 8 : i64, sc.parallel_access}
    %dma_start3A_179 = arith.constant 0 : i32
    %dma_start3A_180 = tpu.memref_slice %arg3[%dma_start3A_179] : memref<16384xi32, #tpu.memory_space<hbm>> -> memref<2048xi32, #tpu.memory_space<hbm>>
    %dma_start3A_181 = arith.constant 0 : i32
    %dma_start3A_182 = tpu.memref_slice %arg3[%dma_start3A_181] : memref<16384xi32, #tpu.memory_space<hbm>> -> memref<2048xi32, #tpu.memory_space<hbm>>
    tpu.enqueue_dma source(%dma_start3A_182 : memref<2048xi32, #tpu.memory_space<hbm>>) target(%arg13 : memref<2048xi32, #tpu.memory_space<vmem>>) target_semaphore(%arg21 : memref<!tpu.dma_semaphore, #tpu.memory_space<semaphore_mem>>)
    %dma_wait3A_183 = arith.constant 0 : i32
    %dma_wait3A_184 = tpu.memref_slice %arg3[%dma_wait3A_183] : memref<16384xi32, #tpu.memory_space<hbm>> -> memref<2048xi32, #tpu.memory_space<hbm>>
    %dma_wait3A_185 = arith.constant 0 : i32
    %dma_wait3A_186 = tpu.memref_slice %arg3[%dma_wait3A_185] : memref<16384xi32, #tpu.memory_space<hbm>> -> memref<2048xi32, #tpu.memory_space<hbm>>
    tpu.wait_dma2 semaphore(%arg22 : memref<!tpu.dma_semaphore, #tpu.memory_space<semaphore_mem>>) src(%dma_wait3A_186 : memref<2048xi32, #tpu.memory_space<hbm>>) dst(%arg14 : memref<2048xi32, #tpu.memory_space<vmem>>)
    %parallel_loop3A_187 = arith.constant 0 : i32
    %parallel_loop3A_188 = arith.constant 2048 : i32
    %parallel_loop3A_189 = arith.constant 16 : i32
    scf.for %parallel_loop3A_502 = %parallel_loop3A_187 to %parallel_loop3A_188 step %parallel_loop3A_189  : i32 {
      %parallel_loop3A_503 = arith.index_cast %parallel_loop3A_502 : i32 to index
      %parallel_loop3A_504 = tpu.vector_load %arg14[%parallel_loop3A_503] {strides = array<i32>} : memref<2048xi32, #tpu.memory_space<vmem>>, vector<16xi32>,
      %parallel_loop3A_505 = tpu.vector_load_idx %arg7[%parallel_loop3A_504] : memref<100000xf32, #tpu.memory_space<vmem>>[vector<16xi32>], vector<16xf32>,
      %parallel_loop3A_506 = arith.constant 6144 : i32
      %parallel_loop3A_507 = arith.addi %parallel_loop3A_506, %parallel_loop3A_502 : i32
      %parallel_loop3A_508 = arith.index_cast %parallel_loop3A_507 : i32 to index
      %parallel_loop3A_509 = tpu.vector_load %arg8[%parallel_loop3A_508] {strides = array<i32>} : memref<16384xf32, #tpu.memory_space<vmem>>, vector<16xf32>,
      %parallel_loop3A_510 = arith.addf %parallel_loop3A_509, %parallel_loop3A_505 : vector<16xf32>
      %parallel_loop3A_511 = arith.index_cast %parallel_loop3A_507 : i32 to index
      %parallel_loop3A_512 = tpu.vector_load %arg8[%parallel_loop3A_511] {strides = array<i32>} : memref<16384xf32, #tpu.memory_space<vmem>>, vector<16xf32>,
      tpu.vector_store %arg8[%parallel_loop3A_511], %parallel_loop3A_510 {strides = array<i32>} : memref<16384xf32, #tpu.memory_space<vmem>>, vector<16xf32>,
    } {sc.loop_unroll_factor = 8 : i64, sc.parallel_access}
    %dma_start3A_190 = arith.constant 2048 : i32
    %dma_start3A_191 = tpu.memref_slice %arg3[%dma_start3A_190] : memref<16384xi32, #tpu.memory_space<hbm>> -> memref<2048xi32, #tpu.memory_space<hbm>>
    %dma_start3A_192 = arith.constant 2048 : i32
    %dma_start3A_193 = tpu.memref_slice %arg3[%dma_start3A_192] : memref<16384xi32, #tpu.memory_space<hbm>> -> memref<2048xi32, #tpu.memory_space<hbm>>
    tpu.enqueue_dma source(%dma_start3A_193 : memref<2048xi32, #tpu.memory_space<hbm>>) target(%arg14 : memref<2048xi32, #tpu.memory_space<vmem>>) target_semaphore(%arg22 : memref<!tpu.dma_semaphore, #tpu.memory_space<semaphore_mem>>)
    %dma_wait3A_194 = arith.constant 0 : i32
    %dma_wait3A_195 = tpu.memref_slice %arg3[%dma_wait3A_194] : memref<16384xi32, #tpu.memory_space<hbm>> -> memref<2048xi32, #tpu.memory_space<hbm>>
    %dma_wait3A_196 = arith.constant 0 : i32
    %dma_wait3A_197 = tpu.memref_slice %arg3[%dma_wait3A_196] : memref<16384xi32, #tpu.memory_space<hbm>> -> memref<2048xi32, #tpu.memory_space<hbm>>
    tpu.wait_dma2 semaphore(%arg17 : memref<!tpu.dma_semaphore, #tpu.memory_space<semaphore_mem>>) src(%dma_wait3A_197 : memref<2048xi32, #tpu.memory_space<hbm>>) dst(%arg9 : memref<2048xi32, #tpu.memory_space<vmem>>)
    %parallel_loop3A_198 = arith.constant 0 : i32
    %parallel_loop3A_199 = arith.constant 2048 : i32
    %parallel_loop3A_200 = arith.constant 16 : i32
    scf.for %parallel_loop3A_502 = %parallel_loop3A_198 to %parallel_loop3A_199 step %parallel_loop3A_200  : i32 {
      %parallel_loop3A_503 = arith.index_cast %parallel_loop3A_502 : i32 to index
      %parallel_loop3A_504 = tpu.vector_load %arg9[%parallel_loop3A_503] {strides = array<i32>} : memref<2048xi32, #tpu.memory_space<vmem>>, vector<16xi32>,
      %parallel_loop3A_505 = tpu.vector_load_idx %arg7[%parallel_loop3A_504] : memref<100000xf32, #tpu.memory_space<vmem>>[vector<16xi32>], vector<16xf32>,
      %parallel_loop3A_506 = arith.constant 8192 : i32
      %parallel_loop3A_507 = arith.addi %parallel_loop3A_506, %parallel_loop3A_502 : i32
      %parallel_loop3A_508 = arith.index_cast %parallel_loop3A_507 : i32 to index
      %parallel_loop3A_509 = tpu.vector_load %arg8[%parallel_loop3A_508] {strides = array<i32>} : memref<16384xf32, #tpu.memory_space<vmem>>, vector<16xf32>,
      %parallel_loop3A_510 = arith.addf %parallel_loop3A_509, %parallel_loop3A_505 : vector<16xf32>
      %parallel_loop3A_511 = arith.index_cast %parallel_loop3A_507 : i32 to index
      %parallel_loop3A_512 = tpu.vector_load %arg8[%parallel_loop3A_511] {strides = array<i32>} : memref<16384xf32, #tpu.memory_space<vmem>>, vector<16xf32>,
      tpu.vector_store %arg8[%parallel_loop3A_511], %parallel_loop3A_510 {strides = array<i32>} : memref<16384xf32, #tpu.memory_space<vmem>>, vector<16xf32>,
    } {sc.loop_unroll_factor = 8 : i64, sc.parallel_access}
    %dma_start3A_201 = arith.constant 4096 : i32
    %dma_start3A_202 = tpu.memref_slice %arg3[%dma_start3A_201] : memref<16384xi32, #tpu.memory_space<hbm>> -> memref<2048xi32, #tpu.memory_space<hbm>>
    %dma_start3A_203 = arith.constant 4096 : i32
    %dma_start3A_204 = tpu.memref_slice %arg3[%dma_start3A_203] : memref<16384xi32, #tpu.memory_space<hbm>> -> memref<2048xi32, #tpu.memory_space<hbm>>
    tpu.enqueue_dma source(%dma_start3A_204 : memref<2048xi32, #tpu.memory_space<hbm>>) target(%arg9 : memref<2048xi32, #tpu.memory_space<vmem>>) target_semaphore(%arg17 : memref<!tpu.dma_semaphore, #tpu.memory_space<semaphore_mem>>)
    %dma_wait3A_205 = arith.constant 0 : i32
    %dma_wait3A_206 = tpu.memref_slice %arg3[%dma_wait3A_205] : memref<16384xi32, #tpu.memory_space<hbm>> -> memref<2048xi32, #tpu.memory_space<hbm>>
    %dma_wait3A_207 = arith.constant 0 : i32
    %dma_wait3A_208 = tpu.memref_slice %arg3[%dma_wait3A_207] : memref<16384xi32, #tpu.memory_space<hbm>> -> memref<2048xi32, #tpu.memory_space<hbm>>
    tpu.wait_dma2 semaphore(%arg18 : memref<!tpu.dma_semaphore, #tpu.memory_space<semaphore_mem>>) src(%dma_wait3A_208 : memref<2048xi32, #tpu.memory_space<hbm>>) dst(%arg10 : memref<2048xi32, #tpu.memory_space<vmem>>)
    %parallel_loop3A_209 = arith.constant 0 : i32
    %parallel_loop3A_210 = arith.constant 2048 : i32
    %parallel_loop3A_211 = arith.constant 16 : i32
    scf.for %parallel_loop3A_502 = %parallel_loop3A_209 to %parallel_loop3A_210 step %parallel_loop3A_211  : i32 {
      %parallel_loop3A_503 = arith.index_cast %parallel_loop3A_502 : i32 to index
      %parallel_loop3A_504 = tpu.vector_load %arg10[%parallel_loop3A_503] {strides = array<i32>} : memref<2048xi32, #tpu.memory_space<vmem>>, vector<16xi32>,
      %parallel_loop3A_505 = tpu.vector_load_idx %arg7[%parallel_loop3A_504] : memref<100000xf32, #tpu.memory_space<vmem>>[vector<16xi32>], vector<16xf32>,
      %parallel_loop3A_506 = arith.constant 10240 : i32
      %parallel_loop3A_507 = arith.addi %parallel_loop3A_506, %parallel_loop3A_502 : i32
      %parallel_loop3A_508 = arith.index_cast %parallel_loop3A_507 : i32 to index
      %parallel_loop3A_509 = tpu.vector_load %arg8[%parallel_loop3A_508] {strides = array<i32>} : memref<16384xf32, #tpu.memory_space<vmem>>, vector<16xf32>,
      %parallel_loop3A_510 = arith.addf %parallel_loop3A_509, %parallel_loop3A_505 : vector<16xf32>
      %parallel_loop3A_511 = arith.index_cast %parallel_loop3A_507 : i32 to index
      %parallel_loop3A_512 = tpu.vector_load %arg8[%parallel_loop3A_511] {strides = array<i32>} : memref<16384xf32, #tpu.memory_space<vmem>>, vector<16xf32>,
      tpu.vector_store %arg8[%parallel_loop3A_511], %parallel_loop3A_510 {strides = array<i32>} : memref<16384xf32, #tpu.memory_space<vmem>>, vector<16xf32>,
    } {sc.loop_unroll_factor = 8 : i64, sc.parallel_access}
    %dma_start3A_212 = arith.constant 6144 : i32
    %dma_start3A_213 = tpu.memref_slice %arg3[%dma_start3A_212] : memref<16384xi32, #tpu.memory_space<hbm>> -> memref<2048xi32, #tpu.memory_space<hbm>>
    %dma_start3A_214 = arith.constant 6144 : i32
    %dma_start3A_215 = tpu.memref_slice %arg3[%dma_start3A_214] : memref<16384xi32, #tpu.memory_space<hbm>> -> memref<2048xi32, #tpu.memory_space<hbm>>
    tpu.enqueue_dma source(%dma_start3A_215 : memref<2048xi32, #tpu.memory_space<hbm>>) target(%arg10 : memref<2048xi32, #tpu.memory_space<vmem>>) target_semaphore(%arg18 : memref<!tpu.dma_semaphore, #tpu.memory_space<semaphore_mem>>)
    %dma_wait3A_216 = arith.constant 0 : i32
    %dma_wait3A_217 = tpu.memref_slice %arg3[%dma_wait3A_216] : memref<16384xi32, #tpu.memory_space<hbm>> -> memref<2048xi32, #tpu.memory_space<hbm>>
    %dma_wait3A_218 = arith.constant 0 : i32
    %dma_wait3A_219 = tpu.memref_slice %arg3[%dma_wait3A_218] : memref<16384xi32, #tpu.memory_space<hbm>> -> memref<2048xi32, #tpu.memory_space<hbm>>
    tpu.wait_dma2 semaphore(%arg19 : memref<!tpu.dma_semaphore, #tpu.memory_space<semaphore_mem>>) src(%dma_wait3A_219 : memref<2048xi32, #tpu.memory_space<hbm>>) dst(%arg11 : memref<2048xi32, #tpu.memory_space<vmem>>)
    %parallel_loop3A_220 = arith.constant 0 : i32
    %parallel_loop3A_221 = arith.constant 2048 : i32
    %parallel_loop3A_222 = arith.constant 16 : i32
    scf.for %parallel_loop3A_502 = %parallel_loop3A_220 to %parallel_loop3A_221 step %parallel_loop3A_222  : i32 {
      %parallel_loop3A_503 = arith.index_cast %parallel_loop3A_502 : i32 to index
      %parallel_loop3A_504 = tpu.vector_load %arg11[%parallel_loop3A_503] {strides = array<i32>} : memref<2048xi32, #tpu.memory_space<vmem>>, vector<16xi32>,
      %parallel_loop3A_505 = tpu.vector_load_idx %arg7[%parallel_loop3A_504] : memref<100000xf32, #tpu.memory_space<vmem>>[vector<16xi32>], vector<16xf32>,
      %parallel_loop3A_506 = arith.constant 12288 : i32
      %parallel_loop3A_507 = arith.addi %parallel_loop3A_506, %parallel_loop3A_502 : i32
      %parallel_loop3A_508 = arith.index_cast %parallel_loop3A_507 : i32 to index
      %parallel_loop3A_509 = tpu.vector_load %arg8[%parallel_loop3A_508] {strides = array<i32>} : memref<16384xf32, #tpu.memory_space<vmem>>, vector<16xf32>,
      %parallel_loop3A_510 = arith.addf %parallel_loop3A_509, %parallel_loop3A_505 : vector<16xf32>
      %parallel_loop3A_511 = arith.index_cast %parallel_loop3A_507 : i32 to index
      %parallel_loop3A_512 = tpu.vector_load %arg8[%parallel_loop3A_511] {strides = array<i32>} : memref<16384xf32, #tpu.memory_space<vmem>>, vector<16xf32>,
      tpu.vector_store %arg8[%parallel_loop3A_511], %parallel_loop3A_510 {strides = array<i32>} : memref<16384xf32, #tpu.memory_space<vmem>>, vector<16xf32>,
    } {sc.loop_unroll_factor = 8 : i64, sc.parallel_access}
    %dma_start3A_223 = arith.constant 8192 : i32
    %dma_start3A_224 = tpu.memref_slice %arg3[%dma_start3A_223] : memref<16384xi32, #tpu.memory_space<hbm>> -> memref<2048xi32, #tpu.memory_space<hbm>>
    %dma_start3A_225 = arith.constant 8192 : i32
    %dma_start3A_226 = tpu.memref_slice %arg3[%dma_start3A_225] : memref<16384xi32, #tpu.memory_space<hbm>> -> memref<2048xi32, #tpu.memory_space<hbm>>
    tpu.enqueue_dma source(%dma_start3A_226 : memref<2048xi32, #tpu.memory_space<hbm>>) target(%arg11 : memref<2048xi32, #tpu.memory_space<vmem>>) target_semaphore(%arg19 : memref<!tpu.dma_semaphore, #tpu.memory_space<semaphore_mem>>)
    %dma_wait3A_227 = arith.constant 0 : i32
    %dma_wait3A_228 = tpu.memref_slice %arg3[%dma_wait3A_227] : memref<16384xi32, #tpu.memory_space<hbm>> -> memref<2048xi32, #tpu.memory_space<hbm>>
    %dma_wait3A_229 = arith.constant 0 : i32
    %dma_wait3A_230 = tpu.memref_slice %arg3[%dma_wait3A_229] : memref<16384xi32, #tpu.memory_space<hbm>> -> memref<2048xi32, #tpu.memory_space<hbm>>
    tpu.wait_dma2 semaphore(%arg20 : memref<!tpu.dma_semaphore, #tpu.memory_space<semaphore_mem>>) src(%dma_wait3A_230 : memref<2048xi32, #tpu.memory_space<hbm>>) dst(%arg12 : memref<2048xi32, #tpu.memory_space<vmem>>)
    %parallel_loop3A_231 = arith.constant 0 : i32
    %parallel_loop3A_232 = arith.constant 2048 : i32
    %parallel_loop3A_233 = arith.constant 16 : i32
    scf.for %parallel_loop3A_502 = %parallel_loop3A_231 to %parallel_loop3A_232 step %parallel_loop3A_233  : i32 {
      %parallel_loop3A_503 = arith.index_cast %parallel_loop3A_502 : i32 to index
      %parallel_loop3A_504 = tpu.vector_load %arg12[%parallel_loop3A_503] {strides = array<i32>} : memref<2048xi32, #tpu.memory_space<vmem>>, vector<16xi32>,
      %parallel_loop3A_505 = tpu.vector_load_idx %arg7[%parallel_loop3A_504] : memref<100000xf32, #tpu.memory_space<vmem>>[vector<16xi32>], vector<16xf32>,
      %parallel_loop3A_506 = arith.constant 14336 : i32
      %parallel_loop3A_507 = arith.addi %parallel_loop3A_506, %parallel_loop3A_502 : i32
      %parallel_loop3A_508 = arith.index_cast %parallel_loop3A_507 : i32 to index
      %parallel_loop3A_509 = tpu.vector_load %arg8[%parallel_loop3A_508] {strides = array<i32>} : memref<16384xf32, #tpu.memory_space<vmem>>, vector<16xf32>,
      %parallel_loop3A_510 = arith.addf %parallel_loop3A_509, %parallel_loop3A_505 : vector<16xf32>
      %parallel_loop3A_511 = arith.index_cast %parallel_loop3A_507 : i32 to index
      %parallel_loop3A_512 = tpu.vector_load %arg8[%parallel_loop3A_511] {strides = array<i32>} : memref<16384xf32, #tpu.memory_space<vmem>>, vector<16xf32>,
      tpu.vector_store %arg8[%parallel_loop3A_511], %parallel_loop3A_510 {strides = array<i32>} : memref<16384xf32, #tpu.memory_space<vmem>>, vector<16xf32>,
    } {sc.loop_unroll_factor = 8 : i64, sc.parallel_access}
    %dma_start3A_234 = arith.constant 10240 : i32
    %dma_start3A_235 = tpu.memref_slice %arg3[%dma_start3A_234] : memref<16384xi32, #tpu.memory_space<hbm>> -> memref<2048xi32, #tpu.memory_space<hbm>>
    %dma_start3A_236 = arith.constant 10240 : i32
    %dma_start3A_237 = tpu.memref_slice %arg3[%dma_start3A_236] : memref<16384xi32, #tpu.memory_space<hbm>> -> memref<2048xi32, #tpu.memory_space<hbm>>
    tpu.enqueue_dma source(%dma_start3A_237 : memref<2048xi32, #tpu.memory_space<hbm>>) target(%arg12 : memref<2048xi32, #tpu.memory_space<vmem>>) target_semaphore(%arg20 : memref<!tpu.dma_semaphore, #tpu.memory_space<semaphore_mem>>)
    %dma_start3A_238 = arith.constant 0 : i32
    %dma_start3A_239 = tpu.memref_slice %arg6[%add3A_27, %dma_start3A_238] : memref<64x16384xf32, #tpu.memory_space<hbm>> -> memref<1x16384xf32, #tpu.memory_space<hbm>>
    %dma_start3A_240 = tpu.memref_squeeze %dma_start3A_239 : memref<1x16384xf32, #tpu.memory_space<hbm>> -> memref<16384xf32, #tpu.memory_space<hbm>>
    %dma_start3A_241 = arith.constant 0 : i32
    %dma_start3A_242 = tpu.memref_slice %arg6[%add3A_27, %dma_start3A_241] : memref<64x16384xf32, #tpu.memory_space<hbm>> -> memref<1x16384xf32, #tpu.memory_space<hbm>>
    %dma_start3A_243 = tpu.memref_squeeze %dma_start3A_242 : memref<1x16384xf32, #tpu.memory_space<hbm>> -> memref<16384xf32, #tpu.memory_space<hbm>>
    tpu.enqueue_dma source(%arg8 : memref<16384xf32, #tpu.memory_space<vmem>>) target(%dma_start3A_243 : memref<16384xf32, #tpu.memory_space<hbm>>) target_semaphore(%arg23 : memref<!tpu.dma_semaphore, #tpu.memory_space<semaphore_mem>>)
    %dma_wait3A_244 = arith.constant 0 : i32
    %dma_wait3A_245 = tpu.memref_slice %arg6[%add3A_27, %dma_wait3A_244] : memref<64x16384xf32, #tpu.memory_space<hbm>> -> memref<1x16384xf32, #tpu.memory_space<hbm>>
    %dma_wait3A_246 = tpu.memref_squeeze %dma_wait3A_245 : memref<1x16384xf32, #tpu.memory_space<hbm>> -> memref<16384xf32, #tpu.memory_space<hbm>>
    %dma_wait3A_247 = arith.constant 0 : i32
    %dma_wait3A_248 = tpu.memref_slice %arg6[%add3A_27, %dma_wait3A_247] : memref<64x16384xf32, #tpu.memory_space<hbm>> -> memref<1x16384xf32, #tpu.memory_space<hbm>>
    %dma_wait3A_249 = tpu.memref_squeeze %dma_wait3A_248 : memref<1x16384xf32, #tpu.memory_space<hbm>> -> memref<16384xf32, #tpu.memory_space<hbm>>
    tpu.wait_dma2 semaphore(%arg23 : memref<!tpu.dma_semaphore, #tpu.memory_space<semaphore_mem>>) src(%arg8 : memref<16384xf32, #tpu.memory_space<vmem>>) dst(%dma_wait3A_249 : memref<16384xf32, #tpu.memory_space<hbm>>)
    %mul3A_250 = arith.constant 2 : i32
    %mul3A_251 = arith.muli %add3A, %mul3A_250 : i32
    %add3A_252 = arith.constant 1 : i32
    %add3A_253 = arith.addi %mul3A_251, %add3A_252 : i32
    %dma_start3A_254 = arith.constant 0 : i32
    %dma_start3A_255 = tpu.memref_slice %arg2[%add3A_253, %dma_start3A_254] : memref<64x16384xf32, #tpu.memory_space<hbm>> -> memref<1x16384xf32, #tpu.memory_space<hbm>>
    %dma_start3A_256 = tpu.memref_squeeze %dma_start3A_255 : memref<1x16384xf32, #tpu.memory_space<hbm>> -> memref<16384xf32, #tpu.memory_space<hbm>>
    %dma_start3A_257 = arith.constant 0 : i32
    %dma_start3A_258 = tpu.memref_slice %arg2[%add3A_253, %dma_start3A_257] : memref<64x16384xf32, #tpu.memory_space<hbm>> -> memref<1x16384xf32, #tpu.memory_space<hbm>>
    %dma_start3A_259 = tpu.memref_squeeze %dma_start3A_258 : memref<1x16384xf32, #tpu.memory_space<hbm>> -> memref<16384xf32, #tpu.memory_space<hbm>>
    tpu.enqueue_dma source(%dma_start3A_259 : memref<16384xf32, #tpu.memory_space<hbm>>) target(%arg8 : memref<16384xf32, #tpu.memory_space<vmem>>) target_semaphore(%arg16 : memref<!tpu.dma_semaphore, #tpu.memory_space<semaphore_mem>>)
    %dma_start3A_260 = arith.constant 0 : i32
    %dma_start3A_261 = tpu.memref_slice %arg4[%add3A_253, %dma_start3A_260] : memref<64x100000xf32, #tpu.memory_space<hbm>> -> memref<1x100000xf32, #tpu.memory_space<hbm>>
    %dma_start3A_262 = tpu.memref_squeeze %dma_start3A_261 : memref<1x100000xf32, #tpu.memory_space<hbm>> -> memref<100000xf32, #tpu.memory_space<hbm>>
    %dma_start3A_263 = arith.constant 0 : i32
    %dma_start3A_264 = tpu.memref_slice %arg4[%add3A_253, %dma_start3A_263] : memref<64x100000xf32, #tpu.memory_space<hbm>> -> memref<1x100000xf32, #tpu.memory_space<hbm>>
    %dma_start3A_265 = tpu.memref_squeeze %dma_start3A_264 : memref<1x100000xf32, #tpu.memory_space<hbm>> -> memref<100000xf32, #tpu.memory_space<hbm>>
    tpu.enqueue_dma source(%dma_start3A_265 : memref<100000xf32, #tpu.memory_space<hbm>>) target(%arg7 : memref<100000xf32, #tpu.memory_space<vmem>>) target_semaphore(%arg15 : memref<!tpu.dma_semaphore, #tpu.memory_space<semaphore_mem>>)
    %dma_wait3A_266 = arith.constant 0 : i32
    %dma_wait3A_267 = tpu.memref_slice %arg4[%add3A_253, %dma_wait3A_266] : memref<64x100000xf32, #tpu.memory_space<hbm>> -> memref<1x100000xf32, #tpu.memory_space<hbm>>
    %dma_wait3A_268 = tpu.memref_squeeze %dma_wait3A_267 : memref<1x100000xf32, #tpu.memory_space<hbm>> -> memref<100000xf32, #tpu.memory_space<hbm>>
    %dma_wait3A_269 = arith.constant 0 : i32
    %dma_wait3A_270 = tpu.memref_slice %arg4[%add3A_253, %dma_wait3A_269] : memref<64x100000xf32, #tpu.memory_space<hbm>> -> memref<1x100000xf32, #tpu.memory_space<hbm>>
    %dma_wait3A_271 = tpu.memref_squeeze %dma_wait3A_270 : memref<1x100000xf32, #tpu.memory_space<hbm>> -> memref<100000xf32, #tpu.memory_space<hbm>>
    tpu.wait_dma2 semaphore(%arg15 : memref<!tpu.dma_semaphore, #tpu.memory_space<semaphore_mem>>) src(%dma_wait3A_271 : memref<100000xf32, #tpu.memory_space<hbm>>) dst(%arg7 : memref<100000xf32, #tpu.memory_space<vmem>>)
    %dma_wait3A_272 = arith.constant 0 : i32
    %dma_wait3A_273 = tpu.memref_slice %arg2[%add3A_253, %dma_wait3A_272] : memref<64x16384xf32, #tpu.memory_space<hbm>> -> memref<1x16384xf32, #tpu.memory_space<hbm>>
    %dma_wait3A_274 = tpu.memref_squeeze %dma_wait3A_273 : memref<1x16384xf32, #tpu.memory_space<hbm>> -> memref<16384xf32, #tpu.memory_space<hbm>>
    %dma_wait3A_275 = arith.constant 0 : i32
    %dma_wait3A_276 = tpu.memref_slice %arg2[%add3A_253, %dma_wait3A_275] : memref<64x16384xf32, #tpu.memory_space<hbm>> -> memref<1x16384xf32, #tpu.memory_space<hbm>>
    %dma_wait3A_277 = tpu.memref_squeeze %dma_wait3A_276 : memref<1x16384xf32, #tpu.memory_space<hbm>> -> memref<16384xf32, #tpu.memory_space<hbm>>
    tpu.wait_dma2 semaphore(%arg16 : memref<!tpu.dma_semaphore, #tpu.memory_space<semaphore_mem>>) src(%dma_wait3A_277 : memref<16384xf32, #tpu.memory_space<hbm>>) dst(%arg8 : memref<16384xf32, #tpu.memory_space<vmem>>)
    %dma_wait3A_278 = arith.constant 0 : i32
    %dma_wait3A_279 = tpu.memref_slice %arg3[%dma_wait3A_278] : memref<16384xi32, #tpu.memory_space<hbm>> -> memref<2048xi32, #tpu.memory_space<hbm>>
    %dma_wait3A_280 = arith.constant 0 : i32
    %dma_wait3A_281 = tpu.memref_slice %arg3[%dma_wait3A_280] : memref<16384xi32, #tpu.memory_space<hbm>> -> memref<2048xi32, #tpu.memory_space<hbm>>
    tpu.wait_dma2 semaphore(%arg21 : memref<!tpu.dma_semaphore, #tpu.memory_space<semaphore_mem>>) src(%dma_wait3A_281 : memref<2048xi32, #tpu.memory_space<hbm>>) dst(%arg13 : memref<2048xi32, #tpu.memory_space<vmem>>)
    %parallel_loop3A_282 = arith.constant 0 : i32
    %parallel_loop3A_283 = arith.constant 2048 : i32
    %parallel_loop3A_284 = arith.constant 16 : i32
    scf.for %parallel_loop3A_502 = %parallel_loop3A_282 to %parallel_loop3A_283 step %parallel_loop3A_284  : i32 {
      %parallel_loop3A_503 = arith.index_cast %parallel_loop3A_502 : i32 to index
      %parallel_loop3A_504 = tpu.vector_load %arg13[%parallel_loop3A_503] {strides = array<i32>} : memref<2048xi32, #tpu.memory_space<vmem>>, vector<16xi32>,
      %parallel_loop3A_505 = tpu.vector_load_idx %arg7[%parallel_loop3A_504] : memref<100000xf32, #tpu.memory_space<vmem>>[vector<16xi32>], vector<16xf32>,
      %parallel_loop3A_506 = arith.constant 0 : i32
      %parallel_loop3A_507 = arith.addi %parallel_loop3A_506, %parallel_loop3A_502 : i32
      %parallel_loop3A_508 = arith.index_cast %parallel_loop3A_507 : i32 to index
      %parallel_loop3A_509 = tpu.vector_load %arg8[%parallel_loop3A_508] {strides = array<i32>} : memref<16384xf32, #tpu.memory_space<vmem>>, vector<16xf32>,
      %parallel_loop3A_510 = arith.mulf %parallel_loop3A_509, %parallel_loop3A_505 : vector<16xf32>
      %parallel_loop3A_511 = arith.index_cast %parallel_loop3A_507 : i32 to index
      %parallel_loop3A_512 = tpu.vector_load %arg8[%parallel_loop3A_511] {strides = array<i32>} : memref<16384xf32, #tpu.memory_space<vmem>>, vector<16xf32>,
      tpu.vector_store %arg8[%parallel_loop3A_511], %parallel_loop3A_510 {strides = array<i32>} : memref<16384xf32, #tpu.memory_space<vmem>>, vector<16xf32>,
    } {sc.loop_unroll_factor = 8 : i64, sc.parallel_access}
    %dma_start3A_285 = arith.constant 12288 : i32
    %dma_start3A_286 = tpu.memref_slice %arg3[%dma_start3A_285] : memref<16384xi32, #tpu.memory_space<hbm>> -> memref<2048xi32, #tpu.memory_space<hbm>>
    %dma_start3A_287 = arith.constant 12288 : i32
    %dma_start3A_288 = tpu.memref_slice %arg3[%dma_start3A_287] : memref<16384xi32, #tpu.memory_space<hbm>> -> memref<2048xi32, #tpu.memory_space<hbm>>
    tpu.enqueue_dma source(%dma_start3A_288 : memref<2048xi32, #tpu.memory_space<hbm>>) target(%arg13 : memref<2048xi32, #tpu.memory_space<vmem>>) target_semaphore(%arg21 : memref<!tpu.dma_semaphore, #tpu.memory_space<semaphore_mem>>)
    %dma_wait3A_289 = arith.constant 0 : i32
    %dma_wait3A_290 = tpu.memref_slice %arg3[%dma_wait3A_289] : memref<16384xi32, #tpu.memory_space<hbm>> -> memref<2048xi32, #tpu.memory_space<hbm>>
    %dma_wait3A_291 = arith.constant 0 : i32
    %dma_wait3A_292 = tpu.memref_slice %arg3[%dma_wait3A_291] : memref<16384xi32, #tpu.memory_space<hbm>> -> memref<2048xi32, #tpu.memory_space<hbm>>
    tpu.wait_dma2 semaphore(%arg22 : memref<!tpu.dma_semaphore, #tpu.memory_space<semaphore_mem>>) src(%dma_wait3A_292 : memref<2048xi32, #tpu.memory_space<hbm>>) dst(%arg14 : memref<2048xi32, #tpu.memory_space<vmem>>)
    %parallel_loop3A_293 = arith.constant 0 : i32
    %parallel_loop3A_294 = arith.constant 2048 : i32
    %parallel_loop3A_295 = arith.constant 16 : i32
    scf.for %parallel_loop3A_502 = %parallel_loop3A_293 to %parallel_loop3A_294 step %parallel_loop3A_295  : i32 {
      %parallel_loop3A_503 = arith.index_cast %parallel_loop3A_502 : i32 to index
      %parallel_loop3A_504 = tpu.vector_load %arg14[%parallel_loop3A_503] {strides = array<i32>} : memref<2048xi32, #tpu.memory_space<vmem>>, vector<16xi32>,
      %parallel_loop3A_505 = tpu.vector_load_idx %arg7[%parallel_loop3A_504] : memref<100000xf32, #tpu.memory_space<vmem>>[vector<16xi32>], vector<16xf32>,
      %parallel_loop3A_506 = arith.constant 2048 : i32
      %parallel_loop3A_507 = arith.addi %parallel_loop3A_506, %parallel_loop3A_502 : i32
      %parallel_loop3A_508 = arith.index_cast %parallel_loop3A_507 : i32 to index
      %parallel_loop3A_509 = tpu.vector_load %arg8[%parallel_loop3A_508] {strides = array<i32>} : memref<16384xf32, #tpu.memory_space<vmem>>, vector<16xf32>,
      %parallel_loop3A_510 = arith.mulf %parallel_loop3A_509, %parallel_loop3A_505 : vector<16xf32>
      %parallel_loop3A_511 = arith.index_cast %parallel_loop3A_507 : i32 to index
      %parallel_loop3A_512 = tpu.vector_load %arg8[%parallel_loop3A_511] {strides = array<i32>} : memref<16384xf32, #tpu.memory_space<vmem>>, vector<16xf32>,
      tpu.vector_store %arg8[%parallel_loop3A_511], %parallel_loop3A_510 {strides = array<i32>} : memref<16384xf32, #tpu.memory_space<vmem>>, vector<16xf32>,
    } {sc.loop_unroll_factor = 8 : i64, sc.parallel_access}
    %dma_start3A_296 = arith.constant 14336 : i32
    %dma_start3A_297 = tpu.memref_slice %arg3[%dma_start3A_296] : memref<16384xi32, #tpu.memory_space<hbm>> -> memref<2048xi32, #tpu.memory_space<hbm>>
    %dma_start3A_298 = arith.constant 14336 : i32
    %dma_start3A_299 = tpu.memref_slice %arg3[%dma_start3A_298] : memref<16384xi32, #tpu.memory_space<hbm>> -> memref<2048xi32, #tpu.memory_space<hbm>>
    tpu.enqueue_dma source(%dma_start3A_299 : memref<2048xi32, #tpu.memory_space<hbm>>) target(%arg14 : memref<2048xi32, #tpu.memory_space<vmem>>) target_semaphore(%arg22 : memref<!tpu.dma_semaphore, #tpu.memory_space<semaphore_mem>>)
    %dma_wait3A_300 = arith.constant 0 : i32
    %dma_wait3A_301 = tpu.memref_slice %arg3[%dma_wait3A_300] : memref<16384xi32, #tpu.memory_space<hbm>> -> memref<2048xi32, #tpu.memory_space<hbm>>
    %dma_wait3A_302 = arith.constant 0 : i32
    %dma_wait3A_303 = tpu.memref_slice %arg3[%dma_wait3A_302] : memref<16384xi32, #tpu.memory_space<hbm>> -> memref<2048xi32, #tpu.memory_space<hbm>>
    tpu.wait_dma2 semaphore(%arg17 : memref<!tpu.dma_semaphore, #tpu.memory_space<semaphore_mem>>) src(%dma_wait3A_303 : memref<2048xi32, #tpu.memory_space<hbm>>) dst(%arg9 : memref<2048xi32, #tpu.memory_space<vmem>>)
    %parallel_loop3A_304 = arith.constant 0 : i32
    %parallel_loop3A_305 = arith.constant 2048 : i32
    %parallel_loop3A_306 = arith.constant 16 : i32
    scf.for %parallel_loop3A_502 = %parallel_loop3A_304 to %parallel_loop3A_305 step %parallel_loop3A_306  : i32 {
      %parallel_loop3A_503 = arith.index_cast %parallel_loop3A_502 : i32 to index
      %parallel_loop3A_504 = tpu.vector_load %arg9[%parallel_loop3A_503] {strides = array<i32>} : memref<2048xi32, #tpu.memory_space<vmem>>, vector<16xi32>,
      %parallel_loop3A_505 = tpu.vector_load_idx %arg7[%parallel_loop3A_504] : memref<100000xf32, #tpu.memory_space<vmem>>[vector<16xi32>], vector<16xf32>,
      %parallel_loop3A_506 = arith.constant 4096 : i32
      %parallel_loop3A_507 = arith.addi %parallel_loop3A_506, %parallel_loop3A_502 : i32
      %parallel_loop3A_508 = arith.index_cast %parallel_loop3A_507 : i32 to index
      %parallel_loop3A_509 = tpu.vector_load %arg8[%parallel_loop3A_508] {strides = array<i32>} : memref<16384xf32, #tpu.memory_space<vmem>>, vector<16xf32>,
      %parallel_loop3A_510 = arith.mulf %parallel_loop3A_509, %parallel_loop3A_505 : vector<16xf32>
      %parallel_loop3A_511 = arith.index_cast %parallel_loop3A_507 : i32 to index
      %parallel_loop3A_512 = tpu.vector_load %arg8[%parallel_loop3A_511] {strides = array<i32>} : memref<16384xf32, #tpu.memory_space<vmem>>, vector<16xf32>,
      tpu.vector_store %arg8[%parallel_loop3A_511], %parallel_loop3A_510 {strides = array<i32>} : memref<16384xf32, #tpu.memory_space<vmem>>, vector<16xf32>,
    } {sc.loop_unroll_factor = 8 : i64, sc.parallel_access}
    %dma_start3A_307 = arith.constant 0 : i32
    %dma_start3A_308 = tpu.memref_slice %arg3[%dma_start3A_307] : memref<16384xi32, #tpu.memory_space<hbm>> -> memref<2048xi32, #tpu.memory_space<hbm>>
    %dma_start3A_309 = arith.constant 0 : i32
    %dma_start3A_310 = tpu.memref_slice %arg3[%dma_start3A_309] : memref<16384xi32, #tpu.memory_space<hbm>> -> memref<2048xi32, #tpu.memory_space<hbm>>
    tpu.enqueue_dma source(%dma_start3A_310 : memref<2048xi32, #tpu.memory_space<hbm>>) target(%arg9 : memref<2048xi32, #tpu.memory_space<vmem>>) target_semaphore(%arg17 : memref<!tpu.dma_semaphore, #tpu.memory_space<semaphore_mem>>)
    %dma_wait3A_311 = arith.constant 0 : i32
    %dma_wait3A_312 = tpu.memref_slice %arg3[%dma_wait3A_311] : memref<16384xi32, #tpu.memory_space<hbm>> -> memref<2048xi32, #tpu.memory_space<hbm>>
    %dma_wait3A_313 = arith.constant 0 : i32
    %dma_wait3A_314 = tpu.memref_slice %arg3[%dma_wait3A_313] : memref<16384xi32, #tpu.memory_space<hbm>> -> memref<2048xi32, #tpu.memory_space<hbm>>
    tpu.wait_dma2 semaphore(%arg18 : memref<!tpu.dma_semaphore, #tpu.memory_space<semaphore_mem>>) src(%dma_wait3A_314 : memref<2048xi32, #tpu.memory_space<hbm>>) dst(%arg10 : memref<2048xi32, #tpu.memory_space<vmem>>)
    %parallel_loop3A_315 = arith.constant 0 : i32
    %parallel_loop3A_316 = arith.constant 2048 : i32
    %parallel_loop3A_317 = arith.constant 16 : i32
    scf.for %parallel_loop3A_502 = %parallel_loop3A_315 to %parallel_loop3A_316 step %parallel_loop3A_317  : i32 {
      %parallel_loop3A_503 = arith.index_cast %parallel_loop3A_502 : i32 to index
      %parallel_loop3A_504 = tpu.vector_load %arg10[%parallel_loop3A_503] {strides = array<i32>} : memref<2048xi32, #tpu.memory_space<vmem>>, vector<16xi32>,
      %parallel_loop3A_505 = tpu.vector_load_idx %arg7[%parallel_loop3A_504] : memref<100000xf32, #tpu.memory_space<vmem>>[vector<16xi32>], vector<16xf32>,
      %parallel_loop3A_506 = arith.constant 6144 : i32
      %parallel_loop3A_507 = arith.addi %parallel_loop3A_506, %parallel_loop3A_502 : i32
      %parallel_loop3A_508 = arith.index_cast %parallel_loop3A_507 : i32 to index
      %parallel_loop3A_509 = tpu.vector_load %arg8[%parallel_loop3A_508] {strides = array<i32>} : memref<16384xf32, #tpu.memory_space<vmem>>, vector<16xf32>,
      %parallel_loop3A_510 = arith.mulf %parallel_loop3A_509, %parallel_loop3A_505 : vector<16xf32>
      %parallel_loop3A_511 = arith.index_cast %parallel_loop3A_507 : i32 to index
      %parallel_loop3A_512 = tpu.vector_load %arg8[%parallel_loop3A_511] {strides = array<i32>} : memref<16384xf32, #tpu.memory_space<vmem>>, vector<16xf32>,
      tpu.vector_store %arg8[%parallel_loop3A_511], %parallel_loop3A_510 {strides = array<i32>} : memref<16384xf32, #tpu.memory_space<vmem>>, vector<16xf32>,
    } {sc.loop_unroll_factor = 8 : i64, sc.parallel_access}
    %dma_start3A_318 = arith.constant 2048 : i32
    %dma_start3A_319 = tpu.memref_slice %arg3[%dma_start3A_318] : memref<16384xi32, #tpu.memory_space<hbm>> -> memref<2048xi32, #tpu.memory_space<hbm>>
    %dma_start3A_320 = arith.constant 2048 : i32
    %dma_start3A_321 = tpu.memref_slice %arg3[%dma_start3A_320] : memref<16384xi32, #tpu.memory_space<hbm>> -> memref<2048xi32, #tpu.memory_space<hbm>>
    tpu.enqueue_dma source(%dma_start3A_321 : memref<2048xi32, #tpu.memory_space<hbm>>) target(%arg10 : memref<2048xi32, #tpu.memory_space<vmem>>) target_semaphore(%arg18 : memref<!tpu.dma_semaphore, #tpu.memory_space<semaphore_mem>>)
    %dma_wait3A_322 = arith.constant 0 : i32
    %dma_wait3A_323 = tpu.memref_slice %arg3[%dma_wait3A_322] : memref<16384xi32, #tpu.memory_space<hbm>> -> memref<2048xi32, #tpu.memory_space<hbm>>
    %dma_wait3A_324 = arith.constant 0 : i32
    %dma_wait3A_325 = tpu.memref_slice %arg3[%dma_wait3A_324] : memref<16384xi32, #tpu.memory_space<hbm>> -> memref<2048xi32, #tpu.memory_space<hbm>>
    tpu.wait_dma2 semaphore(%arg19 : memref<!tpu.dma_semaphore, #tpu.memory_space<semaphore_mem>>) src(%dma_wait3A_325 : memref<2048xi32, #tpu.memory_space<hbm>>) dst(%arg11 : memref<2048xi32, #tpu.memory_space<vmem>>)
    %parallel_loop3A_326 = arith.constant 0 : i32
    %parallel_loop3A_327 = arith.constant 2048 : i32
    %parallel_loop3A_328 = arith.constant 16 : i32
    scf.for %parallel_loop3A_502 = %parallel_loop3A_326 to %parallel_loop3A_327 step %parallel_loop3A_328  : i32 {
      %parallel_loop3A_503 = arith.index_cast %parallel_loop3A_502 : i32 to index
      %parallel_loop3A_504 = tpu.vector_load %arg11[%parallel_loop3A_503] {strides = array<i32>} : memref<2048xi32, #tpu.memory_space<vmem>>, vector<16xi32>,
      %parallel_loop3A_505 = tpu.vector_load_idx %arg7[%parallel_loop3A_504] : memref<100000xf32, #tpu.memory_space<vmem>>[vector<16xi32>], vector<16xf32>,
      %parallel_loop3A_506 = arith.constant 8192 : i32
      %parallel_loop3A_507 = arith.addi %parallel_loop3A_506, %parallel_loop3A_502 : i32
      %parallel_loop3A_508 = arith.index_cast %parallel_loop3A_507 : i32 to index
      %parallel_loop3A_509 = tpu.vector_load %arg8[%parallel_loop3A_508] {strides = array<i32>} : memref<16384xf32, #tpu.memory_space<vmem>>, vector<16xf32>,
      %parallel_loop3A_510 = arith.mulf %parallel_loop3A_509, %parallel_loop3A_505 : vector<16xf32>
      %parallel_loop3A_511 = arith.index_cast %parallel_loop3A_507 : i32 to index
      %parallel_loop3A_512 = tpu.vector_load %arg8[%parallel_loop3A_511] {strides = array<i32>} : memref<16384xf32, #tpu.memory_space<vmem>>, vector<16xf32>,
      tpu.vector_store %arg8[%parallel_loop3A_511], %parallel_loop3A_510 {strides = array<i32>} : memref<16384xf32, #tpu.memory_space<vmem>>, vector<16xf32>,
    } {sc.loop_unroll_factor = 8 : i64, sc.parallel_access}
    %dma_start3A_329 = arith.constant 4096 : i32
    %dma_start3A_330 = tpu.memref_slice %arg3[%dma_start3A_329] : memref<16384xi32, #tpu.memory_space<hbm>> -> memref<2048xi32, #tpu.memory_space<hbm>>
    %dma_start3A_331 = arith.constant 4096 : i32
    %dma_start3A_332 = tpu.memref_slice %arg3[%dma_start3A_331] : memref<16384xi32, #tpu.memory_space<hbm>> -> memref<2048xi32, #tpu.memory_space<hbm>>
    tpu.enqueue_dma source(%dma_start3A_332 : memref<2048xi32, #tpu.memory_space<hbm>>) target(%arg11 : memref<2048xi32, #tpu.memory_space<vmem>>) target_semaphore(%arg19 : memref<!tpu.dma_semaphore, #tpu.memory_space<semaphore_mem>>)
    %dma_wait3A_333 = arith.constant 0 : i32
    %dma_wait3A_334 = tpu.memref_slice %arg3[%dma_wait3A_333] : memref<16384xi32, #tpu.memory_space<hbm>> -> memref<2048xi32, #tpu.memory_space<hbm>>
    %dma_wait3A_335 = arith.constant 0 : i32
    %dma_wait3A_336 = tpu.memref_slice %arg3[%dma_wait3A_335] : memref<16384xi32, #tpu.memory_space<hbm>> -> memref<2048xi32, #tpu.memory_space<hbm>>
    tpu.wait_dma2 semaphore(%arg20 : memref<!tpu.dma_semaphore, #tpu.memory_space<semaphore_mem>>) src(%dma_wait3A_336 : memref<2048xi32, #tpu.memory_space<hbm>>) dst(%arg12 : memref<2048xi32, #tpu.memory_space<vmem>>)
    %parallel_loop3A_337 = arith.constant 0 : i32
    %parallel_loop3A_338 = arith.constant 2048 : i32
    %parallel_loop3A_339 = arith.constant 16 : i32
    scf.for %parallel_loop3A_502 = %parallel_loop3A_337 to %parallel_loop3A_338 step %parallel_loop3A_339  : i32 {
      %parallel_loop3A_503 = arith.index_cast %parallel_loop3A_502 : i32 to index
      %parallel_loop3A_504 = tpu.vector_load %arg12[%parallel_loop3A_503] {strides = array<i32>} : memref<2048xi32, #tpu.memory_space<vmem>>, vector<16xi32>,
      %parallel_loop3A_505 = tpu.vector_load_idx %arg7[%parallel_loop3A_504] : memref<100000xf32, #tpu.memory_space<vmem>>[vector<16xi32>], vector<16xf32>,
      %parallel_loop3A_506 = arith.constant 10240 : i32
      %parallel_loop3A_507 = arith.addi %parallel_loop3A_506, %parallel_loop3A_502 : i32
      %parallel_loop3A_508 = arith.index_cast %parallel_loop3A_507 : i32 to index
      %parallel_loop3A_509 = tpu.vector_load %arg8[%parallel_loop3A_508] {strides = array<i32>} : memref<16384xf32, #tpu.memory_space<vmem>>, vector<16xf32>,
      %parallel_loop3A_510 = arith.mulf %parallel_loop3A_509, %parallel_loop3A_505 : vector<16xf32>
      %parallel_loop3A_511 = arith.index_cast %parallel_loop3A_507 : i32 to index
      %parallel_loop3A_512 = tpu.vector_load %arg8[%parallel_loop3A_511] {strides = array<i32>} : memref<16384xf32, #tpu.memory_space<vmem>>, vector<16xf32>,
      tpu.vector_store %arg8[%parallel_loop3A_511], %parallel_loop3A_510 {strides = array<i32>} : memref<16384xf32, #tpu.memory_space<vmem>>, vector<16xf32>,
    } {sc.loop_unroll_factor = 8 : i64, sc.parallel_access}
    %dma_start3A_340 = arith.constant 6144 : i32
    %dma_start3A_341 = tpu.memref_slice %arg3[%dma_start3A_340] : memref<16384xi32, #tpu.memory_space<hbm>> -> memref<2048xi32, #tpu.memory_space<hbm>>
    %dma_start3A_342 = arith.constant 6144 : i32
    %dma_start3A_343 = tpu.memref_slice %arg3[%dma_start3A_342] : memref<16384xi32, #tpu.memory_space<hbm>> -> memref<2048xi32, #tpu.memory_space<hbm>>
    tpu.enqueue_dma source(%dma_start3A_343 : memref<2048xi32, #tpu.memory_space<hbm>>) target(%arg12 : memref<2048xi32, #tpu.memory_space<vmem>>) target_semaphore(%arg20 : memref<!tpu.dma_semaphore, #tpu.memory_space<semaphore_mem>>)
    %dma_wait3A_344 = arith.constant 0 : i32
    %dma_wait3A_345 = tpu.memref_slice %arg3[%dma_wait3A_344] : memref<16384xi32, #tpu.memory_space<hbm>> -> memref<2048xi32, #tpu.memory_space<hbm>>
    %dma_wait3A_346 = arith.constant 0 : i32
    %dma_wait3A_347 = tpu.memref_slice %arg3[%dma_wait3A_346] : memref<16384xi32, #tpu.memory_space<hbm>> -> memref<2048xi32, #tpu.memory_space<hbm>>
    tpu.wait_dma2 semaphore(%arg21 : memref<!tpu.dma_semaphore, #tpu.memory_space<semaphore_mem>>) src(%dma_wait3A_347 : memref<2048xi32, #tpu.memory_space<hbm>>) dst(%arg13 : memref<2048xi32, #tpu.memory_space<vmem>>)
    %parallel_loop3A_348 = arith.constant 0 : i32
    %parallel_loop3A_349 = arith.constant 2048 : i32
    %parallel_loop3A_350 = arith.constant 16 : i32
    scf.for %parallel_loop3A_502 = %parallel_loop3A_348 to %parallel_loop3A_349 step %parallel_loop3A_350  : i32 {
      %parallel_loop3A_503 = arith.index_cast %parallel_loop3A_502 : i32 to index
      %parallel_loop3A_504 = tpu.vector_load %arg13[%parallel_loop3A_503] {strides = array<i32>} : memref<2048xi32, #tpu.memory_space<vmem>>, vector<16xi32>,
      %parallel_loop3A_505 = tpu.vector_load_idx %arg7[%parallel_loop3A_504] : memref<100000xf32, #tpu.memory_space<vmem>>[vector<16xi32>], vector<16xf32>,
      %parallel_loop3A_506 = arith.constant 12288 : i32
      %parallel_loop3A_507 = arith.addi %parallel_loop3A_506, %parallel_loop3A_502 : i32
      %parallel_loop3A_508 = arith.index_cast %parallel_loop3A_507 : i32 to index
      %parallel_loop3A_509 = tpu.vector_load %arg8[%parallel_loop3A_508] {strides = array<i32>} : memref<16384xf32, #tpu.memory_space<vmem>>, vector<16xf32>,
      %parallel_loop3A_510 = arith.mulf %parallel_loop3A_509, %parallel_loop3A_505 : vector<16xf32>
      %parallel_loop3A_511 = arith.index_cast %parallel_loop3A_507 : i32 to index
      %parallel_loop3A_512 = tpu.vector_load %arg8[%parallel_loop3A_511] {strides = array<i32>} : memref<16384xf32, #tpu.memory_space<vmem>>, vector<16xf32>,
      tpu.vector_store %arg8[%parallel_loop3A_511], %parallel_loop3A_510 {strides = array<i32>} : memref<16384xf32, #tpu.memory_space<vmem>>, vector<16xf32>,
    } {sc.loop_unroll_factor = 8 : i64, sc.parallel_access}
    %dma_start3A_351 = arith.constant 8192 : i32
    %dma_start3A_352 = tpu.memref_slice %arg3[%dma_start3A_351] : memref<16384xi32, #tpu.memory_space<hbm>> -> memref<2048xi32, #tpu.memory_space<hbm>>
    %dma_start3A_353 = arith.constant 8192 : i32
    %dma_start3A_354 = tpu.memref_slice %arg3[%dma_start3A_353] : memref<16384xi32, #tpu.memory_space<hbm>> -> memref<2048xi32, #tpu.memory_space<hbm>>
    tpu.enqueue_dma source(%dma_start3A_354 : memref<2048xi32, #tpu.memory_space<hbm>>) target(%arg13 : memref<2048xi32, #tpu.memory_space<vmem>>) target_semaphore(%arg21 : memref<!tpu.dma_semaphore, #tpu.memory_space<semaphore_mem>>)
    %dma_wait3A_355 = arith.constant 0 : i32
    %dma_wait3A_356 = tpu.memref_slice %arg3[%dma_wait3A_355] : memref<16384xi32, #tpu.memory_space<hbm>> -> memref<2048xi32, #tpu.memory_space<hbm>>
    %dma_wait3A_357 = arith.constant 0 : i32
    %dma_wait3A_358 = tpu.memref_slice %arg3[%dma_wait3A_357] : memref<16384xi32, #tpu.memory_space<hbm>> -> memref<2048xi32, #tpu.memory_space<hbm>>
    tpu.wait_dma2 semaphore(%arg22 : memref<!tpu.dma_semaphore, #tpu.memory_space<semaphore_mem>>) src(%dma_wait3A_358 : memref<2048xi32, #tpu.memory_space<hbm>>) dst(%arg14 : memref<2048xi32, #tpu.memory_space<vmem>>)
    %parallel_loop3A_359 = arith.constant 0 : i32
    %parallel_loop3A_360 = arith.constant 2048 : i32
    %parallel_loop3A_361 = arith.constant 16 : i32
    scf.for %parallel_loop3A_502 = %parallel_loop3A_359 to %parallel_loop3A_360 step %parallel_loop3A_361  : i32 {
      %parallel_loop3A_503 = arith.index_cast %parallel_loop3A_502 : i32 to index
      %parallel_loop3A_504 = tpu.vector_load %arg14[%parallel_loop3A_503] {strides = array<i32>} : memref<2048xi32, #tpu.memory_space<vmem>>, vector<16xi32>,
      %parallel_loop3A_505 = tpu.vector_load_idx %arg7[%parallel_loop3A_504] : memref<100000xf32, #tpu.memory_space<vmem>>[vector<16xi32>], vector<16xf32>,
      %parallel_loop3A_506 = arith.constant 14336 : i32
      %parallel_loop3A_507 = arith.addi %parallel_loop3A_506, %parallel_loop3A_502 : i32
      %parallel_loop3A_508 = arith.index_cast %parallel_loop3A_507 : i32 to index
      %parallel_loop3A_509 = tpu.vector_load %arg8[%parallel_loop3A_508] {strides = array<i32>} : memref<16384xf32, #tpu.memory_space<vmem>>, vector<16xf32>,
      %parallel_loop3A_510 = arith.mulf %parallel_loop3A_509, %parallel_loop3A_505 : vector<16xf32>
      %parallel_loop3A_511 = arith.index_cast %parallel_loop3A_507 : i32 to index
      %parallel_loop3A_512 = tpu.vector_load %arg8[%parallel_loop3A_511] {strides = array<i32>} : memref<16384xf32, #tpu.memory_space<vmem>>, vector<16xf32>,
      tpu.vector_store %arg8[%parallel_loop3A_511], %parallel_loop3A_510 {strides = array<i32>} : memref<16384xf32, #tpu.memory_space<vmem>>, vector<16xf32>,
    } {sc.loop_unroll_factor = 8 : i64, sc.parallel_access}
    %dma_start3A_362 = arith.constant 10240 : i32
    %dma_start3A_363 = tpu.memref_slice %arg3[%dma_start3A_362] : memref<16384xi32, #tpu.memory_space<hbm>> -> memref<2048xi32, #tpu.memory_space<hbm>>
    %dma_start3A_364 = arith.constant 10240 : i32
    %dma_start3A_365 = tpu.memref_slice %arg3[%dma_start3A_364] : memref<16384xi32, #tpu.memory_space<hbm>> -> memref<2048xi32, #tpu.memory_space<hbm>>
    tpu.enqueue_dma source(%dma_start3A_365 : memref<2048xi32, #tpu.memory_space<hbm>>) target(%arg14 : memref<2048xi32, #tpu.memory_space<vmem>>) target_semaphore(%arg22 : memref<!tpu.dma_semaphore, #tpu.memory_space<semaphore_mem>>)
    %dma_start3A_366 = arith.constant 0 : i32
    %dma_start3A_367 = tpu.memref_slice %arg5[%add3A_253, %dma_start3A_366] : memref<64x100000xf32, #tpu.memory_space<hbm>> -> memref<1x100000xf32, #tpu.memory_space<hbm>>
    %dma_start3A_368 = tpu.memref_squeeze %dma_start3A_367 : memref<1x100000xf32, #tpu.memory_space<hbm>> -> memref<100000xf32, #tpu.memory_space<hbm>>
    %dma_start3A_369 = arith.constant 0 : i32
    %dma_start3A_370 = tpu.memref_slice %arg5[%add3A_253, %dma_start3A_369] : memref<64x100000xf32, #tpu.memory_space<hbm>> -> memref<1x100000xf32, #tpu.memory_space<hbm>>
    %dma_start3A_371 = tpu.memref_squeeze %dma_start3A_370 : memref<1x100000xf32, #tpu.memory_space<hbm>> -> memref<100000xf32, #tpu.memory_space<hbm>>
    tpu.enqueue_dma source(%dma_start3A_371 : memref<100000xf32, #tpu.memory_space<hbm>>) target(%arg7 : memref<100000xf32, #tpu.memory_space<vmem>>) target_semaphore(%arg15 : memref<!tpu.dma_semaphore, #tpu.memory_space<semaphore_mem>>)
    %dma_wait3A_372 = arith.constant 0 : i32
    %dma_wait3A_373 = tpu.memref_slice %arg5[%add3A_253, %dma_wait3A_372] : memref<64x100000xf32, #tpu.memory_space<hbm>> -> memref<1x100000xf32, #tpu.memory_space<hbm>>
    %dma_wait3A_374 = tpu.memref_squeeze %dma_wait3A_373 : memref<1x100000xf32, #tpu.memory_space<hbm>> -> memref<100000xf32, #tpu.memory_space<hbm>>
    %dma_wait3A_375 = arith.constant 0 : i32
    %dma_wait3A_376 = tpu.memref_slice %arg5[%add3A_253, %dma_wait3A_375] : memref<64x100000xf32, #tpu.memory_space<hbm>> -> memref<1x100000xf32, #tpu.memory_space<hbm>>
    %dma_wait3A_377 = tpu.memref_squeeze %dma_wait3A_376 : memref<1x100000xf32, #tpu.memory_space<hbm>> -> memref<100000xf32, #tpu.memory_space<hbm>>
    tpu.wait_dma2 semaphore(%arg15 : memref<!tpu.dma_semaphore, #tpu.memory_space<semaphore_mem>>) src(%dma_wait3A_377 : memref<100000xf32, #tpu.memory_space<hbm>>) dst(%arg7 : memref<100000xf32, #tpu.memory_space<vmem>>)
    %dma_wait3A_378 = arith.constant 0 : i32
    %dma_wait3A_379 = tpu.memref_slice %arg3[%dma_wait3A_378] : memref<16384xi32, #tpu.memory_space<hbm>> -> memref<2048xi32, #tpu.memory_space<hbm>>
    %dma_wait3A_380 = arith.constant 0 : i32
    %dma_wait3A_381 = tpu.memref_slice %arg3[%dma_wait3A_380] : memref<16384xi32, #tpu.memory_space<hbm>> -> memref<2048xi32, #tpu.memory_space<hbm>>
    tpu.wait_dma2 semaphore(%arg17 : memref<!tpu.dma_semaphore, #tpu.memory_space<semaphore_mem>>) src(%dma_wait3A_381 : memref<2048xi32, #tpu.memory_space<hbm>>) dst(%arg9 : memref<2048xi32, #tpu.memory_space<vmem>>)
    %parallel_loop3A_382 = arith.constant 0 : i32
    %parallel_loop3A_383 = arith.constant 2048 : i32
    %parallel_loop3A_384 = arith.constant 16 : i32
    scf.for %parallel_loop3A_502 = %parallel_loop3A_382 to %parallel_loop3A_383 step %parallel_loop3A_384  : i32 {
      %parallel_loop3A_503 = arith.index_cast %parallel_loop3A_502 : i32 to index
      %parallel_loop3A_504 = tpu.vector_load %arg9[%parallel_loop3A_503] {strides = array<i32>} : memref<2048xi32, #tpu.memory_space<vmem>>, vector<16xi32>,
      %parallel_loop3A_505 = tpu.vector_load_idx %arg7[%parallel_loop3A_504] : memref<100000xf32, #tpu.memory_space<vmem>>[vector<16xi32>], vector<16xf32>,
      %parallel_loop3A_506 = arith.constant 0 : i32
      %parallel_loop3A_507 = arith.addi %parallel_loop3A_506, %parallel_loop3A_502 : i32
      %parallel_loop3A_508 = arith.index_cast %parallel_loop3A_507 : i32 to index
      %parallel_loop3A_509 = tpu.vector_load %arg8[%parallel_loop3A_508] {strides = array<i32>} : memref<16384xf32, #tpu.memory_space<vmem>>, vector<16xf32>,
      %parallel_loop3A_510 = arith.addf %parallel_loop3A_509, %parallel_loop3A_505 : vector<16xf32>
      %parallel_loop3A_511 = arith.index_cast %parallel_loop3A_507 : i32 to index
      %parallel_loop3A_512 = tpu.vector_load %arg8[%parallel_loop3A_511] {strides = array<i32>} : memref<16384xf32, #tpu.memory_space<vmem>>, vector<16xf32>,
      tpu.vector_store %arg8[%parallel_loop3A_511], %parallel_loop3A_510 {strides = array<i32>} : memref<16384xf32, #tpu.memory_space<vmem>>, vector<16xf32>,
    } {sc.loop_unroll_factor = 8 : i64, sc.parallel_access}
    %dma_start3A_385 = arith.constant 12288 : i32
    %dma_start3A_386 = tpu.memref_slice %arg3[%dma_start3A_385] : memref<16384xi32, #tpu.memory_space<hbm>> -> memref<2048xi32, #tpu.memory_space<hbm>>
    %dma_start3A_387 = arith.constant 12288 : i32
    %dma_start3A_388 = tpu.memref_slice %arg3[%dma_start3A_387] : memref<16384xi32, #tpu.memory_space<hbm>> -> memref<2048xi32, #tpu.memory_space<hbm>>
    tpu.enqueue_dma source(%dma_start3A_388 : memref<2048xi32, #tpu.memory_space<hbm>>) target(%arg9 : memref<2048xi32, #tpu.memory_space<vmem>>) target_semaphore(%arg17 : memref<!tpu.dma_semaphore, #tpu.memory_space<semaphore_mem>>)
    %dma_wait3A_389 = arith.constant 0 : i32
    %dma_wait3A_390 = tpu.memref_slice %arg3[%dma_wait3A_389] : memref<16384xi32, #tpu.memory_space<hbm>> -> memref<2048xi32, #tpu.memory_space<hbm>>
    %dma_wait3A_391 = arith.constant 0 : i32
    %dma_wait3A_392 = tpu.memref_slice %arg3[%dma_wait3A_391] : memref<16384xi32, #tpu.memory_space<hbm>> -> memref<2048xi32, #tpu.memory_space<hbm>>
    tpu.wait_dma2 semaphore(%arg18 : memref<!tpu.dma_semaphore, #tpu.memory_space<semaphore_mem>>) src(%dma_wait3A_392 : memref<2048xi32, #tpu.memory_space<hbm>>) dst(%arg10 : memref<2048xi32, #tpu.memory_space<vmem>>)
    %parallel_loop3A_393 = arith.constant 0 : i32
    %parallel_loop3A_394 = arith.constant 2048 : i32
    %parallel_loop3A_395 = arith.constant 16 : i32
    scf.for %parallel_loop3A_502 = %parallel_loop3A_393 to %parallel_loop3A_394 step %parallel_loop3A_395  : i32 {
      %parallel_loop3A_503 = arith.index_cast %parallel_loop3A_502 : i32 to index
      %parallel_loop3A_504 = tpu.vector_load %arg10[%parallel_loop3A_503] {strides = array<i32>} : memref<2048xi32, #tpu.memory_space<vmem>>, vector<16xi32>,
      %parallel_loop3A_505 = tpu.vector_load_idx %arg7[%parallel_loop3A_504] : memref<100000xf32, #tpu.memory_space<vmem>>[vector<16xi32>], vector<16xf32>,
      %parallel_loop3A_506 = arith.constant 2048 : i32
      %parallel_loop3A_507 = arith.addi %parallel_loop3A_506, %parallel_loop3A_502 : i32
      %parallel_loop3A_508 = arith.index_cast %parallel_loop3A_507 : i32 to index
      %parallel_loop3A_509 = tpu.vector_load %arg8[%parallel_loop3A_508] {strides = array<i32>} : memref<16384xf32, #tpu.memory_space<vmem>>, vector<16xf32>,
      %parallel_loop3A_510 = arith.addf %parallel_loop3A_509, %parallel_loop3A_505 : vector<16xf32>
      %parallel_loop3A_511 = arith.index_cast %parallel_loop3A_507 : i32 to index
      %parallel_loop3A_512 = tpu.vector_load %arg8[%parallel_loop3A_511] {strides = array<i32>} : memref<16384xf32, #tpu.memory_space<vmem>>, vector<16xf32>,
      tpu.vector_store %arg8[%parallel_loop3A_511], %parallel_loop3A_510 {strides = array<i32>} : memref<16384xf32, #tpu.memory_space<vmem>>, vector<16xf32>,
    } {sc.loop_unroll_factor = 8 : i64, sc.parallel_access}
    %dma_start3A_396 = arith.constant 14336 : i32
    %dma_start3A_397 = tpu.memref_slice %arg3[%dma_start3A_396] : memref<16384xi32, #tpu.memory_space<hbm>> -> memref<2048xi32, #tpu.memory_space<hbm>>
    %dma_start3A_398 = arith.constant 14336 : i32
    %dma_start3A_399 = tpu.memref_slice %arg3[%dma_start3A_398] : memref<16384xi32, #tpu.memory_space<hbm>> -> memref<2048xi32, #tpu.memory_space<hbm>>
    tpu.enqueue_dma source(%dma_start3A_399 : memref<2048xi32, #tpu.memory_space<hbm>>) target(%arg10 : memref<2048xi32, #tpu.memory_space<vmem>>) target_semaphore(%arg18 : memref<!tpu.dma_semaphore, #tpu.memory_space<semaphore_mem>>)
    %dma_wait3A_400 = arith.constant 0 : i32
    %dma_wait3A_401 = tpu.memref_slice %arg3[%dma_wait3A_400] : memref<16384xi32, #tpu.memory_space<hbm>> -> memref<2048xi32, #tpu.memory_space<hbm>>
    %dma_wait3A_402 = arith.constant 0 : i32
    %dma_wait3A_403 = tpu.memref_slice %arg3[%dma_wait3A_402] : memref<16384xi32, #tpu.memory_space<hbm>> -> memref<2048xi32, #tpu.memory_space<hbm>>
    tpu.wait_dma2 semaphore(%arg19 : memref<!tpu.dma_semaphore, #tpu.memory_space<semaphore_mem>>) src(%dma_wait3A_403 : memref<2048xi32, #tpu.memory_space<hbm>>) dst(%arg11 : memref<2048xi32, #tpu.memory_space<vmem>>)
    %parallel_loop3A_404 = arith.constant 0 : i32
    %parallel_loop3A_405 = arith.constant 2048 : i32
    %parallel_loop3A_406 = arith.constant 16 : i32
    scf.for %parallel_loop3A_502 = %parallel_loop3A_404 to %parallel_loop3A_405 step %parallel_loop3A_406  : i32 {
      %parallel_loop3A_503 = arith.index_cast %parallel_loop3A_502 : i32 to index
      %parallel_loop3A_504 = tpu.vector_load %arg11[%parallel_loop3A_503] {strides = array<i32>} : memref<2048xi32, #tpu.memory_space<vmem>>, vector<16xi32>,
      %parallel_loop3A_505 = tpu.vector_load_idx %arg7[%parallel_loop3A_504] : memref<100000xf32, #tpu.memory_space<vmem>>[vector<16xi32>], vector<16xf32>,
      %parallel_loop3A_506 = arith.constant 4096 : i32
      %parallel_loop3A_507 = arith.addi %parallel_loop3A_506, %parallel_loop3A_502 : i32
      %parallel_loop3A_508 = arith.index_cast %parallel_loop3A_507 : i32 to index
      %parallel_loop3A_509 = tpu.vector_load %arg8[%parallel_loop3A_508] {strides = array<i32>} : memref<16384xf32, #tpu.memory_space<vmem>>, vector<16xf32>,
      %parallel_loop3A_510 = arith.addf %parallel_loop3A_509, %parallel_loop3A_505 : vector<16xf32>
      %parallel_loop3A_511 = arith.index_cast %parallel_loop3A_507 : i32 to index
      %parallel_loop3A_512 = tpu.vector_load %arg8[%parallel_loop3A_511] {strides = array<i32>} : memref<16384xf32, #tpu.memory_space<vmem>>, vector<16xf32>,
      tpu.vector_store %arg8[%parallel_loop3A_511], %parallel_loop3A_510 {strides = array<i32>} : memref<16384xf32, #tpu.memory_space<vmem>>, vector<16xf32>,
    } {sc.loop_unroll_factor = 8 : i64, sc.parallel_access}
    %dma_start3A_407 = arith.constant 0 : i32
    %dma_start3A_408 = tpu.memref_slice %arg3[%dma_start3A_407] : memref<16384xi32, #tpu.memory_space<hbm>> -> memref<2048xi32, #tpu.memory_space<hbm>>
    %dma_start3A_409 = arith.constant 0 : i32
    %dma_start3A_410 = tpu.memref_slice %arg3[%dma_start3A_409] : memref<16384xi32, #tpu.memory_space<hbm>> -> memref<2048xi32, #tpu.memory_space<hbm>>
    tpu.enqueue_dma source(%dma_start3A_410 : memref<2048xi32, #tpu.memory_space<hbm>>) target(%arg11 : memref<2048xi32, #tpu.memory_space<vmem>>) target_semaphore(%arg19 : memref<!tpu.dma_semaphore, #tpu.memory_space<semaphore_mem>>)
    %dma_wait3A_411 = arith.constant 0 : i32
    %dma_wait3A_412 = tpu.memref_slice %arg3[%dma_wait3A_411] : memref<16384xi32, #tpu.memory_space<hbm>> -> memref<2048xi32, #tpu.memory_space<hbm>>
    %dma_wait3A_413 = arith.constant 0 : i32
    %dma_wait3A_414 = tpu.memref_slice %arg3[%dma_wait3A_413] : memref<16384xi32, #tpu.memory_space<hbm>> -> memref<2048xi32, #tpu.memory_space<hbm>>
    tpu.wait_dma2 semaphore(%arg20 : memref<!tpu.dma_semaphore, #tpu.memory_space<semaphore_mem>>) src(%dma_wait3A_414 : memref<2048xi32, #tpu.memory_space<hbm>>) dst(%arg12 : memref<2048xi32, #tpu.memory_space<vmem>>)
    %parallel_loop3A_415 = arith.constant 0 : i32
    %parallel_loop3A_416 = arith.constant 2048 : i32
    %parallel_loop3A_417 = arith.constant 16 : i32
    scf.for %parallel_loop3A_502 = %parallel_loop3A_415 to %parallel_loop3A_416 step %parallel_loop3A_417  : i32 {
      %parallel_loop3A_503 = arith.index_cast %parallel_loop3A_502 : i32 to index
      %parallel_loop3A_504 = tpu.vector_load %arg12[%parallel_loop3A_503] {strides = array<i32>} : memref<2048xi32, #tpu.memory_space<vmem>>, vector<16xi32>,
      %parallel_loop3A_505 = tpu.vector_load_idx %arg7[%parallel_loop3A_504] : memref<100000xf32, #tpu.memory_space<vmem>>[vector<16xi32>], vector<16xf32>,
      %parallel_loop3A_506 = arith.constant 6144 : i32
      %parallel_loop3A_507 = arith.addi %parallel_loop3A_506, %parallel_loop3A_502 : i32
      %parallel_loop3A_508 = arith.index_cast %parallel_loop3A_507 : i32 to index
      %parallel_loop3A_509 = tpu.vector_load %arg8[%parallel_loop3A_508] {strides = array<i32>} : memref<16384xf32, #tpu.memory_space<vmem>>, vector<16xf32>,
      %parallel_loop3A_510 = arith.addf %parallel_loop3A_509, %parallel_loop3A_505 : vector<16xf32>
      %parallel_loop3A_511 = arith.index_cast %parallel_loop3A_507 : i32 to index
      %parallel_loop3A_512 = tpu.vector_load %arg8[%parallel_loop3A_511] {strides = array<i32>} : memref<16384xf32, #tpu.memory_space<vmem>>, vector<16xf32>,
      tpu.vector_store %arg8[%parallel_loop3A_511], %parallel_loop3A_510 {strides = array<i32>} : memref<16384xf32, #tpu.memory_space<vmem>>, vector<16xf32>,
    } {sc.loop_unroll_factor = 8 : i64, sc.parallel_access}
    %dma_start3A_418 = arith.constant 2048 : i32
    %dma_start3A_419 = tpu.memref_slice %arg3[%dma_start3A_418] : memref<16384xi32, #tpu.memory_space<hbm>> -> memref<2048xi32, #tpu.memory_space<hbm>>
    %dma_start3A_420 = arith.constant 2048 : i32
    %dma_start3A_421 = tpu.memref_slice %arg3[%dma_start3A_420] : memref<16384xi32, #tpu.memory_space<hbm>> -> memref<2048xi32, #tpu.memory_space<hbm>>
    tpu.enqueue_dma source(%dma_start3A_421 : memref<2048xi32, #tpu.memory_space<hbm>>) target(%arg12 : memref<2048xi32, #tpu.memory_space<vmem>>) target_semaphore(%arg20 : memref<!tpu.dma_semaphore, #tpu.memory_space<semaphore_mem>>)
    %dma_wait3A_422 = arith.constant 0 : i32
    %dma_wait3A_423 = tpu.memref_slice %arg3[%dma_wait3A_422] : memref<16384xi32, #tpu.memory_space<hbm>> -> memref<2048xi32, #tpu.memory_space<hbm>>
    %dma_wait3A_424 = arith.constant 0 : i32
    %dma_wait3A_425 = tpu.memref_slice %arg3[%dma_wait3A_424] : memref<16384xi32, #tpu.memory_space<hbm>> -> memref<2048xi32, #tpu.memory_space<hbm>>
    tpu.wait_dma2 semaphore(%arg21 : memref<!tpu.dma_semaphore, #tpu.memory_space<semaphore_mem>>) src(%dma_wait3A_425 : memref<2048xi32, #tpu.memory_space<hbm>>) dst(%arg13 : memref<2048xi32, #tpu.memory_space<vmem>>)
    %parallel_loop3A_426 = arith.constant 0 : i32
    %parallel_loop3A_427 = arith.constant 2048 : i32
    %parallel_loop3A_428 = arith.constant 16 : i32
    scf.for %parallel_loop3A_502 = %parallel_loop3A_426 to %parallel_loop3A_427 step %parallel_loop3A_428  : i32 {
      %parallel_loop3A_503 = arith.index_cast %parallel_loop3A_502 : i32 to index
      %parallel_loop3A_504 = tpu.vector_load %arg13[%parallel_loop3A_503] {strides = array<i32>} : memref<2048xi32, #tpu.memory_space<vmem>>, vector<16xi32>,
      %parallel_loop3A_505 = tpu.vector_load_idx %arg7[%parallel_loop3A_504] : memref<100000xf32, #tpu.memory_space<vmem>>[vector<16xi32>], vector<16xf32>,
      %parallel_loop3A_506 = arith.constant 8192 : i32
      %parallel_loop3A_507 = arith.addi %parallel_loop3A_506, %parallel_loop3A_502 : i32
      %parallel_loop3A_508 = arith.index_cast %parallel_loop3A_507 : i32 to index
      %parallel_loop3A_509 = tpu.vector_load %arg8[%parallel_loop3A_508] {strides = array<i32>} : memref<16384xf32, #tpu.memory_space<vmem>>, vector<16xf32>,
      %parallel_loop3A_510 = arith.addf %parallel_loop3A_509, %parallel_loop3A_505 : vector<16xf32>
      %parallel_loop3A_511 = arith.index_cast %parallel_loop3A_507 : i32 to index
      %parallel_loop3A_512 = tpu.vector_load %arg8[%parallel_loop3A_511] {strides = array<i32>} : memref<16384xf32, #tpu.memory_space<vmem>>, vector<16xf32>,
      tpu.vector_store %arg8[%parallel_loop3A_511], %parallel_loop3A_510 {strides = array<i32>} : memref<16384xf32, #tpu.memory_space<vmem>>, vector<16xf32>,
    } {sc.loop_unroll_factor = 8 : i64, sc.parallel_access}
    %dma_start3A_429 = arith.constant 4096 : i32
    %dma_start3A_430 = tpu.memref_slice %arg3[%dma_start3A_429] : memref<16384xi32, #tpu.memory_space<hbm>> -> memref<2048xi32, #tpu.memory_space<hbm>>
    %dma_start3A_431 = arith.constant 4096 : i32
    %dma_start3A_432 = tpu.memref_slice %arg3[%dma_start3A_431] : memref<16384xi32, #tpu.memory_space<hbm>> -> memref<2048xi32, #tpu.memory_space<hbm>>
    tpu.enqueue_dma source(%dma_start3A_432 : memref<2048xi32, #tpu.memory_space<hbm>>) target(%arg13 : memref<2048xi32, #tpu.memory_space<vmem>>) target_semaphore(%arg21 : memref<!tpu.dma_semaphore, #tpu.memory_space<semaphore_mem>>)
    %dma_wait3A_433 = arith.constant 0 : i32
    %dma_wait3A_434 = tpu.memref_slice %arg3[%dma_wait3A_433] : memref<16384xi32, #tpu.memory_space<hbm>> -> memref<2048xi32, #tpu.memory_space<hbm>>
    %dma_wait3A_435 = arith.constant 0 : i32
    %dma_wait3A_436 = tpu.memref_slice %arg3[%dma_wait3A_435] : memref<16384xi32, #tpu.memory_space<hbm>> -> memref<2048xi32, #tpu.memory_space<hbm>>
    tpu.wait_dma2 semaphore(%arg22 : memref<!tpu.dma_semaphore, #tpu.memory_space<semaphore_mem>>) src(%dma_wait3A_436 : memref<2048xi32, #tpu.memory_space<hbm>>) dst(%arg14 : memref<2048xi32, #tpu.memory_space<vmem>>)
    %parallel_loop3A_437 = arith.constant 0 : i32
    %parallel_loop3A_438 = arith.constant 2048 : i32
    %parallel_loop3A_439 = arith.constant 16 : i32
    scf.for %parallel_loop3A_502 = %parallel_loop3A_437 to %parallel_loop3A_438 step %parallel_loop3A_439  : i32 {
      %parallel_loop3A_503 = arith.index_cast %parallel_loop3A_502 : i32 to index
      %parallel_loop3A_504 = tpu.vector_load %arg14[%parallel_loop3A_503] {strides = array<i32>} : memref<2048xi32, #tpu.memory_space<vmem>>, vector<16xi32>,
      %parallel_loop3A_505 = tpu.vector_load_idx %arg7[%parallel_loop3A_504] : memref<100000xf32, #tpu.memory_space<vmem>>[vector<16xi32>], vector<16xf32>,
      %parallel_loop3A_506 = arith.constant 10240 : i32
      %parallel_loop3A_507 = arith.addi %parallel_loop3A_506, %parallel_loop3A_502 : i32
      %parallel_loop3A_508 = arith.index_cast %parallel_loop3A_507 : i32 to index
      %parallel_loop3A_509 = tpu.vector_load %arg8[%parallel_loop3A_508] {strides = array<i32>} : memref<16384xf32, #tpu.memory_space<vmem>>, vector<16xf32>,
      %parallel_loop3A_510 = arith.addf %parallel_loop3A_509, %parallel_loop3A_505 : vector<16xf32>
      %parallel_loop3A_511 = arith.index_cast %parallel_loop3A_507 : i32 to index
      %parallel_loop3A_512 = tpu.vector_load %arg8[%parallel_loop3A_511] {strides = array<i32>} : memref<16384xf32, #tpu.memory_space<vmem>>, vector<16xf32>,
      tpu.vector_store %arg8[%parallel_loop3A_511], %parallel_loop3A_510 {strides = array<i32>} : memref<16384xf32, #tpu.memory_space<vmem>>, vector<16xf32>,
    } {sc.loop_unroll_factor = 8 : i64, sc.parallel_access}
    %dma_start3A_440 = arith.constant 6144 : i32
    %dma_start3A_441 = tpu.memref_slice %arg3[%dma_start3A_440] : memref<16384xi32, #tpu.memory_space<hbm>> -> memref<2048xi32, #tpu.memory_space<hbm>>
    %dma_start3A_442 = arith.constant 6144 : i32
    %dma_start3A_443 = tpu.memref_slice %arg3[%dma_start3A_442] : memref<16384xi32, #tpu.memory_space<hbm>> -> memref<2048xi32, #tpu.memory_space<hbm>>
    tpu.enqueue_dma source(%dma_start3A_443 : memref<2048xi32, #tpu.memory_space<hbm>>) target(%arg14 : memref<2048xi32, #tpu.memory_space<vmem>>) target_semaphore(%arg22 : memref<!tpu.dma_semaphore, #tpu.memory_space<semaphore_mem>>)
    %dma_wait3A_444 = arith.constant 0 : i32
    %dma_wait3A_445 = tpu.memref_slice %arg3[%dma_wait3A_444] : memref<16384xi32, #tpu.memory_space<hbm>> -> memref<2048xi32, #tpu.memory_space<hbm>>
    %dma_wait3A_446 = arith.constant 0 : i32
    %dma_wait3A_447 = tpu.memref_slice %arg3[%dma_wait3A_446] : memref<16384xi32, #tpu.memory_space<hbm>> -> memref<2048xi32, #tpu.memory_space<hbm>>
    tpu.wait_dma2 semaphore(%arg17 : memref<!tpu.dma_semaphore, #tpu.memory_space<semaphore_mem>>) src(%dma_wait3A_447 : memref<2048xi32, #tpu.memory_space<hbm>>) dst(%arg9 : memref<2048xi32, #tpu.memory_space<vmem>>)
    %parallel_loop3A_448 = arith.constant 0 : i32
    %parallel_loop3A_449 = arith.constant 2048 : i32
    %parallel_loop3A_450 = arith.constant 16 : i32
    scf.for %parallel_loop3A_502 = %parallel_loop3A_448 to %parallel_loop3A_449 step %parallel_loop3A_450  : i32 {
      %parallel_loop3A_503 = arith.index_cast %parallel_loop3A_502 : i32 to index
      %parallel_loop3A_504 = tpu.vector_load %arg9[%parallel_loop3A_503] {strides = array<i32>} : memref<2048xi32, #tpu.memory_space<vmem>>, vector<16xi32>,
      %parallel_loop3A_505 = tpu.vector_load_idx %arg7[%parallel_loop3A_504] : memref<100000xf32, #tpu.memory_space<vmem>>[vector<16xi32>], vector<16xf32>,
      %parallel_loop3A_506 = arith.constant 12288 : i32
      %parallel_loop3A_507 = arith.addi %parallel_loop3A_506, %parallel_loop3A_502 : i32
      %parallel_loop3A_508 = arith.index_cast %parallel_loop3A_507 : i32 to index
      %parallel_loop3A_509 = tpu.vector_load %arg8[%parallel_loop3A_508] {strides = array<i32>} : memref<16384xf32, #tpu.memory_space<vmem>>, vector<16xf32>,
      %parallel_loop3A_510 = arith.addf %parallel_loop3A_509, %parallel_loop3A_505 : vector<16xf32>
      %parallel_loop3A_511 = arith.index_cast %parallel_loop3A_507 : i32 to index
      %parallel_loop3A_512 = tpu.vector_load %arg8[%parallel_loop3A_511] {strides = array<i32>} : memref<16384xf32, #tpu.memory_space<vmem>>, vector<16xf32>,
      tpu.vector_store %arg8[%parallel_loop3A_511], %parallel_loop3A_510 {strides = array<i32>} : memref<16384xf32, #tpu.memory_space<vmem>>, vector<16xf32>,
    } {sc.loop_unroll_factor = 8 : i64, sc.parallel_access}
    %dma_start3A_451 = arith.constant 8192 : i32
    %dma_start3A_452 = tpu.memref_slice %arg3[%dma_start3A_451] : memref<16384xi32, #tpu.memory_space<hbm>> -> memref<2048xi32, #tpu.memory_space<hbm>>
    %dma_start3A_453 = arith.constant 8192 : i32
    %dma_start3A_454 = tpu.memref_slice %arg3[%dma_start3A_453] : memref<16384xi32, #tpu.memory_space<hbm>> -> memref<2048xi32, #tpu.memory_space<hbm>>
    tpu.enqueue_dma source(%dma_start3A_454 : memref<2048xi32, #tpu.memory_space<hbm>>) target(%arg9 : memref<2048xi32, #tpu.memory_space<vmem>>) target_semaphore(%arg17 : memref<!tpu.dma_semaphore, #tpu.memory_space<semaphore_mem>>)
    %dma_wait3A_455 = arith.constant 0 : i32
    %dma_wait3A_456 = tpu.memref_slice %arg3[%dma_wait3A_455] : memref<16384xi32, #tpu.memory_space<hbm>> -> memref<2048xi32, #tpu.memory_space<hbm>>
    %dma_wait3A_457 = arith.constant 0 : i32
    %dma_wait3A_458 = tpu.memref_slice %arg3[%dma_wait3A_457] : memref<16384xi32, #tpu.memory_space<hbm>> -> memref<2048xi32, #tpu.memory_space<hbm>>
    tpu.wait_dma2 semaphore(%arg18 : memref<!tpu.dma_semaphore, #tpu.memory_space<semaphore_mem>>) src(%dma_wait3A_458 : memref<2048xi32, #tpu.memory_space<hbm>>) dst(%arg10 : memref<2048xi32, #tpu.memory_space<vmem>>)
    %parallel_loop3A_459 = arith.constant 0 : i32
    %parallel_loop3A_460 = arith.constant 2048 : i32
    %parallel_loop3A_461 = arith.constant 16 : i32
    scf.for %parallel_loop3A_502 = %parallel_loop3A_459 to %parallel_loop3A_460 step %parallel_loop3A_461  : i32 {
      %parallel_loop3A_503 = arith.index_cast %parallel_loop3A_502 : i32 to index
      %parallel_loop3A_504 = tpu.vector_load %arg10[%parallel_loop3A_503] {strides = array<i32>} : memref<2048xi32, #tpu.memory_space<vmem>>, vector<16xi32>,
      %parallel_loop3A_505 = tpu.vector_load_idx %arg7[%parallel_loop3A_504] : memref<100000xf32, #tpu.memory_space<vmem>>[vector<16xi32>], vector<16xf32>,
      %parallel_loop3A_506 = arith.constant 14336 : i32
      %parallel_loop3A_507 = arith.addi %parallel_loop3A_506, %parallel_loop3A_502 : i32
      %parallel_loop3A_508 = arith.index_cast %parallel_loop3A_507 : i32 to index
      %parallel_loop3A_509 = tpu.vector_load %arg8[%parallel_loop3A_508] {strides = array<i32>} : memref<16384xf32, #tpu.memory_space<vmem>>, vector<16xf32>,
      %parallel_loop3A_510 = arith.addf %parallel_loop3A_509, %parallel_loop3A_505 : vector<16xf32>
      %parallel_loop3A_511 = arith.index_cast %parallel_loop3A_507 : i32 to index
      %parallel_loop3A_512 = tpu.vector_load %arg8[%parallel_loop3A_511] {strides = array<i32>} : memref<16384xf32, #tpu.memory_space<vmem>>, vector<16xf32>,
      tpu.vector_store %arg8[%parallel_loop3A_511], %parallel_loop3A_510 {strides = array<i32>} : memref<16384xf32, #tpu.memory_space<vmem>>, vector<16xf32>,
    } {sc.loop_unroll_factor = 8 : i64, sc.parallel_access}
    %dma_start3A_462 = arith.constant 10240 : i32
    %dma_start3A_463 = tpu.memref_slice %arg3[%dma_start3A_462] : memref<16384xi32, #tpu.memory_space<hbm>> -> memref<2048xi32, #tpu.memory_space<hbm>>
    %dma_start3A_464 = arith.constant 10240 : i32
    %dma_start3A_465 = tpu.memref_slice %arg3[%dma_start3A_464] : memref<16384xi32, #tpu.memory_space<hbm>> -> memref<2048xi32, #tpu.memory_space<hbm>>
    tpu.enqueue_dma source(%dma_start3A_465 : memref<2048xi32, #tpu.memory_space<hbm>>) target(%arg10 : memref<2048xi32, #tpu.memory_space<vmem>>) target_semaphore(%arg18 : memref<!tpu.dma_semaphore, #tpu.memory_space<semaphore_mem>>)
    %dma_start3A_466 = arith.constant 0 : i32
    %dma_start3A_467 = tpu.memref_slice %arg6[%add3A_253, %dma_start3A_466] : memref<64x16384xf32, #tpu.memory_space<hbm>> -> memref<1x16384xf32, #tpu.memory_space<hbm>>
    %dma_start3A_468 = tpu.memref_squeeze %dma_start3A_467 : memref<1x16384xf32, #tpu.memory_space<hbm>> -> memref<16384xf32, #tpu.memory_space<hbm>>
    %dma_start3A_469 = arith.constant 0 : i32
    %dma_start3A_470 = tpu.memref_slice %arg6[%add3A_253, %dma_start3A_469] : memref<64x16384xf32, #tpu.memory_space<hbm>> -> memref<1x16384xf32, #tpu.memory_space<hbm>>
    %dma_start3A_471 = tpu.memref_squeeze %dma_start3A_470 : memref<1x16384xf32, #tpu.memory_space<hbm>> -> memref<16384xf32, #tpu.memory_space<hbm>>
    tpu.enqueue_dma source(%arg8 : memref<16384xf32, #tpu.memory_space<vmem>>) target(%dma_start3A_471 : memref<16384xf32, #tpu.memory_space<hbm>>) target_semaphore(%arg23 : memref<!tpu.dma_semaphore, #tpu.memory_space<semaphore_mem>>)
    %dma_wait3A_472 = arith.constant 0 : i32
    %dma_wait3A_473 = tpu.memref_slice %arg6[%add3A_253, %dma_wait3A_472] : memref<64x16384xf32, #tpu.memory_space<hbm>> -> memref<1x16384xf32, #tpu.memory_space<hbm>>
    %dma_wait3A_474 = tpu.memref_squeeze %dma_wait3A_473 : memref<1x16384xf32, #tpu.memory_space<hbm>> -> memref<16384xf32, #tpu.memory_space<hbm>>
    %dma_wait3A_475 = arith.constant 0 : i32
    %dma_wait3A_476 = tpu.memref_slice %arg6[%add3A_253, %dma_wait3A_475] : memref<64x16384xf32, #tpu.memory_space<hbm>> -> memref<1x16384xf32, #tpu.memory_space<hbm>>
    %dma_wait3A_477 = tpu.memref_squeeze %dma_wait3A_476 : memref<1x16384xf32, #tpu.memory_space<hbm>> -> memref<16384xf32, #tpu.memory_space<hbm>>
    tpu.wait_dma2 semaphore(%arg23 : memref<!tpu.dma_semaphore, #tpu.memory_space<semaphore_mem>>) src(%arg8 : memref<16384xf32, #tpu.memory_space<vmem>>) dst(%dma_wait3A_477 : memref<16384xf32, #tpu.memory_space<hbm>>)
    %dma_wait3A_478 = arith.constant 0 : i32
    %dma_wait3A_479 = tpu.memref_slice %arg3[%dma_wait3A_478] : memref<16384xi32, #tpu.memory_space<hbm>> -> memref<2048xi32, #tpu.memory_space<hbm>>
    %dma_wait3A_480 = arith.constant 0 : i32
    %dma_wait3A_481 = tpu.memref_slice %arg3[%dma_wait3A_480] : memref<16384xi32, #tpu.memory_space<hbm>> -> memref<2048xi32, #tpu.memory_space<hbm>>
    tpu.wait_dma2 semaphore(%arg17 : memref<!tpu.dma_semaphore, #tpu.memory_space<semaphore_mem>>) src(%dma_wait3A_481 : memref<2048xi32, #tpu.memory_space<hbm>>) dst(%arg9 : memref<2048xi32, #tpu.memory_space<vmem>>)
    %dma_wait3A_482 = arith.constant 0 : i32
    %dma_wait3A_483 = tpu.memref_slice %arg3[%dma_wait3A_482] : memref<16384xi32, #tpu.memory_space<hbm>> -> memref<2048xi32, #tpu.memory_space<hbm>>
    %dma_wait3A_484 = arith.constant 0 : i32
    %dma_wait3A_485 = tpu.memref_slice %arg3[%dma_wait3A_484] : memref<16384xi32, #tpu.memory_space<hbm>> -> memref<2048xi32, #tpu.memory_space<hbm>>
    tpu.wait_dma2 semaphore(%arg18 : memref<!tpu.dma_semaphore, #tpu.memory_space<semaphore_mem>>) src(%dma_wait3A_485 : memref<2048xi32, #tpu.memory_space<hbm>>) dst(%arg10 : memref<2048xi32, #tpu.memory_space<vmem>>)
    %dma_wait3A_486 = arith.constant 0 : i32
    %dma_wait3A_487 = tpu.memref_slice %arg3[%dma_wait3A_486] : memref<16384xi32, #tpu.memory_space<hbm>> -> memref<2048xi32, #tpu.memory_space<hbm>>
    %dma_wait3A_488 = arith.constant 0 : i32
    %dma_wait3A_489 = tpu.memref_slice %arg3[%dma_wait3A_488] : memref<16384xi32, #tpu.memory_space<hbm>> -> memref<2048xi32, #tpu.memory_space<hbm>>
    tpu.wait_dma2 semaphore(%arg19 : memref<!tpu.dma_semaphore, #tpu.memory_space<semaphore_mem>>) src(%dma_wait3A_489 : memref<2048xi32, #tpu.memory_space<hbm>>) dst(%arg11 : memref<2048xi32, #tpu.memory_space<vmem>>)
    %dma_wait3A_490 = arith.constant 0 : i32
    %dma_wait3A_491 = tpu.memref_slice %arg3[%dma_wait3A_490] : memref<16384xi32, #tpu.memory_space<hbm>> -> memref<2048xi32, #tpu.memory_space<hbm>>
    %dma_wait3A_492 = arith.constant 0 : i32
    %dma_wait3A_493 = tpu.memref_slice %arg3[%dma_wait3A_492] : memref<16384xi32, #tpu.memory_space<hbm>> -> memref<2048xi32, #tpu.memory_space<hbm>>
    tpu.wait_dma2 semaphore(%arg20 : memref<!tpu.dma_semaphore, #tpu.memory_space<semaphore_mem>>) src(%dma_wait3A_493 : memref<2048xi32, #tpu.memory_space<hbm>>) dst(%arg12 : memref<2048xi32, #tpu.memory_space<vmem>>)
    %dma_wait3A_494 = arith.constant 0 : i32
    %dma_wait3A_495 = tpu.memref_slice %arg3[%dma_wait3A_494] : memref<16384xi32, #tpu.memory_space<hbm>> -> memref<2048xi32, #tpu.memory_space<hbm>>
    %dma_wait3A_496 = arith.constant 0 : i32
    %dma_wait3A_497 = tpu.memref_slice %arg3[%dma_wait3A_496] : memref<16384xi32, #tpu.memory_space<hbm>> -> memref<2048xi32, #tpu.memory_space<hbm>>
    tpu.wait_dma2 semaphore(%arg21 : memref<!tpu.dma_semaphore, #tpu.memory_space<semaphore_mem>>) src(%dma_wait3A_497 : memref<2048xi32, #tpu.memory_space<hbm>>) dst(%arg13 : memref<2048xi32, #tpu.memory_space<vmem>>)
    %dma_wait3A_498 = arith.constant 0 : i32
    %dma_wait3A_499 = tpu.memref_slice %arg3[%dma_wait3A_498] : memref<16384xi32, #tpu.memory_space<hbm>> -> memref<2048xi32, #tpu.memory_space<hbm>>
    %dma_wait3A_500 = arith.constant 0 : i32
    %dma_wait3A_501 = tpu.memref_slice %arg3[%dma_wait3A_500] : memref<16384xi32, #tpu.memory_space<hbm>> -> memref<2048xi32, #tpu.memory_space<hbm>>
    tpu.wait_dma2 semaphore(%arg22 : memref<!tpu.dma_semaphore, #tpu.memory_space<semaphore_mem>>) src(%dma_wait3A_501 : memref<2048xi32, #tpu.memory_space<hbm>>) dst(%arg14 : memref<2048xi32, #tpu.memory_space<vmem>>)
    return
  }
}

</mosaic_0001>

<sc_bundles>
// kernel: kernel.3.cloned.1.call-start
scs
__scs_entry_jumppad:
0x0: {  	(pc) =	sbr.rel $0x88, $3  }
0x1: {  	(tag) =	ssettag $0x0;
	lr =	simm.s32 $0x1  }
0x2: {  	[smem:$0x3F9D] =	sst lr;
	_ =	strace $0xD0000000  }
0x3: {  	_ = 	snop  }
0x4: {  	_ = 	snop  }
0x5: {  	_ = 	snop  }
0x6: {  	_ = 	snop  }
0x7: {  	_ = 	snop  }
__scs_overlays_trampoline_lowered:
0x8: {  	[smem:$0x3FAC] =	sst s0  }
0x9: {  	[smem:$0x3FAD] =	sst s1  }
0xa: {  	[smem:$0x3FAE] =	sst s2  }
0xb: {  	[smem:$0x3FAF] =	sst s3  }
0xc: {  	[smem:$0x3FB0] =	sst s4  }
0xd: {  	[smem:$0x3FB1] =	sst s5  }
0xe: {  	[smem:$0x3FB2] =	sst s6  }
0xf: {  	[smem:$0x3FB3] =	sst s7  }
0x10: {  	[smem:$0x3FB4] =	sst s8  }
0x11: {  	[smem:$0x3FB5] =	sst s9;
	s0 =	simm.s32 @!p0 $0x0  }
0x12: {  	s1 =	sld [smem:$0x3F9B];
	s0 =	simm.s32 @p0 $0x1  }
0x13: {  	[smem:$0x3FB6] =	sst s0;
	s0 =	simm.s32 @!p1 $0x0  }
0x14: {  	s2 =	sld [smem:$0x3F9A];
	s0 =	simm.s32 @p1 $0x1  }
0x15: {  	[smem:$0x3FB7] =	sst s0;
	s0 =	simm.s32 @!p2 $0x0  }
0x16: {  	s3 =	sld [smem:$0x3FDB];
	s0 =	simm.s32 @p2 $0x1  }
0x17: {  	s4 =	simm.s32 $0x1BF5;
	[smem:$0x3FB9] =	sst s0  }
0x18: {  	s0 =	sld [smem:$0x3F9C];
	_ =	swait.ge [sflag:s4], $0x0  }
0x19: {  	s7 =	sld [smem:$0x3F9D]  }
0x1a: {  	s8 =	sadd.s32 $0xFFFFE003, lr  }
0x1b: {  	s9 =	sadd.s32 $0xFFFFFEF7, lr;
	s5 =	simm.s32 $0xFFFFFFFF;
	p2 =	slt.u32 s8, $0xFFFFF086  }
0x1c: {  	p1 =	slt.u32 s9, $0xF7A;
	s5 =	simm.s32 @!p2 $0x0  }
0x1d: {  	s5 =	simm.s32 @p1 $0x1;
	p0 =	seq.s32 s7, s2  }
0x1e: {  	s7 =	smul.u32 @!p0 $0xF7A, s2;
	p2 =	seq.s32 @!p0 s5, $0x0  }
0x1f: {  	s9 =	smul.u32 $0xF7A, s1;
	s8 =	simm.s32 @!p0 $0x1BF5;
	p2 =	por !p2, p0  }
0x20: {  	[sflag:s8] =	ssyncset.s32 @!p0 $0xFFFFF086;
	s6 =	sadd.s32 @!p0 s3, s7;
	s7 =	simm.s32 @!p0 $0x108  }
0x21: {  	s3 =	sadd.s32 s3, s9;
	s6 =	sadd.s32 @!p0 $0x88, s6;
	s7 =	simm.s32 @p2 $0x1082  }
0x22: {  	[simem:s7], [sflag:s8] =	dma.local @!p0 [hbm:s6], $0xF7A  }
0x23: {  	s9 =	sor.u32 $0xD0000000, s2;
	s6 =	simm.s32 $0x108;
	_ =	swait.ge @!p0 [sflag:s8], $0x0  }
0x24: {  	s3 =	sadd.s32 $0x88, s3;
	s6 =	simm.s32 @!p1 $0x1082;
	[sflag:s4] =	ssyncset.s32 $0xFFFFF086  }
0x25: {  	[simem:s6], [sflag:s4] =	dma.local [hbm:s3], $0xF7A  }
0x26: {  	[smem:$0x3F9D] =	sst s1;
	(tag) =	ssettag s2;
	_ =	strace s9  }
0x27: {  	s1 =	sld [smem:$0x3FAD]  }
0x28: {  	s2 =	sld [smem:$0x3FAE]  }
0x29: {  	s4 =	sld [smem:$0x3FB0]  }
0x2a: {  	p0 =	seq.s32 s5, $0x0;
	s5 =	sld [smem:$0x3FB1]  }
0x2b: {  	s6 =	sld [smem:$0x3FB2]  }
0x2c: {  	s7 =	sld [smem:$0x3FB3]  }
0x2d: {  	s3 =	simm.s32 $0x108;
	s8 =	sld [smem:$0x3FB4]  }
0x2e: {  	s3 =	simm.s32 @!p0 $0x1082;
	s9 =	sld [smem:$0x3FB5]  }
0x2f: {  	lr =	sadd.s32 s0, s3;
	s0 =	sld [smem:$0x3FAC]  }
0x30: {  	s3 =	sld [smem:$0x3FAF]  }
0x31: {  	[smem:$0x3FB8] =	sst s10  }
0x32: {  	s10 =	sld [smem:$0x3FB6];
	_ =	sdelay $0x3  }
0x33: {  	p0 =	seq.s32 s10, $0x1;
	s10 =	sld [smem:$0x3FB8];
	_ =	sdelay $0x3  }
0x34: {  	[smem:$0x3FB8] =	sst s10  }
0x35: {  	s10 =	sld [smem:$0x3FB7];
	_ =	sdelay $0x3  }
0x36: {  	p1 =	seq.s32 s10, $0x1;
	s10 =	sld [smem:$0x3FB8];
	_ =	sdelay $0x3  }
0x37: {  	[smem:$0x3FB8] =	sst s10  }
0x38: {  	s10 =	sld [smem:$0x3FB9]  }
0x39: {  	_ = 	snop;
	(pc) =	sbr.ind lr, $3  }
0x3a: {  	_ = 	snop  }
0x3b: {  	_ = 	snop  }
0x3c: {  	p2 =	seq.s32 s10, $0x1;
	s10 =	sld [smem:$0x3FB8]  }
0x3d: {  	_ =	shalt  }
0x3e: {  	_ =	shalt  }
0x3f: {  	_ =	shalt  }
0x40: {  	_ =	shalt  }
0x41: {  	_ =	shalt  }
0x42: {  	_ =	shalt  }
0x43: {  	_ =	shalt  }
0x44: {  	_ =	shalt  }
0x45: {  	_ =	shalt  }
0x46: {  	_ =	shalt  }
0x47: {  	_ =	shalt  }
0x48: {  	_ =	shalt  }
0x49: {  	_ =	shalt  }
0x4a: {  	_ =	shalt  }
0x4b: {  	_ =	shalt  }
0x4c: {  	_ =	shalt  }
0x4d: {  	_ =	shalt  }
0x4e: {  	_ =	shalt  }
0x4f: {  	_ =	shalt  }
0x50: {  	_ =	shalt  }
0x51: {  	_ =	shalt  }
0x52: {  	_ =	shalt  }
0x53: {  	_ =	shalt  }
0x54: {  	_ =	shalt  }
0x55: {  	_ =	shalt  }
0x56: {  	_ =	shalt  }
0x57: {  	_ =	shalt  }
0x58: {  	_ =	shalt  }
0x59: {  	_ =	shalt  }
0x5a: {  	_ =	shalt  }
0x5b: {  	_ =	shalt  }
0x5c: {  	_ =	shalt  }
0x5d: {  	_ =	shalt  }
0x5e: {  	_ =	shalt  }
0x5f: {  	_ =	shalt  }
0x60: {  	_ =	shalt  }
0x61: {  	_ =	shalt  }
0x62: {  	_ =	shalt  }
0x63: {  	_ =	shalt  }
0x64: {  	_ =	shalt  }
0x65: {  	_ =	shalt  }
0x66: {  	_ =	shalt  }
0x67: {  	_ =	shalt  }
0x68: {  	_ =	shalt  }
0x69: {  	_ =	shalt  }
0x6a: {  	_ =	shalt  }
0x6b: {  	_ =	shalt  }
0x6c: {  	_ =	shalt  }
0x6d: {  	_ =	shalt  }
0x6e: {  	_ =	shalt  }
0x6f: {  	_ =	shalt  }
0x70: {  	_ =	shalt  }
0x71: {  	_ =	shalt  }
0x72: {  	_ =	shalt  }
0x73: {  	_ =	shalt  }
0x74: {  	_ =	shalt  }
0x75: {  	_ =	shalt  }
0x76: {  	_ =	shalt  }
0x77: {  	_ =	shalt  }
0x78: {  	_ =	shalt  }
0x79: {  	_ =	shalt  }
0x7a: {  	_ =	shalt  }
0x7b: {  	_ =	shalt  }
0x7c: {  	_ =	shalt  }
0x7d: {  	_ =	shalt  }
0x7e: {  	_ =	shalt  }
0x7f: {  	_ =	shalt  }
0x80: {  	_ =	shalt  }
0x81: {  	_ =	shalt  }
0x82: {  	_ =	shalt  }
0x83: {  	_ =	shalt  }
0x84: {  	_ =	shalt  }
0x85: {  	_ =	shalt  }
0x86: {  	_ =	shalt  }
0x87: {  	_ =	shalt  }
.Lfunc_end0:
.L_simem_size_0:
called_computation_lowered:
.L_overlay_start_0:
0x88: {  	s2 =	sld [smem:$0x3FD9]  }
0x89: {  	s3 =	sld [smem:$0x3FFE];
	_ =	sdelay $0x1  }
0x8a: {  	s1 =	srdreg.scid  }
0x8b: {  	s0 =	sand.u32 $0x1, s1  }
0x8c: {  	s18 =	sshll.u32 s0, $0xA;
	s2 =	sadd.s32 s3, s2  }
0x8d: {  	s2 =	sadd.s32 s2, s18  }
0x8e: {  	[smem:$0x3FC4] =	sst s2  }
0x8f: {  	_ = 	snop  }
0x90: {  	s2 =	sld [smem:$0x3FC9]  }
0x91: {  	s19 =	sld [smem:$0x3FC8]  }
0x92: {  	s4 =	sld [smem:$0x3FC7]  }
0x93: {  	s5 =	sld [smem:$0x3FC6]  }
0x94: {  	s6 =	sld [smem:$0x3FD0];
	(tm) =	ssettm $0x1  }
0x95: {  	s7 =	sld [smem:$0x3FFB];
	_ =	sdelay $0x3  }
0x96: {  	_ =	strace s7  }
0x97: {  	s7 =	sld [smem:$0x3FFC];
	_ =	sdelay $0x3  }
0x98: {  	_ =	strace s7  }
0x99: {  	s7 =	sld [smem:$0x3FFD];
	_ =	sdelay $0x3  }
0x9a: {  	_ =	strace s7  }
0x9b: {  	_ =	strace $0x8FFFFFFF  }
0x9c: {  	s20 =	sld [smem:$0x3FDB];
	_ =	sdelay $0x1  }
0x9d: {  	s8 =	simm.s32 $_scs_section_size  }
0x9e: {  	s9 =	simm.s32 $_size__tile_overlayer_lowered;
	s10 =	simm.s32 $_tile_overlayer_lowered  }
0x9f: {  	s23 =	simm.s32 $0x1BFF;
	s22 =	sshll.u32 s10, $0x1;
	s7 =	sadd.s32 s8, s20  }
0xa0: {  	s11 =	simm.s32 $0x0;
	s21 =	sshll.u32 s9, $0x1;
	s9 =	sadd.s32 s22, s7  }
0xa1: {  	[timem:s11], [sflag:s23] =	dma.local [hbm:s9], s21  }
0xa2: {  	_ =	swait.ge [sflag:s23], s21  }
0xa3: {  	s8 =	ssub.s32 $0x0, s21;
	[sflag:s23] =	ssyncset.done $0x0  }
0xa4: {  	[sflag:s23] =	ssyncadd.s32 s8;
	_ =	sdelay $0x1  }
0xa5: {  	s24 =	simm.s32 $0x1B8B  }
0xa6: {  	_ =	swait.ge [sflag:s24], $0x1  }
0xa7: {  	[sflag:s24] =	ssyncset.done $0x0  }
0xa8: {  	s25 =	simm.s32 $0x1B8E;
	[sflag:s24] =	ssyncadd.s32 $0xFFFFFFFF  }
0xa9: {  	s26 =	simm.s32 $execute0_lowered;
	[smem:$0x3FD2] =	sst s25  }
0xaa: {  	s8 =	sshll.u32 s26, $0x1;
	_ =	strace $0x80000046;
	[dreg:$0x1] =	wrdreg $0xFFFFFFFF  }
0xab: {  	s28 =	simm.s32 $_size_execute0_lowered;
	s7 =	sadd.s32 s7, s8;
	[dreg:$0x0] =	wrdreg $0x0  }
0xac: {  	s8 =	sshll.u32 s28, $0x1;
	[dreg:$0x2] =	wrdreg s7  }
0xad: {  	[dreg:$0x3] =	wrdreg s8  }
0xae: {  	[dreg:$0x4] =	wrdreg $0xC0  }
0xaf: {  	_ =	task [dreg:s11], $0x5FFFF  }
0xb0: {  	[dreg:$0x1] =	wrdreg $0xFFFFFFFF  }
0xb1: {  	[dreg:$0x0] =	wrdreg $0x60  }
0xb2: {  	[dreg:$0x2] =	wrdreg s2  }
0xb3: {  	[dreg:$0x3] =	wrdreg s19  }
0xb4: {  	[dreg:$0x4] =	wrdreg s4  }
0xb5: {  	[dreg:$0x5] =	wrdreg s5  }
0xb6: {  	[dreg:$0x6] =	wrdreg s6  }
0xb7: {  	[dreg:$0x7] =	wrdreg $0x9  }
0xb8: {  	_ =	task.clear_ibuf [dreg:s11], $0x8FFFF;
	_ =	strace $0x90000046  }
0xb9: {  	s29 =	simm.s32 $0x9;
	_ =	strace $0x80000048  }
0xba: {  	_ =	swait.ge [sflag:s29], $0x1  }
0xbb: {  	[sflag:s29] =	ssyncadd.s32 $0xFFFFFFFF  }
0xbc: {  	_ =	strace $0x90000048  }
0xbd: {  	_ =	sfence  }
0xbe: {  	s30 =	sld [smem:$0x0];
	_ =	sdelay $0x2  }
0xbf: {  	s31 =	sshll.u32 s1, $0xD;
	s1 =	sshrl.u32 s1, $0x2  }
0xc0: {  	s3 =	sand.u32 $0x4000, s31;
	s1 =	sadd.s32 s1, s30  }
0xc1: {  	s0 =	sor.u32 s3, s0;
	s1 =	sshll.u32 s1, $0x11  }
0xc2: {  	s0 =	sor.u32 s1, s0  }
0xc3: {  	s0 =	sadd.s32 $0x8F2B, s0  }
0xc4: {  	[sflag:s0] =	ssyncadd.remote.s32 $0x1  }
0xc5: {  	_ =	sfence.sel $0xFFFF  }
0xc6: {  	[dreg:$0x0] =	wrdreg $0xFFFFFFFF;
	(pc) =	sbr.abs _section_cstart, $3  }
0xc7: {  	[dreg:$0x1] =	wrdreg $0xFFFFFFFF  }
0xc8: {  	_ =	task.clear_ibuf [dreg:s11], $0x2FFFF;
	_ =	strace $0x9FFFFFFF  }
0xc9: {  	(tm) =	ssettm $0x7FFFFFFF  }
tec
execute0_lowered:
.L_overlay_start_1:
0x0: {  	(tag) =	ssettag $0x1  }
0x1: {  	s0 =	rddreg [dreg:$0x0]  }
0x2: {  	s1 =	rddreg [dreg:$0x1]  }
0x3: {  	s3 =	rddreg [dreg:$0x2]  }
0x4: {  	s9 =	rddreg [dreg:$0x3];
	s2 =	srdreg.scid  }
0x5: {  	s10 =	rddreg [dreg:$0x4];
	s7 =	stileid.u32;
	s28 =	simm.s32 $0x400  }
0x6: {  	s29 =	simm.s32 $0x18700;
	s30 =	simm.s32 $0x1;
	s31 =	simm.s32 $0x2  }
0x7: {  	s5 =	sand.u32 $0x1, s2;
	s2 =	simm.s32 $0x0;
	s19 =	sshll.u32 s7, $0x9  }
0x8: {  	s7 =	sshrl.u32 s7, $0x1;
	s12 =	sadd.s32 $0x700, s1;
	s4 =	ssub.s32 $0x2, s5  }
0x9: {  	[smem:$0x7FF] =	sst s2;
	s8 =	sshll.u32 s5, $0x8;
	s14 =	smul.u32 $0xC3800, s7  }
0xa: {  	s5 =	sadd.s32 $0x200, s1;
	s15 =	sshll.u32 s7, $0x11;
	s6 =	sshrl.u32 s4, $0x1  }
0xb: {  	s7 =	sadd.s32 $0x400, s1;
	s13 =	ssub.s32 s4, s6;
	s6 =	sand.u32 $0x200, s19  }
0xc: {  	_ =	strace $0x80000047;
	s4 =	sadd.s32 $0x100, s1;
	s16 =	sor.u32 s8, s6  }
0xd: {  	s6 =	sadd.s32 $0x300, s1;
	s26 =	smax.u32 s13, $0x1;
	s13 =	simm.s32 $0x7  }
0xe: {  	s8 =	sor.u32 s15, s16;
	s11 =	sor.u32 s14, s16;
	s16 =	sor.u32 $0x80, s16  }
0xf: {  	[dreg:$0xe] =	wrdreg s26;
	s26 =	simm.s32 $0x80;
	s17 =	sshrl.u32 s8, $0x3  }
0x10: {  	s18 =	sshrl.u32 s11, $0x3;
	s8 =	sadd.s32 $0x500, s1;
	s11 =	sadd.s32 $0x600, s1  }
0x11: {  	s15 =	sor.u32 s15, s16;
	s14 =	sor.u32 s14, s16;
	s20 =	sadd.s32 s0, s17  }
0x12: {  	s16 =	simm.s32 $0x0;
	s21 =	sadd.s32 s3, s18;
	[dreg:$0x6] =	wrdreg s20  }
0x13: {  	s18 =	sadd.s32 s9, s18;
	s22 =	sadd.s32 s10, s17;
	[dreg:$0x7] =	wrdreg s21  }
0x14: {  	s15 =	sshrl.u32 s15, $0x3;
	s14 =	sshrl.u32 s14, $0x3;
	[dreg:$0x8] =	wrdreg s18  }
0x15: {  	[dreg:$0x9] =	wrdreg s22;
	s0 =	sadd.s32 s0, s15;
	s23 =	sadd.s32 s3, s14  }
0x16: {  	s24 =	sadd.s32 s9, s14;
	s25 =	sadd.s32 s10, s15;
	s20 =	simm.s32 $0x1C700  }
0x17: {  	s21 =	simm.s32 $0x1CF00;
	s22 =	simm.s32 $0x1D700;
	[dreg:$0xa] =	wrdreg s0  }
0x18: {  	s3 =	simm.s32 $0x4;
	s9 =	simm.s32 $0x5;
	[dreg:$0xb] =	wrdreg s23  }
0x19: {  	s10 =	simm.s32 $0x6;
	s14 =	simm.s32 $0x8;
	[dreg:$0xc] =	wrdreg s24  }
0x1a: {  	s15 =	simm.s32 $0x9;
	[dreg:$0xd] =	wrdreg s25;
	s23 =	simm.s32 $0x1DF00  }
0x1b: {  	s24 =	simm.s32 $0x1E700;
	s25 =	simm.s32 $0x1EF00;
	s0 =	simm.s32 $0x3  }
.LBB2_1:
0x1c: {  	[tilespmem:s20], [sflag:$0x3] =	stream.linear.gather [hbm4b:s1+s2], $0x800, $0x38;
	[tilespmem:$0x1F700] =	vst v63  }
0x1d: {  	_ = 	snop  }
0x1e: {  	[tilespmem:s21], [sflag:$0x4] =	stream.linear.gather [hbm4b:s4+s2], $0x800, $0x38;
	[tilespmem:$0x1F700] =	vst v63  }
0x1f: {  	_ = 	snop  }
0x20: {  	[tilespmem:s22], [sflag:$0x5] =	stream.linear.gather [hbm4b:s5+s2], $0x800, $0x38;
	[tilespmem:$0x1F700] =	vst v63  }
0x21: {  	_ = 	snop  }
0x22: {  	[tilespmem:s23], [sflag:$0x6] =	stream.linear.gather [hbm4b:s6+s2], $0x800, $0x38;
	[tilespmem:$0x1F700] =	vst v63  }
0x23: {  	_ = 	snop  }
0x24: {  	[tilespmem:s24], [sflag:$0x7] =	stream.linear.gather [hbm4b:s7+s2], $0x800, $0x38;
	[tilespmem:$0x1F700] =	vst v63  }
0x25: {  	_ = 	snop  }
0x26: {  	[tilespmem:s25], [sflag:$0x8] =	stream.linear.gather [hbm4b:s8+s2], $0x800, $0x38;
	[tilespmem:$0x1F700] =	vst v63  }
0x27: {  	s17 =	rddreg [dreg:$0x6]  }
0x28: {  	[tilespmem:s29], [sflag:$0x2] =	stream.strided.gather [hbm4b:s17+s26], $0x4000, s28, s26, $0x38;
	[tilespmem:$0x1F700] =	vst v63  }
0x29: {  	s18 =	rddreg [dreg:$0x7]  }
0x2a: {  	[tilespmem:s2], [sflag:$0x1] =	stream.strided.gather [hbm4b:s18+s26], $0x18700, s28, s26, $0x38;
	[tilespmem:$0x1F700] =	vst v63  }
0x2b: {  	_ =	swait.ge [sflag:s30], $0x18700  }
0x2c: {  	[sflag:s30] =	ssyncset.done $0x0  }
0x2d: {  	[sflag:s30] =	ssyncadd.s32 $0xFFFE7900  }
0x2e: {  	_ =	swait.ge [sflag:s31], $0x4000  }
0x2f: {  	[sflag:s31] =	ssyncset.done $0x0  }
0x30: {  	[sflag:s31] =	ssyncadd.s32 $0xFFFFC000  }
0x31: {  	_ =	swait.ge [sflag:s0], $0x800  }
0x32: {  	[sflag:s0] =	ssyncset.done $0x0  }
0x33: {  	s19 =	simm.s32 $0x1C740;
	[sflag:s0] =	ssyncadd.s32 $0xFFFFF800  }
0x34: {  	v0 =	vld [tilespmem:s19+$0x30]  }
0x35: {  	v1 =	vld [tilespmem:s19+$0xFFFFFFD0]  }
0x36: {  	v2 =	vld [tilespmem:s19+$0xFFFFFFE0]  }
0x37: {  	v3 =	vld [tilespmem:s19+$0xFFFFFFF0]  }
0x38: {  	v5 =	vld [tilespmem:s19+$0x0]  }
0x39: {  	v6 =	vld [tilespmem:s19+$0x10]  }
0x3a: {  	v7 =	vld [tilespmem:s19+$0x20]  }
0x3b: {  	s17 =	simm.s32 $0x18740;
	v8 =	vld [tilespmem:s19+$0xFFFFFFC0]  }
0x3c: {  	v11 =	vld [tilespmem:s17+$0x30]  }
0x3d: {  	v14 =	vld [tilespmem:s17+$0xFFFFFFD0]  }
0x3e: {  	v9 =	vld [tilespmem:s17+$0xFFFFFFE0]  }
0x3f: {  	v10 =	vld.idx.msk [tilespmem:v0+s2+$0x0], $0xffff  }
0x40: {  	v12 =	vld.idx.msk [tilespmem:v1+s2+$0x0], $0xffff  }
0x41: {  	v4 =	vld.idx.msk [tilespmem:v2+s2+$0x0], $0xffff  }
0x42: {  	v3 =	vld.idx.msk [tilespmem:v3+s2+$0x0], $0xffff  }
0x43: {  	v13 =	vld.idx.msk [tilespmem:v8+s2+$0x0], $0xffff  }
0x44: {  	v1 =	vld.idx.msk [tilespmem:v7+s2+$0x0], $0xffff  }
0x45: {  	v7 =	vld [tilespmem:s17+$0xFFFFFFC0]  }
0x46: {  	v2 =	vld.idx.msk [tilespmem:v5+s2+$0x0], $0xffff  }
0x47: {  	v0 =	vld.idx.msk [tilespmem:v6+s2+$0x0], $0xffff  }
0x48: {  	v8 =	vld [tilespmem:s17+$0xFFFFFFF0]  }
0x49: {  	v6 =	vld [tilespmem:s17+$0x0];
	v10 =	vmul.f32 v11, v10  }
0x4a: {  	v5 =	vld [tilespmem:s17+$0x10];
	v11 =	vmul.f32 v7, v13  }
0x4b: {  	s18 =	simm.s32 $0x0;
	s19 =	simm.s32 $0x1C7C0;
	v7 =	vld [tilespmem:s17+$0x20];
	[tilespmem:s17+$0x30] =	vst v10;
	v10 =	vmul.f32 v14, v12  }
.LBB2_2:
0x4c: {  	v12 =	vld [tilespmem:s19+$0x30];
	s18 =	sadd.s32 $0x80, s18;
	[tilespmem:s17+$0xFFFFFFC0] =	vst v11;
	v4 =	vmul.f32 v9, v4  }
0x4d: {  	v9 =	vld [tilespmem:s19+$0xFFFFFFD0];
	p0 =	slt.u32 s18, $0x780;
	[tilespmem:s17+$0xFFFFFFD0] =	vst v10;
	v3 =	vmul.f32 v8, v3  }
0x4e: {  	v8 =	vld [tilespmem:s19+$0xFFFFFFE0];
	[tilespmem:s17+$0xFFFFFFE0] =	vst v4;
	v2 =	vmul.f32 v6, v2  }
0x4f: {  	v6 =	vld [tilespmem:s19+$0xFFFFFFF0];
	[tilespmem:s17+$0xFFFFFFF0] =	vst v3;
	v0 =	vmul.f32 v5, v0  }
0x50: {  	v5 =	vld [tilespmem:s19+$0x0];
	[tilespmem:s17+$0x0] =	vst v2;
	v1 =	vmul.f32 v7, v1  }
0x51: {  	v7 =	vld [tilespmem:s19+$0x10];
	[tilespmem:s17+$0x10] =	vst v0  }
0x52: {  	v10 =	vld [tilespmem:s19+$0x20];
	[tilespmem:s17+$0x20] =	vst v1  }
0x53: {  	v1 =	vld [tilespmem:s19+$0xFFFFFFC0]  }
0x54: {  	s17 =	sadd.s32 $0x80, s17;
	v11 =	vld.idx.msk [tilespmem:v12+s2+$0x0], $0xffff  }
0x55: {  	v12 =	vld [tilespmem:s17+$0x30]  }
0x56: {  	v13 =	vld.idx.msk [tilespmem:v9+s2+$0x0], $0xffff  }
0x57: {  	v4 =	vld.idx.msk [tilespmem:v8+s2+$0x0], $0xffff  }
0x58: {  	v3 =	vld.idx.msk [tilespmem:v6+s2+$0x0], $0xffff  }
0x59: {  	v2 =	vld.idx.msk [tilespmem:v5+s2+$0x0], $0xffff  }
0x5a: {  	v0 =	vld.idx.msk [tilespmem:v7+s2+$0x0], $0xffff;
	v5 =	vmul.f32 v12, v11  }
0x5b: {  	v7 =	vld.idx.msk [tilespmem:v1+s2+$0x0], $0xffff  }
0x5c: {  	v1 =	vld.idx.msk [tilespmem:v10+s2+$0x0], $0xffff;
	[tilespmem:s17+$0x30] =	vst v5  }
0x5d: {  	v5 =	vld [tilespmem:s17+$0xFFFFFFC0]  }
0x5e: {  	v10 =	vld [tilespmem:s17+$0xFFFFFFD0]  }
.Ltmp0:
0x5f: {  	v9 =	vld [tilespmem:s17+$0xFFFFFFE0];
	(pc) =	sbr.rel @p0 .LBB2_2-.Ltmp0, $4  }
0x60: {  	v8 =	vld [tilespmem:s17+$0xFFFFFFF0]  }
0x61: {  	v6 =	vld [tilespmem:s17+$0x0]  }
0x62: {  	v11 =	vmul.f32 v5, v7;
	v5 =	vld [tilespmem:s17+$0x10]  }
0x63: {  	s19 =	sadd.s32 $0x80, s19;
	v10 =	vmul.f32 v10, v13;
	v7 =	vld [tilespmem:s17+$0x20]  }
0x64: {  	[tilespmem:s17+$0xFFFFFFC0] =	vst v11;
	v4 =	vmul.f32 v9, v4  }
0x65: {  	[tilespmem:s17+$0xFFFFFFD0] =	vst v10;
	v3 =	vmul.f32 v8, v3  }
0x66: {  	[tilespmem:s17+$0xFFFFFFE0] =	vst v4;
	v2 =	vmul.f32 v6, v2  }
0x67: {  	[tilespmem:s17+$0xFFFFFFF0] =	vst v3;
	v0 =	vmul.f32 v5, v0  }
0x68: {  	[tilespmem:s17+$0x0] =	vst v2;
	v1 =	vmul.f32 v7, v1  }
0x69: {  	[tilespmem:s17+$0x10] =	vst v0  }
0x6a: {  	[tilespmem:s17+$0x20] =	vst v1  }
0x6b: {  	[tilespmem:s20], [sflag:$0x3] =	stream.linear.gather [hbm4b:s11+s2], $0x800, $0x38;
	[tilespmem:$0x1F700] =	vst v63  }
0x6c: {  	_ =	swait.ge [sflag:s3], $0x800  }
0x6d: {  	[sflag:s3] =	ssyncset.done $0x0  }
0x6e: {  	s19 =	simm.s32 $0x1CF40;
	[sflag:s3] =	ssyncadd.s32 $0xFFFFF800  }
0x6f: {  	v0 =	vld [tilespmem:s19+$0x30]  }
0x70: {  	v1 =	vld [tilespmem:s19+$0xFFFFFFD0]  }
0x71: {  	v2 =	vld [tilespmem:s19+$0xFFFFFFE0]  }
0x72: {  	v3 =	vld [tilespmem:s19+$0xFFFFFFF0]  }
0x73: {  	v5 =	vld [tilespmem:s19+$0x0]  }
0x74: {  	v6 =	vld [tilespmem:s19+$0x10]  }
0x75: {  	v7 =	vld [tilespmem:s19+$0x20]  }
0x76: {  	s17 =	simm.s32 $0x18F70;
	v8 =	vld [tilespmem:s19+$0xFFFFFFC0]  }
0x77: {  	v11 =	vld [tilespmem:s17+$0x0]  }
0x78: {  	v14 =	vld [tilespmem:s17+$0xFFFFFFA0]  }
0x79: {  	v9 =	vld [tilespmem:s17+$0xFFFFFFB0]  }
0x7a: {  	v10 =	vld.idx.msk [tilespmem:v0+s2+$0x0], $0xffff  }
0x7b: {  	v12 =	vld.idx.msk [tilespmem:v1+s2+$0x0], $0xffff  }
0x7c: {  	v4 =	vld.idx.msk [tilespmem:v2+s2+$0x0], $0xffff  }
0x7d: {  	v3 =	vld.idx.msk [tilespmem:v3+s2+$0x0], $0xffff  }
0x7e: {  	v13 =	vld.idx.msk [tilespmem:v8+s2+$0x0], $0xffff  }
0x7f: {  	v1 =	vld.idx.msk [tilespmem:v7+s2+$0x0], $0xffff  }
0x80: {  	v7 =	vld [tilespmem:s17+$0xFFFFFF90]  }
0x81: {  	v2 =	vld.idx.msk [tilespmem:v5+s2+$0x0], $0xffff  }
0x82: {  	v0 =	vld.idx.msk [tilespmem:v6+s2+$0x0], $0xffff  }
0x83: {  	v8 =	vld [tilespmem:s17+$0xFFFFFFC0]  }
0x84: {  	v6 =	vld [tilespmem:s17+$0xFFFFFFD0];
	v10 =	vmul.f32 v11, v10  }
0x85: {  	v5 =	vld [tilespmem:s17+$0xFFFFFFE0];
	v11 =	vmul.f32 v7, v13  }
0x86: {  	s18 =	simm.s32 $0x0;
	s19 =	simm.s32 $0x1CFC0;
	v7 =	vld [tilespmem:s17+$0xFFFFFFF0];
	[tilespmem:s17+$0x0] =	vst v10;
	v10 =	vmul.f32 v14, v12  }
.LBB2_4:
0x87: {  	v12 =	vld [tilespmem:s19+$0x30];
	s18 =	sadd.s32 $0x80, s18;
	[tilespmem:s17+$0xFFFFFF90] =	vst v11;
	v4 =	vmul.f32 v9, v4  }
0x88: {  	v9 =	vld [tilespmem:s19+$0xFFFFFFD0];
	p0 =	slt.u32 s18, $0x780;
	[tilespmem:s17+$0xFFFFFFA0] =	vst v10;
	v3 =	vmul.f32 v8, v3  }
0x89: {  	v8 =	vld [tilespmem:s19+$0xFFFFFFE0];
	[tilespmem:s17+$0xFFFFFFB0] =	vst v4;
	v2 =	vmul.f32 v6, v2  }
0x8a: {  	v6 =	vld [tilespmem:s19+$0xFFFFFFF0];
	[tilespmem:s17+$0xFFFFFFC0] =	vst v3;
	v0 =	vmul.f32 v5, v0  }
0x8b: {  	v5 =	vld [tilespmem:s19+$0x0];
	[tilespmem:s17+$0xFFFFFFD0] =	vst v2;
	v1 =	vmul.f32 v7, v1  }
0x8c: {  	v7 =	vld [tilespmem:s19+$0x10];
	[tilespmem:s17+$0xFFFFFFE0] =	vst v0  }
0x8d: {  	v10 =	vld [tilespmem:s19+$0x20];
	[tilespmem:s17+$0xFFFFFFF0] =	vst v1  }
0x8e: {  	v1 =	vld [tilespmem:s19+$0xFFFFFFC0]  }
0x8f: {  	s17 =	sadd.s32 $0x80, s17;
	v11 =	vld.idx.msk [tilespmem:v12+s2+$0x0], $0xffff  }
0x90: {  	v12 =	vld [tilespmem:s17+$0x0]  }
0x91: {  	v13 =	vld.idx.msk [tilespmem:v9+s2+$0x0], $0xffff  }
0x92: {  	v4 =	vld.idx.msk [tilespmem:v8+s2+$0x0], $0xffff  }
0x93: {  	v3 =	vld.idx.msk [tilespmem:v6+s2+$0x0], $0xffff  }
0x94: {  	v2 =	vld.idx.msk [tilespmem:v5+s2+$0x0], $0xffff  }
0x95: {  	v0 =	vld.idx.msk [tilespmem:v7+s2+$0x0], $0xffff;
	v5 =	vmul.f32 v12, v11  }
0x96: {  	v7 =	vld.idx.msk [tilespmem:v1+s2+$0x0], $0xffff  }
0x97: {  	v1 =	vld.idx.msk [tilespmem:v10+s2+$0x0], $0xffff;
	[tilespmem:s17+$0x0] =	vst v5  }
0x98: {  	v5 =	vld [tilespmem:s17+$0xFFFFFF90]  }
0x99: {  	v10 =	vld [tilespmem:s17+$0xFFFFFFA0]  }
.Ltmp1:
0x9a: {  	v9 =	vld [tilespmem:s17+$0xFFFFFFB0];
	(pc) =	sbr.rel @p0 .LBB2_4-.Ltmp1, $4  }
0x9b: {  	v8 =	vld [tilespmem:s17+$0xFFFFFFC0]  }
0x9c: {  	v6 =	vld [tilespmem:s17+$0xFFFFFFD0]  }
0x9d: {  	v11 =	vmul.f32 v5, v7;
	v5 =	vld [tilespmem:s17+$0xFFFFFFE0]  }
0x9e: {  	s19 =	sadd.s32 $0x80, s19;
	v10 =	vmul.f32 v10, v13;
	v7 =	vld [tilespmem:s17+$0xFFFFFFF0]  }
0x9f: {  	[tilespmem:s17+$0xFFFFFF90] =	vst v11;
	v4 =	vmul.f32 v9, v4  }
0xa0: {  	[tilespmem:s17+$0xFFFFFFA0] =	vst v10;
	v3 =	vmul.f32 v8, v3  }
0xa1: {  	[tilespmem:s17+$0xFFFFFFB0] =	vst v4;
	v2 =	vmul.f32 v6, v2  }
0xa2: {  	[tilespmem:s17+$0xFFFFFFC0] =	vst v3;
	v0 =	vmul.f32 v5, v0  }
0xa3: {  	[tilespmem:s17+$0xFFFFFFD0] =	vst v2;
	v1 =	vmul.f32 v7, v1  }
0xa4: {  	[tilespmem:s17+$0xFFFFFFE0] =	vst v0  }
0xa5: {  	[tilespmem:s17+$0xFFFFFFF0] =	vst v1  }
0xa6: {  	[tilespmem:s21], [sflag:$0x4] =	stream.linear.gather [hbm4b:s12+s2], $0x800, $0x38;
	[tilespmem:$0x1F700] =	vst v63  }
0xa7: {  	_ =	swait.ge [sflag:s9], $0x800  }
0xa8: {  	[sflag:s9] =	ssyncset.done $0x0  }
0xa9: {  	s19 =	simm.s32 $0x1D740;
	[sflag:s9] =	ssyncadd.s32 $0xFFFFF800  }
0xaa: {  	v0 =	vld [tilespmem:s19+$0x30]  }
0xab: {  	v1 =	vld [tilespmem:s19+$0xFFFFFFD0]  }
0xac: {  	v2 =	vld [tilespmem:s19+$0xFFFFFFE0]  }
0xad: {  	v3 =	vld [tilespmem:s19+$0xFFFFFFF0]  }
0xae: {  	v5 =	vld [tilespmem:s19+$0x0]  }
0xaf: {  	v6 =	vld [tilespmem:s19+$0x10]  }
0xb0: {  	v7 =	vld [tilespmem:s19+$0x20]  }
0xb1: {  	s17 =	simm.s32 $0x19770;
	v8 =	vld [tilespmem:s19+$0xFFFFFFC0]  }
0xb2: {  	v11 =	vld [tilespmem:s17+$0x0]  }
0xb3: {  	v14 =	vld [tilespmem:s17+$0xFFFFFFA0]  }
0xb4: {  	v9 =	vld [tilespmem:s17+$0xFFFFFFB0]  }
0xb5: {  	v10 =	vld.idx.msk [tilespmem:v0+s2+$0x0], $0xffff  }
0xb6: {  	v12 =	vld.idx.msk [tilespmem:v1+s2+$0x0], $0xffff  }
0xb7: {  	v4 =	vld.idx.msk [tilespmem:v2+s2+$0x0], $0xffff  }
0xb8: {  	v3 =	vld.idx.msk [tilespmem:v3+s2+$0x0], $0xffff  }
0xb9: {  	v13 =	vld.idx.msk [tilespmem:v8+s2+$0x0], $0xffff  }
0xba: {  	v1 =	vld.idx.msk [tilespmem:v7+s2+$0x0], $0xffff  }
0xbb: {  	v7 =	vld [tilespmem:s17+$0xFFFFFF90]  }
0xbc: {  	v2 =	vld.idx.msk [tilespmem:v5+s2+$0x0], $0xffff  }
0xbd: {  	v0 =	vld.idx.msk [tilespmem:v6+s2+$0x0], $0xffff  }
0xbe: {  	v8 =	vld [tilespmem:s17+$0xFFFFFFC0]  }
0xbf: {  	v6 =	vld [tilespmem:s17+$0xFFFFFFD0];
	v10 =	vmul.f32 v11, v10  }
0xc0: {  	v5 =	vld [tilespmem:s17+$0xFFFFFFE0];
	v11 =	vmul.f32 v7, v13  }
0xc1: {  	s18 =	simm.s32 $0x0;
	s19 =	simm.s32 $0x1D7C0;
	v7 =	vld [tilespmem:s17+$0xFFFFFFF0];
	[tilespmem:s17+$0x0] =	vst v10;
	v10 =	vmul.f32 v14, v12  }
.LBB2_6:
0xc2: {  	v12 =	vld [tilespmem:s19+$0x30];
	s18 =	sadd.s32 $0x80, s18;
	[tilespmem:s17+$0xFFFFFF90] =	vst v11;
	v4 =	vmul.f32 v9, v4  }
0xc3: {  	v9 =	vld [tilespmem:s19+$0xFFFFFFD0];
	p0 =	slt.u32 s18, $0x780;
	[tilespmem:s17+$0xFFFFFFA0] =	vst v10;
	v3 =	vmul.f32 v8, v3  }
0xc4: {  	v8 =	vld [tilespmem:s19+$0xFFFFFFE0];
	[tilespmem:s17+$0xFFFFFFB0] =	vst v4;
	v2 =	vmul.f32 v6, v2  }
0xc5: {  	v6 =	vld [tilespmem:s19+$0xFFFFFFF0];
	[tilespmem:s17+$0xFFFFFFC0] =	vst v3;
	v0 =	vmul.f32 v5, v0  }
0xc6: {  	v5 =	vld [tilespmem:s19+$0x0];
	[tilespmem:s17+$0xFFFFFFD0] =	vst v2;
	v1 =	vmul.f32 v7, v1  }
0xc7: {  	v7 =	vld [tilespmem:s19+$0x10];
	[tilespmem:s17+$0xFFFFFFE0] =	vst v0  }
0xc8: {  	v10 =	vld [tilespmem:s19+$0x20];
	[tilespmem:s17+$0xFFFFFFF0] =	vst v1  }
0xc9: {  	v1 =	vld [tilespmem:s19+$0xFFFFFFC0]  }
0xca: {  	s17 =	sadd.s32 $0x80, s17;
	v11 =	vld.idx.msk [tilespmem:v12+s2+$0x0], $0xffff  }
0xcb: {  	v12 =	vld [tilespmem:s17+$0x0]  }
0xcc: {  	v13 =	vld.idx.msk [tilespmem:v9+s2+$0x0], $0xffff  }
0xcd: {  	v4 =	vld.idx.msk [tilespmem:v8+s2+$0x0], $0xffff  }
0xce: {  	v3 =	vld.idx.msk [tilespmem:v6+s2+$0x0], $0xffff  }
0xcf: {  	v2 =	vld.idx.msk [tilespmem:v5+s2+$0x0], $0xffff  }
0xd0: {  	v0 =	vld.idx.msk [tilespmem:v7+s2+$0x0], $0xffff;
	v5 =	vmul.f32 v12, v11  }
0xd1: {  	v7 =	vld.idx.msk [tilespmem:v1+s2+$0x0], $0xffff  }
0xd2: {  	v1 =	vld.idx.msk [tilespmem:v10+s2+$0x0], $0xffff;
	[tilespmem:s17+$0x0] =	vst v5  }
0xd3: {  	v5 =	vld [tilespmem:s17+$0xFFFFFF90]  }
0xd4: {  	v10 =	vld [tilespmem:s17+$0xFFFFFFA0]  }
.Ltmp2:
0xd5: {  	v9 =	vld [tilespmem:s17+$0xFFFFFFB0];
	(pc) =	sbr.rel @p0 .LBB2_6-.Ltmp2, $4  }
0xd6: {  	v8 =	vld [tilespmem:s17+$0xFFFFFFC0]  }
0xd7: {  	v6 =	vld [tilespmem:s17+$0xFFFFFFD0]  }
0xd8: {  	v11 =	vmul.f32 v5, v7;
	v5 =	vld [tilespmem:s17+$0xFFFFFFE0]  }
0xd9: {  	s19 =	sadd.s32 $0x80, s19;
	v10 =	vmul.f32 v10, v13;
	v7 =	vld [tilespmem:s17+$0xFFFFFFF0]  }
0xda: {  	[tilespmem:s17+$0xFFFFFF90] =	vst v11;
	v4 =	vmul.f32 v9, v4  }
0xdb: {  	[tilespmem:s17+$0xFFFFFFA0] =	vst v10;
	v3 =	vmul.f32 v8, v3  }
0xdc: {  	[tilespmem:s17+$0xFFFFFFB0] =	vst v4;
	v2 =	vmul.f32 v6, v2  }
0xdd: {  	[tilespmem:s17+$0xFFFFFFC0] =	vst v3;
	v0 =	vmul.f32 v5, v0  }
0xde: {  	[tilespmem:s17+$0xFFFFFFD0] =	vst v2;
	v1 =	vmul.f32 v7, v1  }
0xdf: {  	[tilespmem:s17+$0xFFFFFFE0] =	vst v0  }
0xe0: {  	[tilespmem:s17+$0xFFFFFFF0] =	vst v1  }
0xe1: {  	[tilespmem:s22], [sflag:$0x5] =	stream.linear.gather [hbm4b:s1+s2], $0x800, $0x38;
	[tilespmem:$0x1F700] =	vst v63  }
0xe2: {  	_ =	swait.ge [sflag:s10], $0x800  }
0xe3: {  	[sflag:s10] =	ssyncset.done $0x0  }
0xe4: {  	s19 =	simm.s32 $0x1DF40;
	[sflag:s10] =	ssyncadd.s32 $0xFFFFF800  }
0xe5: {  	v0 =	vld [tilespmem:s19+$0x30]  }
0xe6: {  	v1 =	vld [tilespmem:s19+$0xFFFFFFD0]  }
0xe7: {  	v2 =	vld [tilespmem:s19+$0xFFFFFFE0]  }
0xe8: {  	v3 =	vld [tilespmem:s19+$0xFFFFFFF0]  }
0xe9: {  	v5 =	vld [tilespmem:s19+$0x0]  }
0xea: {  	v6 =	vld [tilespmem:s19+$0x10]  }
0xeb: {  	v7 =	vld [tilespmem:s19+$0x20]  }
0xec: {  	s17 =	simm.s32 $0x19F70;
	v8 =	vld [tilespmem:s19+$0xFFFFFFC0]  }
0xed: {  	v11 =	vld [tilespmem:s17+$0x0]  }
0xee: {  	v14 =	vld [tilespmem:s17+$0xFFFFFFA0]  }
0xef: {  	v9 =	vld [tilespmem:s17+$0xFFFFFFB0]  }
0xf0: {  	v10 =	vld.idx.msk [tilespmem:v0+s2+$0x0], $0xffff  }
0xf1: {  	v12 =	vld.idx.msk [tilespmem:v1+s2+$0x0], $0xffff  }
0xf2: {  	v4 =	vld.idx.msk [tilespmem:v2+s2+$0x0], $0xffff  }
0xf3: {  	v3 =	vld.idx.msk [tilespmem:v3+s2+$0x0], $0xffff  }
0xf4: {  	v13 =	vld.idx.msk [tilespmem:v8+s2+$0x0], $0xffff  }
0xf5: {  	v1 =	vld.idx.msk [tilespmem:v7+s2+$0x0], $0xffff  }
0xf6: {  	v7 =	vld [tilespmem:s17+$0xFFFFFF90]  }
0xf7: {  	v2 =	vld.idx.msk [tilespmem:v5+s2+$0x0], $0xffff  }
0xf8: {  	v0 =	vld.idx.msk [tilespmem:v6+s2+$0x0], $0xffff  }
0xf9: {  	v8 =	vld [tilespmem:s17+$0xFFFFFFC0]  }
0xfa: {  	v6 =	vld [tilespmem:s17+$0xFFFFFFD0];
	v10 =	vmul.f32 v11, v10  }
0xfb: {  	v5 =	vld [tilespmem:s17+$0xFFFFFFE0];
	v11 =	vmul.f32 v7, v13  }
0xfc: {  	s18 =	simm.s32 $0x0;
	s19 =	simm.s32 $0x1DFC0;
	v7 =	vld [tilespmem:s17+$0xFFFFFFF0];
	[tilespmem:s17+$0x0] =	vst v10;
	v10 =	vmul.f32 v14, v12  }
.LBB2_8:
0xfd: {  	v12 =	vld [tilespmem:s19+$0x30];
	s18 =	sadd.s32 $0x80, s18;
	[tilespmem:s17+$0xFFFFFF90] =	vst v11;
	v4 =	vmul.f32 v9, v4  }
0xfe: {  	v9 =	vld [tilespmem:s19+$0xFFFFFFD0];
	p0 =	slt.u32 s18, $0x780;
	[tilespmem:s17+$0xFFFFFFA0] =	vst v10;
	v3 =	vmul.f32 v8, v3  }
0xff: {  	v8 =	vld [tilespmem:s19+$0xFFFFFFE0];
	[tilespmem:s17+$0xFFFFFFB0] =	vst v4;
	v2 =	vmul.f32 v6, v2  }
0x100: {  	v6 =	vld [tilespmem:s19+$0xFFFFFFF0];
	[tilespmem:s17+$0xFFFFFFC0] =	vst v3;
	v0 =	vmul.f32 v5, v0  }
0x101: {  	v5 =	vld [tilespmem:s19+$0x0];
	[tilespmem:s17+$0xFFFFFFD0] =	vst v2;
	v1 =	vmul.f32 v7, v1  }
0x102: {  	v7 =	vld [tilespmem:s19+$0x10];
	[tilespmem:s17+$0xFFFFFFE0] =	vst v0  }
0x103: {  	v10 =	vld [tilespmem:s19+$0x20];
	[tilespmem:s17+$0xFFFFFFF0] =	vst v1  }
0x104: {  	v1 =	vld [tilespmem:s19+$0xFFFFFFC0]  }
0x105: {  	s17 =	sadd.s32 $0x80, s17;
	v11 =	vld.idx.msk [tilespmem:v12+s2+$0x0], $0xffff  }
0x106: {  	v12 =	vld [tilespmem:s17+$0x0]  }
0x107: {  	v13 =	vld.idx.msk [tilespmem:v9+s2+$0x0], $0xffff  }
0x108: {  	v4 =	vld.idx.msk [tilespmem:v8+s2+$0x0], $0xffff  }
0x109: {  	v3 =	vld.idx.msk [tilespmem:v6+s2+$0x0], $0xffff  }
0x10a: {  	v2 =	vld.idx.msk [tilespmem:v5+s2+$0x0], $0xffff  }
0x10b: {  	v0 =	vld.idx.msk [tilespmem:v7+s2+$0x0], $0xffff;
	v5 =	vmul.f32 v12, v11  }
0x10c: {  	v7 =	vld.idx.msk [tilespmem:v1+s2+$0x0], $0xffff  }
0x10d: {  	v1 =	vld.idx.msk [tilespmem:v10+s2+$0x0], $0xffff;
	[tilespmem:s17+$0x0] =	vst v5  }
0x10e: {  	v5 =	vld [tilespmem:s17+$0xFFFFFF90]  }
0x10f: {  	v10 =	vld [tilespmem:s17+$0xFFFFFFA0]  }
.Ltmp3:
0x110: {  	v9 =	vld [tilespmem:s17+$0xFFFFFFB0];
	(pc) =	sbr.rel @p0 .LBB2_8-.Ltmp3, $4  }
0x111: {  	v8 =	vld [tilespmem:s17+$0xFFFFFFC0]  }
0x112: {  	v6 =	vld [tilespmem:s17+$0xFFFFFFD0]  }
0x113: {  	v11 =	vmul.f32 v5, v7;
	v5 =	vld [tilespmem:s17+$0xFFFFFFE0]  }
0x114: {  	s19 =	sadd.s32 $0x80, s19;
	v10 =	vmul.f32 v10, v13;
	v7 =	vld [tilespmem:s17+$0xFFFFFFF0]  }
0x115: {  	[tilespmem:s17+$0xFFFFFF90] =	vst v11;
	v4 =	vmul.f32 v9, v4  }
0x116: {  	[tilespmem:s17+$0xFFFFFFA0] =	vst v10;
	v3 =	vmul.f32 v8, v3  }
0x117: {  	[tilespmem:s17+$0xFFFFFFB0] =	vst v4;
	v2 =	vmul.f32 v6, v2  }
0x118: {  	[tilespmem:s17+$0xFFFFFFC0] =	vst v3;
	v0 =	vmul.f32 v5, v0  }
0x119: {  	[tilespmem:s17+$0xFFFFFFD0] =	vst v2;
	v1 =	vmul.f32 v7, v1  }
0x11a: {  	[tilespmem:s17+$0xFFFFFFE0] =	vst v0  }
0x11b: {  	[tilespmem:s17+$0xFFFFFFF0] =	vst v1  }
0x11c: {  	[tilespmem:s23], [sflag:$0x6] =	stream.linear.gather [hbm4b:s4+s2], $0x800, $0x38;
	[tilespmem:$0x1F700] =	vst v63  }
0x11d: {  	_ =	swait.ge [sflag:s13], $0x800  }
0x11e: {  	[sflag:s13] =	ssyncset.done $0x0  }
0x11f: {  	s19 =	simm.s32 $0x1E740;
	[sflag:s13] =	ssyncadd.s32 $0xFFFFF800  }
0x120: {  	v0 =	vld [tilespmem:s19+$0x30]  }
0x121: {  	v1 =	vld [tilespmem:s19+$0xFFFFFFD0]  }
0x122: {  	v2 =	vld [tilespmem:s19+$0xFFFFFFE0]  }
0x123: {  	v3 =	vld [tilespmem:s19+$0xFFFFFFF0]  }
0x124: {  	v5 =	vld [tilespmem:s19+$0x0]  }
0x125: {  	v6 =	vld [tilespmem:s19+$0x10]  }
0x126: {  	v7 =	vld [tilespmem:s19+$0x20]  }
0x127: {  	s17 =	simm.s32 $0x1A770;
	v8 =	vld [tilespmem:s19+$0xFFFFFFC0]  }
0x128: {  	v11 =	vld [tilespmem:s17+$0x0]  }
0x129: {  	v14 =	vld [tilespmem:s17+$0xFFFFFFA0]  }
0x12a: {  	v9 =	vld [tilespmem:s17+$0xFFFFFFB0]  }
0x12b: {  	v10 =	vld.idx.msk [tilespmem:v0+s2+$0x0], $0xffff  }
0x12c: {  	v12 =	vld.idx.msk [tilespmem:v1+s2+$0x0], $0xffff  }
0x12d: {  	v4 =	vld.idx.msk [tilespmem:v2+s2+$0x0], $0xffff  }
0x12e: {  	v3 =	vld.idx.msk [tilespmem:v3+s2+$0x0], $0xffff  }
0x12f: {  	v13 =	vld.idx.msk [tilespmem:v8+s2+$0x0], $0xffff  }
0x130: {  	v1 =	vld.idx.msk [tilespmem:v7+s2+$0x0], $0xffff  }
0x131: {  	v7 =	vld [tilespmem:s17+$0xFFFFFF90]  }
0x132: {  	v2 =	vld.idx.msk [tilespmem:v5+s2+$0x0], $0xffff  }
0x133: {  	v0 =	vld.idx.msk [tilespmem:v6+s2+$0x0], $0xffff  }
0x134: {  	v8 =	vld [tilespmem:s17+$0xFFFFFFC0]  }
0x135: {  	v6 =	vld [tilespmem:s17+$0xFFFFFFD0];
	v10 =	vmul.f32 v11, v10  }
0x136: {  	v5 =	vld [tilespmem:s17+$0xFFFFFFE0];
	v11 =	vmul.f32 v7, v13  }
0x137: {  	s18 =	simm.s32 $0x0;
	s19 =	simm.s32 $0x1E7C0;
	v7 =	vld [tilespmem:s17+$0xFFFFFFF0];
	[tilespmem:s17+$0x0] =	vst v10;
	v10 =	vmul.f32 v14, v12  }
.LBB2_10:
0x138: {  	v12 =	vld [tilespmem:s19+$0x30];
	s18 =	sadd.s32 $0x80, s18;
	[tilespmem:s17+$0xFFFFFF90] =	vst v11;
	v4 =	vmul.f32 v9, v4  }
0x139: {  	v9 =	vld [tilespmem:s19+$0xFFFFFFD0];
	p0 =	slt.u32 s18, $0x780;
	[tilespmem:s17+$0xFFFFFFA0] =	vst v10;
	v3 =	vmul.f32 v8, v3  }
0x13a: {  	v8 =	vld [tilespmem:s19+$0xFFFFFFE0];
	[tilespmem:s17+$0xFFFFFFB0] =	vst v4;
	v2 =	vmul.f32 v6, v2  }
0x13b: {  	v6 =	vld [tilespmem:s19+$0xFFFFFFF0];
	[tilespmem:s17+$0xFFFFFFC0] =	vst v3;
	v0 =	vmul.f32 v5, v0  }
0x13c: {  	v5 =	vld [tilespmem:s19+$0x0];
	[tilespmem:s17+$0xFFFFFFD0] =	vst v2;
	v1 =	vmul.f32 v7, v1  }
0x13d: {  	v7 =	vld [tilespmem:s19+$0x10];
	[tilespmem:s17+$0xFFFFFFE0] =	vst v0  }
0x13e: {  	v10 =	vld [tilespmem:s19+$0x20];
	[tilespmem:s17+$0xFFFFFFF0] =	vst v1  }
0x13f: {  	v1 =	vld [tilespmem:s19+$0xFFFFFFC0]  }
0x140: {  	s17 =	sadd.s32 $0x80, s17;
	v11 =	vld.idx.msk [tilespmem:v12+s2+$0x0], $0xffff  }
0x141: {  	v12 =	vld [tilespmem:s17+$0x0]  }
0x142: {  	v13 =	vld.idx.msk [tilespmem:v9+s2+$0x0], $0xffff  }
0x143: {  	v4 =	vld.idx.msk [tilespmem:v8+s2+$0x0], $0xffff  }
0x144: {  	v3 =	vld.idx.msk [tilespmem:v6+s2+$0x0], $0xffff  }
0x145: {  	v2 =	vld.idx.msk [tilespmem:v5+s2+$0x0], $0xffff  }
0x146: {  	v0 =	vld.idx.msk [tilespmem:v7+s2+$0x0], $0xffff;
	v5 =	vmul.f32 v12, v11  }
0x147: {  	v7 =	vld.idx.msk [tilespmem:v1+s2+$0x0], $0xffff  }
0x148: {  	v1 =	vld.idx.msk [tilespmem:v10+s2+$0x0], $0xffff;
	[tilespmem:s17+$0x0] =	vst v5  }
0x149: {  	v5 =	vld [tilespmem:s17+$0xFFFFFF90]  }
0x14a: {  	v10 =	vld [tilespmem:s17+$0xFFFFFFA0]  }
.Ltmp4:
0x14b: {  	v9 =	vld [tilespmem:s17+$0xFFFFFFB0];
	(pc) =	sbr.rel @p0 .LBB2_10-.Ltmp4, $4  }
0x14c: {  	v8 =	vld [tilespmem:s17+$0xFFFFFFC0]  }
0x14d: {  	v6 =	vld [tilespmem:s17+$0xFFFFFFD0]  }
0x14e: {  	v11 =	vmul.f32 v5, v7;
	v5 =	vld [tilespmem:s17+$0xFFFFFFE0]  }
0x14f: {  	s19 =	sadd.s32 $0x80, s19;
	v10 =	vmul.f32 v10, v13;
	v7 =	vld [tilespmem:s17+$0xFFFFFFF0]  }
0x150: {  	[tilespmem:s17+$0xFFFFFF90] =	vst v11;
	v4 =	vmul.f32 v9, v4  }
0x151: {  	[tilespmem:s17+$0xFFFFFFA0] =	vst v10;
	v3 =	vmul.f32 v8, v3  }
0x152: {  	[tilespmem:s17+$0xFFFFFFB0] =	vst v4;
	v2 =	vmul.f32 v6, v2  }
0x153: {  	[tilespmem:s17+$0xFFFFFFC0] =	vst v3;
	v0 =	vmul.f32 v5, v0  }
0x154: {  	[tilespmem:s17+$0xFFFFFFD0] =	vst v2;
	v1 =	vmul.f32 v7, v1  }
0x155: {  	[tilespmem:s17+$0xFFFFFFE0] =	vst v0  }
0x156: {  	[tilespmem:s17+$0xFFFFFFF0] =	vst v1  }
0x157: {  	[tilespmem:s24], [sflag:$0x7] =	stream.linear.gather [hbm4b:s5+s2], $0x800, $0x38;
	[tilespmem:$0x1F700] =	vst v63  }
0x158: {  	_ =	swait.ge [sflag:s14], $0x800  }
0x159: {  	[sflag:s14] =	ssyncset.done $0x0  }
0x15a: {  	s19 =	simm.s32 $0x1EF40;
	[sflag:s14] =	ssyncadd.s32 $0xFFFFF800  }
0x15b: {  	v0 =	vld [tilespmem:s19+$0x30]  }
0x15c: {  	v1 =	vld [tilespmem:s19+$0xFFFFFFD0]  }
0x15d: {  	v2 =	vld [tilespmem:s19+$0xFFFFFFE0]  }
0x15e: {  	v3 =	vld [tilespmem:s19+$0xFFFFFFF0]  }
0x15f: {  	v5 =	vld [tilespmem:s19+$0x0]  }
0x160: {  	v6 =	vld [tilespmem:s19+$0x10]  }
0x161: {  	v7 =	vld [tilespmem:s19+$0x20]  }
0x162: {  	s17 =	simm.s32 $0x1AF70;
	v8 =	vld [tilespmem:s19+$0xFFFFFFC0]  }
0x163: {  	v11 =	vld [tilespmem:s17+$0x0]  }
0x164: {  	v14 =	vld [tilespmem:s17+$0xFFFFFFA0]  }
0x165: {  	v9 =	vld [tilespmem:s17+$0xFFFFFFB0]  }
0x166: {  	v10 =	vld.idx.msk [tilespmem:v0+s2+$0x0], $0xffff  }
0x167: {  	v12 =	vld.idx.msk [tilespmem:v1+s2+$0x0], $0xffff  }
0x168: {  	v4 =	vld.idx.msk [tilespmem:v2+s2+$0x0], $0xffff  }
0x169: {  	v3 =	vld.idx.msk [tilespmem:v3+s2+$0x0], $0xffff  }
0x16a: {  	v13 =	vld.idx.msk [tilespmem:v8+s2+$0x0], $0xffff  }
0x16b: {  	v1 =	vld.idx.msk [tilespmem:v7+s2+$0x0], $0xffff  }
0x16c: {  	v7 =	vld [tilespmem:s17+$0xFFFFFF90]  }
0x16d: {  	v2 =	vld.idx.msk [tilespmem:v5+s2+$0x0], $0xffff  }
0x16e: {  	v0 =	vld.idx.msk [tilespmem:v6+s2+$0x0], $0xffff  }
0x16f: {  	v8 =	vld [tilespmem:s17+$0xFFFFFFC0]  }
0x170: {  	v6 =	vld [tilespmem:s17+$0xFFFFFFD0];
	v10 =	vmul.f32 v11, v10  }
0x171: {  	v5 =	vld [tilespmem:s17+$0xFFFFFFE0];
	v11 =	vmul.f32 v7, v13  }
0x172: {  	s18 =	simm.s32 $0x0;
	s19 =	simm.s32 $0x1EFC0;
	v7 =	vld [tilespmem:s17+$0xFFFFFFF0];
	[tilespmem:s17+$0x0] =	vst v10;
	v10 =	vmul.f32 v14, v12  }
.LBB2_12:
0x173: {  	v12 =	vld [tilespmem:s19+$0x30];
	s18 =	sadd.s32 $0x80, s18;
	[tilespmem:s17+$0xFFFFFF90] =	vst v11;
	v4 =	vmul.f32 v9, v4  }
0x174: {  	v9 =	vld [tilespmem:s19+$0xFFFFFFD0];
	p0 =	slt.u32 s18, $0x780;
	[tilespmem:s17+$0xFFFFFFA0] =	vst v10;
	v3 =	vmul.f32 v8, v3  }
0x175: {  	v8 =	vld [tilespmem:s19+$0xFFFFFFE0];
	[tilespmem:s17+$0xFFFFFFB0] =	vst v4;
	v2 =	vmul.f32 v6, v2  }
0x176: {  	v6 =	vld [tilespmem:s19+$0xFFFFFFF0];
	[tilespmem:s17+$0xFFFFFFC0] =	vst v3;
	v0 =	vmul.f32 v5, v0  }
0x177: {  	v5 =	vld [tilespmem:s19+$0x0];
	[tilespmem:s17+$0xFFFFFFD0] =	vst v2;
	v1 =	vmul.f32 v7, v1  }
0x178: {  	v7 =	vld [tilespmem:s19+$0x10];
	[tilespmem:s17+$0xFFFFFFE0] =	vst v0  }
0x179: {  	v10 =	vld [tilespmem:s19+$0x20];
	[tilespmem:s17+$0xFFFFFFF0] =	vst v1  }
0x17a: {  	v1 =	vld [tilespmem:s19+$0xFFFFFFC0]  }
0x17b: {  	s17 =	sadd.s32 $0x80, s17;
	v11 =	vld.idx.msk [tilespmem:v12+s2+$0x0], $0xffff  }
0x17c: {  	v12 =	vld [tilespmem:s17+$0x0]  }
0x17d: {  	v13 =	vld.idx.msk [tilespmem:v9+s2+$0x0], $0xffff  }
0x17e: {  	v4 =	vld.idx.msk [tilespmem:v8+s2+$0x0], $0xffff  }
0x17f: {  	v3 =	vld.idx.msk [tilespmem:v6+s2+$0x0], $0xffff  }
0x180: {  	v2 =	vld.idx.msk [tilespmem:v5+s2+$0x0], $0xffff  }
0x181: {  	v0 =	vld.idx.msk [tilespmem:v7+s2+$0x0], $0xffff;
	v5 =	vmul.f32 v12, v11  }
0x182: {  	v7 =	vld.idx.msk [tilespmem:v1+s2+$0x0], $0xffff  }
0x183: {  	v1 =	vld.idx.msk [tilespmem:v10+s2+$0x0], $0xffff;
	[tilespmem:s17+$0x0] =	vst v5  }
0x184: {  	v5 =	vld [tilespmem:s17+$0xFFFFFF90]  }
0x185: {  	v10 =	vld [tilespmem:s17+$0xFFFFFFA0]  }
.Ltmp5:
0x186: {  	v9 =	vld [tilespmem:s17+$0xFFFFFFB0];
	(pc) =	sbr.rel @p0 .LBB2_12-.Ltmp5, $4  }
0x187: {  	v8 =	vld [tilespmem:s17+$0xFFFFFFC0]  }
0x188: {  	v6 =	vld [tilespmem:s17+$0xFFFFFFD0]  }
0x189: {  	v11 =	vmul.f32 v5, v7;
	v5 =	vld [tilespmem:s17+$0xFFFFFFE0]  }
0x18a: {  	s19 =	sadd.s32 $0x80, s19;
	v10 =	vmul.f32 v10, v13;
	v7 =	vld [tilespmem:s17+$0xFFFFFFF0]  }
0x18b: {  	[tilespmem:s17+$0xFFFFFF90] =	vst v11;
	v4 =	vmul.f32 v9, v4  }
0x18c: {  	[tilespmem:s17+$0xFFFFFFA0] =	vst v10;
	v3 =	vmul.f32 v8, v3  }
0x18d: {  	[tilespmem:s17+$0xFFFFFFB0] =	vst v4;
	v2 =	vmul.f32 v6, v2  }
0x18e: {  	[tilespmem:s17+$0xFFFFFFC0] =	vst v3;
	v0 =	vmul.f32 v5, v0  }
0x18f: {  	[tilespmem:s17+$0xFFFFFFD0] =	vst v2;
	v1 =	vmul.f32 v7, v1  }
0x190: {  	[tilespmem:s17+$0xFFFFFFE0] =	vst v0  }
0x191: {  	[tilespmem:s17+$0xFFFFFFF0] =	vst v1  }
0x192: {  	[tilespmem:s25], [sflag:$0x8] =	stream.linear.gather [hbm4b:s6+s2], $0x800, $0x38;
	[tilespmem:$0x1F700] =	vst v63  }
0x193: {  	_ =	swait.ge [sflag:s0], $0x800  }
0x194: {  	[sflag:s0] =	ssyncset.done $0x0  }
0x195: {  	s19 =	simm.s32 $0x1C740;
	[sflag:s0] =	ssyncadd.s32 $0xFFFFF800  }
0x196: {  	v0 =	vld [tilespmem:s19+$0x30]  }
0x197: {  	v1 =	vld [tilespmem:s19+$0xFFFFFFD0]  }
0x198: {  	v2 =	vld [tilespmem:s19+$0xFFFFFFE0]  }
0x199: {  	v3 =	vld [tilespmem:s19+$0xFFFFFFF0]  }
0x19a: {  	v5 =	vld [tilespmem:s19+$0x0]  }
0x19b: {  	v6 =	vld [tilespmem:s19+$0x10]  }
0x19c: {  	v7 =	vld [tilespmem:s19+$0x20]  }
0x19d: {  	s17 =	simm.s32 $0x1B770;
	v8 =	vld [tilespmem:s19+$0xFFFFFFC0]  }
0x19e: {  	v11 =	vld [tilespmem:s17+$0x0]  }
0x19f: {  	v14 =	vld [tilespmem:s17+$0xFFFFFFA0]  }
0x1a0: {  	v9 =	vld [tilespmem:s17+$0xFFFFFFB0]  }
0x1a1: {  	v10 =	vld.idx.msk [tilespmem:v0+s2+$0x0], $0xffff  }
0x1a2: {  	v12 =	vld.idx.msk [tilespmem:v1+s2+$0x0], $0xffff  }
0x1a3: {  	v4 =	vld.idx.msk [tilespmem:v2+s2+$0x0], $0xffff  }
0x1a4: {  	v3 =	vld.idx.msk [tilespmem:v3+s2+$0x0], $0xffff  }
0x1a5: {  	v13 =	vld.idx.msk [tilespmem:v8+s2+$0x0], $0xffff  }
0x1a6: {  	v1 =	vld.idx.msk [tilespmem:v7+s2+$0x0], $0xffff  }
0x1a7: {  	v7 =	vld [tilespmem:s17+$0xFFFFFF90]  }
0x1a8: {  	v2 =	vld.idx.msk [tilespmem:v5+s2+$0x0], $0xffff  }
0x1a9: {  	v0 =	vld.idx.msk [tilespmem:v6+s2+$0x0], $0xffff  }
0x1aa: {  	v8 =	vld [tilespmem:s17+$0xFFFFFFC0]  }
0x1ab: {  	v6 =	vld [tilespmem:s17+$0xFFFFFFD0];
	v10 =	vmul.f32 v11, v10  }
0x1ac: {  	v5 =	vld [tilespmem:s17+$0xFFFFFFE0];
	v11 =	vmul.f32 v7, v13  }
0x1ad: {  	s18 =	simm.s32 $0x0;
	s19 =	simm.s32 $0x1C7C0;
	v7 =	vld [tilespmem:s17+$0xFFFFFFF0];
	[tilespmem:s17+$0x0] =	vst v10;
	v10 =	vmul.f32 v14, v12  }
.LBB2_14:
0x1ae: {  	v12 =	vld [tilespmem:s19+$0x30];
	s18 =	sadd.s32 $0x80, s18;
	[tilespmem:s17+$0xFFFFFF90] =	vst v11;
	v4 =	vmul.f32 v9, v4  }
0x1af: {  	v9 =	vld [tilespmem:s19+$0xFFFFFFD0];
	p0 =	slt.u32 s18, $0x780;
	[tilespmem:s17+$0xFFFFFFA0] =	vst v10;
	v3 =	vmul.f32 v8, v3  }
0x1b0: {  	v8 =	vld [tilespmem:s19+$0xFFFFFFE0];
	[tilespmem:s17+$0xFFFFFFB0] =	vst v4;
	v2 =	vmul.f32 v6, v2  }
0x1b1: {  	v6 =	vld [tilespmem:s19+$0xFFFFFFF0];
	[tilespmem:s17+$0xFFFFFFC0] =	vst v3;
	v0 =	vmul.f32 v5, v0  }
0x1b2: {  	v5 =	vld [tilespmem:s19+$0x0];
	[tilespmem:s17+$0xFFFFFFD0] =	vst v2;
	v1 =	vmul.f32 v7, v1  }
0x1b3: {  	v7 =	vld [tilespmem:s19+$0x10];
	[tilespmem:s17+$0xFFFFFFE0] =	vst v0  }
0x1b4: {  	v10 =	vld [tilespmem:s19+$0x20];
	[tilespmem:s17+$0xFFFFFFF0] =	vst v1  }
0x1b5: {  	v1 =	vld [tilespmem:s19+$0xFFFFFFC0]  }
0x1b6: {  	s17 =	sadd.s32 $0x80, s17;
	v11 =	vld.idx.msk [tilespmem:v12+s2+$0x0], $0xffff  }
0x1b7: {  	v12 =	vld [tilespmem:s17+$0x0]  }
0x1b8: {  	v13 =	vld.idx.msk [tilespmem:v9+s2+$0x0], $0xffff  }
0x1b9: {  	v4 =	vld.idx.msk [tilespmem:v8+s2+$0x0], $0xffff  }
0x1ba: {  	v3 =	vld.idx.msk [tilespmem:v6+s2+$0x0], $0xffff  }
0x1bb: {  	v2 =	vld.idx.msk [tilespmem:v5+s2+$0x0], $0xffff  }
0x1bc: {  	v0 =	vld.idx.msk [tilespmem:v7+s2+$0x0], $0xffff;
	v5 =	vmul.f32 v12, v11  }
0x1bd: {  	v7 =	vld.idx.msk [tilespmem:v1+s2+$0x0], $0xffff  }
0x1be: {  	v1 =	vld.idx.msk [tilespmem:v10+s2+$0x0], $0xffff;
	[tilespmem:s17+$0x0] =	vst v5  }
0x1bf: {  	v5 =	vld [tilespmem:s17+$0xFFFFFF90]  }
0x1c0: {  	v10 =	vld [tilespmem:s17+$0xFFFFFFA0]  }
.Ltmp6:
0x1c1: {  	v9 =	vld [tilespmem:s17+$0xFFFFFFB0];
	(pc) =	sbr.rel @p0 .LBB2_14-.Ltmp6, $4  }
0x1c2: {  	v8 =	vld [tilespmem:s17+$0xFFFFFFC0]  }
0x1c3: {  	v6 =	vld [tilespmem:s17+$0xFFFFFFD0]  }
0x1c4: {  	v11 =	vmul.f32 v5, v7;
	v5 =	vld [tilespmem:s17+$0xFFFFFFE0]  }
0x1c5: {  	s19 =	sadd.s32 $0x80, s19;
	v10 =	vmul.f32 v10, v13;
	v7 =	vld [tilespmem:s17+$0xFFFFFFF0]  }
0x1c6: {  	[tilespmem:s17+$0xFFFFFF90] =	vst v11;
	v4 =	vmul.f32 v9, v4  }
0x1c7: {  	[tilespmem:s17+$0xFFFFFFA0] =	vst v10;
	v3 =	vmul.f32 v8, v3  }
0x1c8: {  	[tilespmem:s17+$0xFFFFFFB0] =	vst v4;
	v2 =	vmul.f32 v6, v2  }
0x1c9: {  	[tilespmem:s17+$0xFFFFFFC0] =	vst v3;
	v0 =	vmul.f32 v5, v0  }
0x1ca: {  	[tilespmem:s17+$0xFFFFFFD0] =	vst v2;
	v1 =	vmul.f32 v7, v1  }
0x1cb: {  	[tilespmem:s17+$0xFFFFFFE0] =	vst v0  }
0x1cc: {  	[tilespmem:s17+$0xFFFFFFF0] =	vst v1  }
0x1cd: {  	[tilespmem:s20], [sflag:$0x3] =	stream.linear.gather [hbm4b:s7+s2], $0x800, $0x38;
	[tilespmem:$0x1F700] =	vst v63  }
0x1ce: {  	_ =	swait.ge [sflag:s3], $0x800  }
0x1cf: {  	[sflag:s3] =	ssyncset.done $0x0  }
0x1d0: {  	s19 =	simm.s32 $0x1CF40;
	[sflag:s3] =	ssyncadd.s32 $0xFFFFF800  }
0x1d1: {  	v0 =	vld [tilespmem:s19+$0x30]  }
0x1d2: {  	v1 =	vld [tilespmem:s19+$0xFFFFFFD0]  }
0x1d3: {  	v2 =	vld [tilespmem:s19+$0xFFFFFFE0]  }
0x1d4: {  	v3 =	vld [tilespmem:s19+$0xFFFFFFF0]  }
0x1d5: {  	v5 =	vld [tilespmem:s19+$0x0]  }
0x1d6: {  	v6 =	vld [tilespmem:s19+$0x10]  }
0x1d7: {  	v7 =	vld [tilespmem:s19+$0x20]  }
0x1d8: {  	s17 =	simm.s32 $0x1BF70;
	v8 =	vld [tilespmem:s19+$0xFFFFFFC0]  }
0x1d9: {  	v11 =	vld [tilespmem:s17+$0x0]  }
0x1da: {  	v14 =	vld [tilespmem:s17+$0xFFFFFFA0]  }
0x1db: {  	v9 =	vld [tilespmem:s17+$0xFFFFFFB0]  }
0x1dc: {  	v10 =	vld.idx.msk [tilespmem:v0+s2+$0x0], $0xffff  }
0x1dd: {  	v12 =	vld.idx.msk [tilespmem:v1+s2+$0x0], $0xffff  }
0x1de: {  	v4 =	vld.idx.msk [tilespmem:v2+s2+$0x0], $0xffff  }
0x1df: {  	v3 =	vld.idx.msk [tilespmem:v3+s2+$0x0], $0xffff  }
0x1e0: {  	v13 =	vld.idx.msk [tilespmem:v8+s2+$0x0], $0xffff  }
0x1e1: {  	v1 =	vld.idx.msk [tilespmem:v7+s2+$0x0], $0xffff  }
0x1e2: {  	v7 =	vld [tilespmem:s17+$0xFFFFFF90]  }
0x1e3: {  	v2 =	vld.idx.msk [tilespmem:v5+s2+$0x0], $0xffff  }
0x1e4: {  	v0 =	vld.idx.msk [tilespmem:v6+s2+$0x0], $0xffff  }
0x1e5: {  	v8 =	vld [tilespmem:s17+$0xFFFFFFC0]  }
0x1e6: {  	v6 =	vld [tilespmem:s17+$0xFFFFFFD0];
	v10 =	vmul.f32 v11, v10  }
0x1e7: {  	v5 =	vld [tilespmem:s17+$0xFFFFFFE0];
	v11 =	vmul.f32 v7, v13  }
0x1e8: {  	s18 =	simm.s32 $0x0;
	s19 =	simm.s32 $0x1CFC0;
	v7 =	vld [tilespmem:s17+$0xFFFFFFF0];
	[tilespmem:s17+$0x0] =	vst v10;
	v10 =	vmul.f32 v14, v12  }
.LBB2_16:
0x1e9: {  	v12 =	vld [tilespmem:s19+$0x30];
	s18 =	sadd.s32 $0x80, s18;
	[tilespmem:s17+$0xFFFFFF90] =	vst v11;
	v4 =	vmul.f32 v9, v4  }
0x1ea: {  	v9 =	vld [tilespmem:s19+$0xFFFFFFD0];
	p0 =	slt.u32 s18, $0x780;
	[tilespmem:s17+$0xFFFFFFA0] =	vst v10;
	v3 =	vmul.f32 v8, v3  }
0x1eb: {  	v8 =	vld [tilespmem:s19+$0xFFFFFFE0];
	[tilespmem:s17+$0xFFFFFFB0] =	vst v4;
	v2 =	vmul.f32 v6, v2  }
0x1ec: {  	v6 =	vld [tilespmem:s19+$0xFFFFFFF0];
	[tilespmem:s17+$0xFFFFFFC0] =	vst v3;
	v0 =	vmul.f32 v5, v0  }
0x1ed: {  	v5 =	vld [tilespmem:s19+$0x0];
	[tilespmem:s17+$0xFFFFFFD0] =	vst v2;
	v1 =	vmul.f32 v7, v1  }
0x1ee: {  	v7 =	vld [tilespmem:s19+$0x10];
	[tilespmem:s17+$0xFFFFFFE0] =	vst v0  }
0x1ef: {  	v10 =	vld [tilespmem:s19+$0x20];
	[tilespmem:s17+$0xFFFFFFF0] =	vst v1  }
0x1f0: {  	v1 =	vld [tilespmem:s19+$0xFFFFFFC0]  }
0x1f1: {  	s17 =	sadd.s32 $0x80, s17;
	v11 =	vld.idx.msk [tilespmem:v12+s2+$0x0], $0xffff  }
0x1f2: {  	v12 =	vld [tilespmem:s17+$0x0]  }
0x1f3: {  	v13 =	vld.idx.msk [tilespmem:v9+s2+$0x0], $0xffff  }
0x1f4: {  	v4 =	vld.idx.msk [tilespmem:v8+s2+$0x0], $0xffff  }
0x1f5: {  	v3 =	vld.idx.msk [tilespmem:v6+s2+$0x0], $0xffff  }
0x1f6: {  	v2 =	vld.idx.msk [tilespmem:v5+s2+$0x0], $0xffff  }
0x1f7: {  	v0 =	vld.idx.msk [tilespmem:v7+s2+$0x0], $0xffff;
	v5 =	vmul.f32 v12, v11  }
0x1f8: {  	v7 =	vld.idx.msk [tilespmem:v1+s2+$0x0], $0xffff  }
0x1f9: {  	v1 =	vld.idx.msk [tilespmem:v10+s2+$0x0], $0xffff;
	[tilespmem:s17+$0x0] =	vst v5  }
0x1fa: {  	v5 =	vld [tilespmem:s17+$0xFFFFFF90]  }
0x1fb: {  	v10 =	vld [tilespmem:s17+$0xFFFFFFA0]  }
.Ltmp7:
0x1fc: {  	v9 =	vld [tilespmem:s17+$0xFFFFFFB0];
	(pc) =	sbr.rel @p0 .LBB2_16-.Ltmp7, $4  }
0x1fd: {  	v8 =	vld [tilespmem:s17+$0xFFFFFFC0]  }
0x1fe: {  	v6 =	vld [tilespmem:s17+$0xFFFFFFD0]  }
0x1ff: {  	v11 =	vmul.f32 v5, v7;
	v5 =	vld [tilespmem:s17+$0xFFFFFFE0]  }
0x200: {  	s19 =	sadd.s32 $0x80, s19;
	v10 =	vmul.f32 v10, v13;
	v7 =	vld [tilespmem:s17+$0xFFFFFFF0]  }
0x201: {  	[tilespmem:s17+$0xFFFFFF90] =	vst v11;
	v4 =	vmul.f32 v9, v4  }
0x202: {  	[tilespmem:s17+$0xFFFFFFA0] =	vst v10;
	v3 =	vmul.f32 v8, v3  }
0x203: {  	[tilespmem:s17+$0xFFFFFFB0] =	vst v4;
	v2 =	vmul.f32 v6, v2  }
0x204: {  	[tilespmem:s17+$0xFFFFFFC0] =	vst v3;
	v0 =	vmul.f32 v5, v0  }
0x205: {  	[tilespmem:s17+$0xFFFFFFD0] =	vst v2;
	v1 =	vmul.f32 v7, v1  }
0x206: {  	[tilespmem:s17+$0xFFFFFFE0] =	vst v0  }
0x207: {  	[tilespmem:s17+$0xFFFFFFF0] =	vst v1  }
0x208: {  	[tilespmem:s21], [sflag:$0x4] =	stream.linear.gather [hbm4b:s8+s2], $0x800, $0x38;
	[tilespmem:$0x1F700] =	vst v63  }
0x209: {  	s17 =	rddreg [dreg:$0x8]  }
0x20a: {  	[tilespmem:s2], [sflag:$0x1] =	stream.strided.gather [hbm4b:s17+s26], $0x18700, s28, s26, $0x38;
	[tilespmem:$0x1F700] =	vst v63  }
0x20b: {  	_ =	swait.ge [sflag:s30], $0x18700  }
0x20c: {  	[sflag:s30] =	ssyncset.done $0x0  }
0x20d: {  	[sflag:s30] =	ssyncadd.s32 $0xFFFE7900  }
0x20e: {  	_ =	swait.ge [sflag:s9], $0x800  }
0x20f: {  	[sflag:s9] =	ssyncset.done $0x0  }
0x210: {  	s19 =	simm.s32 $0x1D740;
	[sflag:s9] =	ssyncadd.s32 $0xFFFFF800  }
0x211: {  	v0 =	vld [tilespmem:s19+$0x30]  }
0x212: {  	v1 =	vld [tilespmem:s19+$0xFFFFFFD0]  }
0x213: {  	v2 =	vld [tilespmem:s19+$0xFFFFFFE0]  }
0x214: {  	v3 =	vld [tilespmem:s19+$0xFFFFFFF0]  }
0x215: {  	v5 =	vld [tilespmem:s19+$0x0]  }
0x216: {  	v6 =	vld [tilespmem:s19+$0x10]  }
0x217: {  	v7 =	vld [tilespmem:s19+$0x20]  }
0x218: {  	s17 =	simm.s32 $0x18740;
	v8 =	vld [tilespmem:s19+$0xFFFFFFC0]  }
0x219: {  	v11 =	vld [tilespmem:s17+$0x30]  }
0x21a: {  	v14 =	vld [tilespmem:s17+$0xFFFFFFD0]  }
0x21b: {  	v9 =	vld [tilespmem:s17+$0xFFFFFFE0]  }
0x21c: {  	v10 =	vld.idx.msk [tilespmem:v0+s2+$0x0], $0xffff  }
0x21d: {  	v12 =	vld.idx.msk [tilespmem:v1+s2+$0x0], $0xffff  }
0x21e: {  	v4 =	vld.idx.msk [tilespmem:v2+s2+$0x0], $0xffff  }
0x21f: {  	v3 =	vld.idx.msk [tilespmem:v3+s2+$0x0], $0xffff  }
0x220: {  	v13 =	vld.idx.msk [tilespmem:v8+s2+$0x0], $0xffff  }
0x221: {  	v1 =	vld.idx.msk [tilespmem:v7+s2+$0x0], $0xffff  }
0x222: {  	v7 =	vld [tilespmem:s17+$0xFFFFFFC0]  }
0x223: {  	v2 =	vld.idx.msk [tilespmem:v5+s2+$0x0], $0xffff  }
0x224: {  	v0 =	vld.idx.msk [tilespmem:v6+s2+$0x0], $0xffff  }
0x225: {  	v8 =	vld [tilespmem:s17+$0xFFFFFFF0]  }
0x226: {  	v6 =	vld [tilespmem:s17+$0x0];
	v10 =	vadd.f32 v11, v10  }
0x227: {  	v5 =	vld [tilespmem:s17+$0x10];
	v11 =	vadd.f32 v7, v13  }
0x228: {  	s18 =	simm.s32 $0x0;
	s19 =	simm.s32 $0x1D7C0;
	v7 =	vld [tilespmem:s17+$0x20];
	[tilespmem:s17+$0x30] =	vst v10;
	v10 =	vadd.f32 v14, v12  }
.LBB2_18:
0x229: {  	v12 =	vld [tilespmem:s19+$0x30];
	s18 =	sadd.s32 $0x80, s18;
	[tilespmem:s17+$0xFFFFFFC0] =	vst v11;
	v4 =	vadd.f32 v9, v4  }
0x22a: {  	v9 =	vld [tilespmem:s19+$0xFFFFFFD0];
	p0 =	slt.u32 s18, $0x780;
	[tilespmem:s17+$0xFFFFFFD0] =	vst v10;
	v3 =	vadd.f32 v8, v3  }
0x22b: {  	v8 =	vld [tilespmem:s19+$0xFFFFFFE0];
	[tilespmem:s17+$0xFFFFFFE0] =	vst v4;
	v2 =	vadd.f32 v6, v2  }
0x22c: {  	v6 =	vld [tilespmem:s19+$0xFFFFFFF0];
	[tilespmem:s17+$0xFFFFFFF0] =	vst v3;
	v0 =	vadd.f32 v5, v0  }
0x22d: {  	v5 =	vld [tilespmem:s19+$0x0];
	[tilespmem:s17+$0x0] =	vst v2;
	v1 =	vadd.f32 v7, v1  }
0x22e: {  	v7 =	vld [tilespmem:s19+$0x10];
	[tilespmem:s17+$0x10] =	vst v0  }
0x22f: {  	v10 =	vld [tilespmem:s19+$0x20];
	[tilespmem:s17+$0x20] =	vst v1  }
0x230: {  	v1 =	vld [tilespmem:s19+$0xFFFFFFC0]  }
0x231: {  	s17 =	sadd.s32 $0x80, s17;
	v11 =	vld.idx.msk [tilespmem:v12+s2+$0x0], $0xffff  }
0x232: {  	v12 =	vld [tilespmem:s17+$0x30]  }
0x233: {  	v13 =	vld.idx.msk [tilespmem:v9+s2+$0x0], $0xffff  }
0x234: {  	v4 =	vld.idx.msk [tilespmem:v8+s2+$0x0], $0xffff  }
0x235: {  	v3 =	vld.idx.msk [tilespmem:v6+s2+$0x0], $0xffff  }
0x236: {  	v2 =	vld.idx.msk [tilespmem:v5+s2+$0x0], $0xffff  }
0x237: {  	v0 =	vld.idx.msk [tilespmem:v7+s2+$0x0], $0xffff;
	v5 =	vadd.f32 v12, v11  }
0x238: {  	v7 =	vld.idx.msk [tilespmem:v1+s2+$0x0], $0xffff  }
0x239: {  	v1 =	vld.idx.msk [tilespmem:v10+s2+$0x0], $0xffff;
	[tilespmem:s17+$0x30] =	vst v5  }
0x23a: {  	v5 =	vld [tilespmem:s17+$0xFFFFFFC0]  }
0x23b: {  	v10 =	vld [tilespmem:s17+$0xFFFFFFD0]  }
.Ltmp8:
0x23c: {  	v9 =	vld [tilespmem:s17+$0xFFFFFFE0];
	(pc) =	sbr.rel @p0 .LBB2_18-.Ltmp8, $4  }
0x23d: {  	v8 =	vld [tilespmem:s17+$0xFFFFFFF0]  }
0x23e: {  	v6 =	vld [tilespmem:s17+$0x0]  }
0x23f: {  	v11 =	vadd.f32 v5, v7;
	v5 =	vld [tilespmem:s17+$0x10]  }
0x240: {  	s19 =	sadd.s32 $0x80, s19;
	v10 =	vadd.f32 v10, v13;
	v7 =	vld [tilespmem:s17+$0x20]  }
0x241: {  	[tilespmem:s17+$0xFFFFFFC0] =	vst v11;
	v4 =	vadd.f32 v9, v4  }
0x242: {  	[tilespmem:s17+$0xFFFFFFD0] =	vst v10;
	v3 =	vadd.f32 v8, v3  }
0x243: {  	[tilespmem:s17+$0xFFFFFFE0] =	vst v4;
	v2 =	vadd.f32 v6, v2  }
0x244: {  	[tilespmem:s17+$0xFFFFFFF0] =	vst v3;
	v0 =	vadd.f32 v5, v0  }
0x245: {  	[tilespmem:s17+$0x0] =	vst v2;
	v1 =	vadd.f32 v7, v1  }
0x246: {  	[tilespmem:s17+$0x10] =	vst v0  }
0x247: {  	[tilespmem:s17+$0x20] =	vst v1  }
0x248: {  	[tilespmem:s22], [sflag:$0x5] =	stream.linear.gather [hbm4b:s11+s2], $0x800, $0x38;
	[tilespmem:$0x1F700] =	vst v63  }
0x249: {  	_ =	swait.ge [sflag:s10], $0x800  }
0x24a: {  	[sflag:s10] =	ssyncset.done $0x0  }
0x24b: {  	s19 =	simm.s32 $0x1DF40;
	[sflag:s10] =	ssyncadd.s32 $0xFFFFF800  }
0x24c: {  	v0 =	vld [tilespmem:s19+$0x30]  }
0x24d: {  	v1 =	vld [tilespmem:s19+$0xFFFFFFD0]  }
0x24e: {  	v2 =	vld [tilespmem:s19+$0xFFFFFFE0]  }
0x24f: {  	v3 =	vld [tilespmem:s19+$0xFFFFFFF0]  }
0x250: {  	v5 =	vld [tilespmem:s19+$0x0]  }
0x251: {  	v6 =	vld [tilespmem:s19+$0x10]  }
0x252: {  	v7 =	vld [tilespmem:s19+$0x20]  }
0x253: {  	s17 =	simm.s32 $0x18F70;
	v8 =	vld [tilespmem:s19+$0xFFFFFFC0]  }
0x254: {  	v11 =	vld [tilespmem:s17+$0x0]  }
0x255: {  	v14 =	vld [tilespmem:s17+$0xFFFFFFA0]  }
0x256: {  	v9 =	vld [tilespmem:s17+$0xFFFFFFB0]  }
0x257: {  	v10 =	vld.idx.msk [tilespmem:v0+s2+$0x0], $0xffff  }
0x258: {  	v12 =	vld.idx.msk [tilespmem:v1+s2+$0x0], $0xffff  }
0x259: {  	v4 =	vld.idx.msk [tilespmem:v2+s2+$0x0], $0xffff  }
0x25a: {  	v3 =	vld.idx.msk [tilespmem:v3+s2+$0x0], $0xffff  }
0x25b: {  	v13 =	vld.idx.msk [tilespmem:v8+s2+$0x0], $0xffff  }
0x25c: {  	v1 =	vld.idx.msk [tilespmem:v7+s2+$0x0], $0xffff  }
0x25d: {  	v7 =	vld [tilespmem:s17+$0xFFFFFF90]  }
0x25e: {  	v2 =	vld.idx.msk [tilespmem:v5+s2+$0x0], $0xffff  }
0x25f: {  	v0 =	vld.idx.msk [tilespmem:v6+s2+$0x0], $0xffff  }
0x260: {  	v8 =	vld [tilespmem:s17+$0xFFFFFFC0]  }
0x261: {  	v6 =	vld [tilespmem:s17+$0xFFFFFFD0];
	v10 =	vadd.f32 v11, v10  }
0x262: {  	v5 =	vld [tilespmem:s17+$0xFFFFFFE0];
	v11 =	vadd.f32 v7, v13  }
0x263: {  	s18 =	simm.s32 $0x0;
	s19 =	simm.s32 $0x1DFC0;
	v7 =	vld [tilespmem:s17+$0xFFFFFFF0];
	[tilespmem:s17+$0x0] =	vst v10;
	v10 =	vadd.f32 v14, v12  }
.LBB2_20:
0x264: {  	v12 =	vld [tilespmem:s19+$0x30];
	s18 =	sadd.s32 $0x80, s18;
	[tilespmem:s17+$0xFFFFFF90] =	vst v11;
	v4 =	vadd.f32 v9, v4  }
0x265: {  	v9 =	vld [tilespmem:s19+$0xFFFFFFD0];
	p0 =	slt.u32 s18, $0x780;
	[tilespmem:s17+$0xFFFFFFA0] =	vst v10;
	v3 =	vadd.f32 v8, v3  }
0x266: {  	v8 =	vld [tilespmem:s19+$0xFFFFFFE0];
	[tilespmem:s17+$0xFFFFFFB0] =	vst v4;
	v2 =	vadd.f32 v6, v2  }
0x267: {  	v6 =	vld [tilespmem:s19+$0xFFFFFFF0];
	[tilespmem:s17+$0xFFFFFFC0] =	vst v3;
	v0 =	vadd.f32 v5, v0  }
0x268: {  	v5 =	vld [tilespmem:s19+$0x0];
	[tilespmem:s17+$0xFFFFFFD0] =	vst v2;
	v1 =	vadd.f32 v7, v1  }
0x269: {  	v7 =	vld [tilespmem:s19+$0x10];
	[tilespmem:s17+$0xFFFFFFE0] =	vst v0  }
0x26a: {  	v10 =	vld [tilespmem:s19+$0x20];
	[tilespmem:s17+$0xFFFFFFF0] =	vst v1  }
0x26b: {  	v1 =	vld [tilespmem:s19+$0xFFFFFFC0]  }
0x26c: {  	s17 =	sadd.s32 $0x80, s17;
	v11 =	vld.idx.msk [tilespmem:v12+s2+$0x0], $0xffff  }
0x26d: {  	v12 =	vld [tilespmem:s17+$0x0]  }
0x26e: {  	v13 =	vld.idx.msk [tilespmem:v9+s2+$0x0], $0xffff  }
0x26f: {  	v4 =	vld.idx.msk [tilespmem:v8+s2+$0x0], $0xffff  }
0x270: {  	v3 =	vld.idx.msk [tilespmem:v6+s2+$0x0], $0xffff  }
0x271: {  	v2 =	vld.idx.msk [tilespmem:v5+s2+$0x0], $0xffff  }
0x272: {  	v0 =	vld.idx.msk [tilespmem:v7+s2+$0x0], $0xffff;
	v5 =	vadd.f32 v12, v11  }
0x273: {  	v7 =	vld.idx.msk [tilespmem:v1+s2+$0x0], $0xffff  }
0x274: {  	v1 =	vld.idx.msk [tilespmem:v10+s2+$0x0], $0xffff;
	[tilespmem:s17+$0x0] =	vst v5  }
0x275: {  	v5 =	vld [tilespmem:s17+$0xFFFFFF90]  }
0x276: {  	v10 =	vld [tilespmem:s17+$0xFFFFFFA0]  }
.Ltmp9:
0x277: {  	v9 =	vld [tilespmem:s17+$0xFFFFFFB0];
	(pc) =	sbr.rel @p0 .LBB2_20-.Ltmp9, $4  }
0x278: {  	v8 =	vld [tilespmem:s17+$0xFFFFFFC0]  }
0x279: {  	v6 =	vld [tilespmem:s17+$0xFFFFFFD0]  }
0x27a: {  	v11 =	vadd.f32 v5, v7;
	v5 =	vld [tilespmem:s17+$0xFFFFFFE0]  }
0x27b: {  	s19 =	sadd.s32 $0x80, s19;
	v10 =	vadd.f32 v10, v13;
	v7 =	vld [tilespmem:s17+$0xFFFFFFF0]  }
0x27c: {  	[tilespmem:s17+$0xFFFFFF90] =	vst v11;
	v4 =	vadd.f32 v9, v4  }
0x27d: {  	[tilespmem:s17+$0xFFFFFFA0] =	vst v10;
	v3 =	vadd.f32 v8, v3  }
0x27e: {  	[tilespmem:s17+$0xFFFFFFB0] =	vst v4;
	v2 =	vadd.f32 v6, v2  }
0x27f: {  	[tilespmem:s17+$0xFFFFFFC0] =	vst v3;
	v0 =	vadd.f32 v5, v0  }
0x280: {  	[tilespmem:s17+$0xFFFFFFD0] =	vst v2;
	v1 =	vadd.f32 v7, v1  }
0x281: {  	[tilespmem:s17+$0xFFFFFFE0] =	vst v0  }
0x282: {  	[tilespmem:s17+$0xFFFFFFF0] =	vst v1  }
0x283: {  	[tilespmem:s23], [sflag:$0x6] =	stream.linear.gather [hbm4b:s12+s2], $0x800, $0x38;
	[tilespmem:$0x1F700] =	vst v63  }
0x284: {  	_ =	swait.ge [sflag:s13], $0x800  }
0x285: {  	[sflag:s13] =	ssyncset.done $0x0  }
0x286: {  	s19 =	simm.s32 $0x1E740;
	[sflag:s13] =	ssyncadd.s32 $0xFFFFF800  }
0x287: {  	v0 =	vld [tilespmem:s19+$0x30]  }
0x288: {  	v1 =	vld [tilespmem:s19+$0xFFFFFFD0]  }
0x289: {  	v2 =	vld [tilespmem:s19+$0xFFFFFFE0]  }
0x28a: {  	v3 =	vld [tilespmem:s19+$0xFFFFFFF0]  }
0x28b: {  	v5 =	vld [tilespmem:s19+$0x0]  }
0x28c: {  	v6 =	vld [tilespmem:s19+$0x10]  }
0x28d: {  	v7 =	vld [tilespmem:s19+$0x20]  }
0x28e: {  	s17 =	simm.s32 $0x19770;
	v8 =	vld [tilespmem:s19+$0xFFFFFFC0]  }
0x28f: {  	v11 =	vld [tilespmem:s17+$0x0]  }
0x290: {  	v14 =	vld [tilespmem:s17+$0xFFFFFFA0]  }
0x291: {  	v9 =	vld [tilespmem:s17+$0xFFFFFFB0]  }
0x292: {  	v10 =	vld.idx.msk [tilespmem:v0+s2+$0x0], $0xffff  }
0x293: {  	v12 =	vld.idx.msk [tilespmem:v1+s2+$0x0], $0xffff  }
0x294: {  	v4 =	vld.idx.msk [tilespmem:v2+s2+$0x0], $0xffff  }
0x295: {  	v3 =	vld.idx.msk [tilespmem:v3+s2+$0x0], $0xffff  }
0x296: {  	v13 =	vld.idx.msk [tilespmem:v8+s2+$0x0], $0xffff  }
0x297: {  	v1 =	vld.idx.msk [tilespmem:v7+s2+$0x0], $0xffff  }
0x298: {  	v7 =	vld [tilespmem:s17+$0xFFFFFF90]  }
0x299: {  	v2 =	vld.idx.msk [tilespmem:v5+s2+$0x0], $0xffff  }
0x29a: {  	v0 =	vld.idx.msk [tilespmem:v6+s2+$0x0], $0xffff  }
0x29b: {  	v8 =	vld [tilespmem:s17+$0xFFFFFFC0]  }
0x29c: {  	v6 =	vld [tilespmem:s17+$0xFFFFFFD0];
	v10 =	vadd.f32 v11, v10  }
0x29d: {  	v5 =	vld [tilespmem:s17+$0xFFFFFFE0];
	v11 =	vadd.f32 v7, v13  }
0x29e: {  	s18 =	simm.s32 $0x0;
	s19 =	simm.s32 $0x1E7C0;
	v7 =	vld [tilespmem:s17+$0xFFFFFFF0];
	[tilespmem:s17+$0x0] =	vst v10;
	v10 =	vadd.f32 v14, v12  }
.LBB2_22:
0x29f: {  	v12 =	vld [tilespmem:s19+$0x30];
	s18 =	sadd.s32 $0x80, s18;
	[tilespmem:s17+$0xFFFFFF90] =	vst v11;
	v4 =	vadd.f32 v9, v4  }
0x2a0: {  	v9 =	vld [tilespmem:s19+$0xFFFFFFD0];
	p0 =	slt.u32 s18, $0x780;
	[tilespmem:s17+$0xFFFFFFA0] =	vst v10;
	v3 =	vadd.f32 v8, v3  }
0x2a1: {  	v8 =	vld [tilespmem:s19+$0xFFFFFFE0];
	[tilespmem:s17+$0xFFFFFFB0] =	vst v4;
	v2 =	vadd.f32 v6, v2  }
0x2a2: {  	v6 =	vld [tilespmem:s19+$0xFFFFFFF0];
	[tilespmem:s17+$0xFFFFFFC0] =	vst v3;
	v0 =	vadd.f32 v5, v0  }
0x2a3: {  	v5 =	vld [tilespmem:s19+$0x0];
	[tilespmem:s17+$0xFFFFFFD0] =	vst v2;
	v1 =	vadd.f32 v7, v1  }
0x2a4: {  	v7 =	vld [tilespmem:s19+$0x10];
	[tilespmem:s17+$0xFFFFFFE0] =	vst v0  }
0x2a5: {  	v10 =	vld [tilespmem:s19+$0x20];
	[tilespmem:s17+$0xFFFFFFF0] =	vst v1  }
0x2a6: {  	v1 =	vld [tilespmem:s19+$0xFFFFFFC0]  }
0x2a7: {  	s17 =	sadd.s32 $0x80, s17;
	v11 =	vld.idx.msk [tilespmem:v12+s2+$0x0], $0xffff  }
0x2a8: {  	v12 =	vld [tilespmem:s17+$0x0]  }
0x2a9: {  	v13 =	vld.idx.msk [tilespmem:v9+s2+$0x0], $0xffff  }
0x2aa: {  	v4 =	vld.idx.msk [tilespmem:v8+s2+$0x0], $0xffff  }
0x2ab: {  	v3 =	vld.idx.msk [tilespmem:v6+s2+$0x0], $0xffff  }
0x2ac: {  	v2 =	vld.idx.msk [tilespmem:v5+s2+$0x0], $0xffff  }
0x2ad: {  	v0 =	vld.idx.msk [tilespmem:v7+s2+$0x0], $0xffff;
	v5 =	vadd.f32 v12, v11  }
0x2ae: {  	v7 =	vld.idx.msk [tilespmem:v1+s2+$0x0], $0xffff  }
0x2af: {  	v1 =	vld.idx.msk [tilespmem:v10+s2+$0x0], $0xffff;
	[tilespmem:s17+$0x0] =	vst v5  }
0x2b0: {  	v5 =	vld [tilespmem:s17+$0xFFFFFF90]  }
0x2b1: {  	v10 =	vld [tilespmem:s17+$0xFFFFFFA0]  }
.Ltmp10:
0x2b2: {  	v9 =	vld [tilespmem:s17+$0xFFFFFFB0];
	(pc) =	sbr.rel @p0 .LBB2_22-.Ltmp10, $4  }
0x2b3: {  	v8 =	vld [tilespmem:s17+$0xFFFFFFC0]  }
0x2b4: {  	v6 =	vld [tilespmem:s17+$0xFFFFFFD0]  }
0x2b5: {  	v11 =	vadd.f32 v5, v7;
	v5 =	vld [tilespmem:s17+$0xFFFFFFE0]  }
0x2b6: {  	s19 =	sadd.s32 $0x80, s19;
	v10 =	vadd.f32 v10, v13;
	v7 =	vld [tilespmem:s17+$0xFFFFFFF0]  }
0x2b7: {  	[tilespmem:s17+$0xFFFFFF90] =	vst v11;
	v4 =	vadd.f32 v9, v4  }
0x2b8: {  	[tilespmem:s17+$0xFFFFFFA0] =	vst v10;
	v3 =	vadd.f32 v8, v3  }
0x2b9: {  	[tilespmem:s17+$0xFFFFFFB0] =	vst v4;
	v2 =	vadd.f32 v6, v2  }
0x2ba: {  	[tilespmem:s17+$0xFFFFFFC0] =	vst v3;
	v0 =	vadd.f32 v5, v0  }
0x2bb: {  	[tilespmem:s17+$0xFFFFFFD0] =	vst v2;
	v1 =	vadd.f32 v7, v1  }
0x2bc: {  	[tilespmem:s17+$0xFFFFFFE0] =	vst v0  }
0x2bd: {  	[tilespmem:s17+$0xFFFFFFF0] =	vst v1  }
0x2be: {  	[tilespmem:s24], [sflag:$0x7] =	stream.linear.gather [hbm4b:s1+s2], $0x800, $0x38;
	[tilespmem:$0x1F700] =	vst v63  }
0x2bf: {  	_ =	swait.ge [sflag:s14], $0x800  }
0x2c0: {  	[sflag:s14] =	ssyncset.done $0x0  }
0x2c1: {  	s19 =	simm.s32 $0x1EF40;
	[sflag:s14] =	ssyncadd.s32 $0xFFFFF800  }
0x2c2: {  	v0 =	vld [tilespmem:s19+$0x30]  }
0x2c3: {  	v1 =	vld [tilespmem:s19+$0xFFFFFFD0]  }
0x2c4: {  	v2 =	vld [tilespmem:s19+$0xFFFFFFE0]  }
0x2c5: {  	v3 =	vld [tilespmem:s19+$0xFFFFFFF0]  }
0x2c6: {  	v5 =	vld [tilespmem:s19+$0x0]  }
0x2c7: {  	v6 =	vld [tilespmem:s19+$0x10]  }
0x2c8: {  	v7 =	vld [tilespmem:s19+$0x20]  }
0x2c9: {  	s17 =	simm.s32 $0x19F70;
	v8 =	vld [tilespmem:s19+$0xFFFFFFC0]  }
0x2ca: {  	v11 =	vld [tilespmem:s17+$0x0]  }
0x2cb: {  	v14 =	vld [tilespmem:s17+$0xFFFFFFA0]  }
0x2cc: {  	v9 =	vld [tilespmem:s17+$0xFFFFFFB0]  }
0x2cd: {  	v10 =	vld.idx.msk [tilespmem:v0+s2+$0x0], $0xffff  }
0x2ce: {  	v12 =	vld.idx.msk [tilespmem:v1+s2+$0x0], $0xffff  }
0x2cf: {  	v4 =	vld.idx.msk [tilespmem:v2+s2+$0x0], $0xffff  }
0x2d0: {  	v3 =	vld.idx.msk [tilespmem:v3+s2+$0x0], $0xffff  }
0x2d1: {  	v13 =	vld.idx.msk [tilespmem:v8+s2+$0x0], $0xffff  }
0x2d2: {  	v1 =	vld.idx.msk [tilespmem:v7+s2+$0x0], $0xffff  }
0x2d3: {  	v7 =	vld [tilespmem:s17+$0xFFFFFF90]  }
0x2d4: {  	v2 =	vld.idx.msk [tilespmem:v5+s2+$0x0], $0xffff  }
0x2d5: {  	v0 =	vld.idx.msk [tilespmem:v6+s2+$0x0], $0xffff  }
0x2d6: {  	v8 =	vld [tilespmem:s17+$0xFFFFFFC0]  }
0x2d7: {  	v6 =	vld [tilespmem:s17+$0xFFFFFFD0];
	v10 =	vadd.f32 v11, v10  }
0x2d8: {  	v5 =	vld [tilespmem:s17+$0xFFFFFFE0];
	v11 =	vadd.f32 v7, v13  }
0x2d9: {  	s18 =	simm.s32 $0x0;
	s19 =	simm.s32 $0x1EFC0;
	v7 =	vld [tilespmem:s17+$0xFFFFFFF0];
	[tilespmem:s17+$0x0] =	vst v10;
	v10 =	vadd.f32 v14, v12  }
.LBB2_24:
0x2da: {  	v12 =	vld [tilespmem:s19+$0x30];
	s18 =	sadd.s32 $0x80, s18;
	[tilespmem:s17+$0xFFFFFF90] =	vst v11;
	v4 =	vadd.f32 v9, v4  }
0x2db: {  	v9 =	vld [tilespmem:s19+$0xFFFFFFD0];
	p0 =	slt.u32 s18, $0x780;
	[tilespmem:s17+$0xFFFFFFA0] =	vst v10;
	v3 =	vadd.f32 v8, v3  }
0x2dc: {  	v8 =	vld [tilespmem:s19+$0xFFFFFFE0];
	[tilespmem:s17+$0xFFFFFFB0] =	vst v4;
	v2 =	vadd.f32 v6, v2  }
0x2dd: {  	v6 =	vld [tilespmem:s19+$0xFFFFFFF0];
	[tilespmem:s17+$0xFFFFFFC0] =	vst v3;
	v0 =	vadd.f32 v5, v0  }
0x2de: {  	v5 =	vld [tilespmem:s19+$0x0];
	[tilespmem:s17+$0xFFFFFFD0] =	vst v2;
	v1 =	vadd.f32 v7, v1  }
0x2df: {  	v7 =	vld [tilespmem:s19+$0x10];
	[tilespmem:s17+$0xFFFFFFE0] =	vst v0  }
0x2e0: {  	v10 =	vld [tilespmem:s19+$0x20];
	[tilespmem:s17+$0xFFFFFFF0] =	vst v1  }
0x2e1: {  	v1 =	vld [tilespmem:s19+$0xFFFFFFC0]  }
0x2e2: {  	s17 =	sadd.s32 $0x80, s17;
	v11 =	vld.idx.msk [tilespmem:v12+s2+$0x0], $0xffff  }
0x2e3: {  	v12 =	vld [tilespmem:s17+$0x0]  }
0x2e4: {  	v13 =	vld.idx.msk [tilespmem:v9+s2+$0x0], $0xffff  }
0x2e5: {  	v4 =	vld.idx.msk [tilespmem:v8+s2+$0x0], $0xffff  }
0x2e6: {  	v3 =	vld.idx.msk [tilespmem:v6+s2+$0x0], $0xffff  }
0x2e7: {  	v2 =	vld.idx.msk [tilespmem:v5+s2+$0x0], $0xffff  }
0x2e8: {  	v0 =	vld.idx.msk [tilespmem:v7+s2+$0x0], $0xffff;
	v5 =	vadd.f32 v12, v11  }
0x2e9: {  	v7 =	vld.idx.msk [tilespmem:v1+s2+$0x0], $0xffff  }
0x2ea: {  	v1 =	vld.idx.msk [tilespmem:v10+s2+$0x0], $0xffff;
	[tilespmem:s17+$0x0] =	vst v5  }
0x2eb: {  	v5 =	vld [tilespmem:s17+$0xFFFFFF90]  }
0x2ec: {  	v10 =	vld [tilespmem:s17+$0xFFFFFFA0]  }
.Ltmp11:
0x2ed: {  	v9 =	vld [tilespmem:s17+$0xFFFFFFB0];
	(pc) =	sbr.rel @p0 .LBB2_24-.Ltmp11, $4  }
0x2ee: {  	v8 =	vld [tilespmem:s17+$0xFFFFFFC0]  }
0x2ef: {  	v6 =	vld [tilespmem:s17+$0xFFFFFFD0]  }
0x2f0: {  	v11 =	vadd.f32 v5, v7;
	v5 =	vld [tilespmem:s17+$0xFFFFFFE0]  }
0x2f1: {  	s19 =	sadd.s32 $0x80, s19;
	v10 =	vadd.f32 v10, v13;
	v7 =	vld [tilespmem:s17+$0xFFFFFFF0]  }
0x2f2: {  	[tilespmem:s17+$0xFFFFFF90] =	vst v11;
	v4 =	vadd.f32 v9, v4  }
0x2f3: {  	[tilespmem:s17+$0xFFFFFFA0] =	vst v10;
	v3 =	vadd.f32 v8, v3  }
0x2f4: {  	[tilespmem:s17+$0xFFFFFFB0] =	vst v4;
	v2 =	vadd.f32 v6, v2  }
0x2f5: {  	[tilespmem:s17+$0xFFFFFFC0] =	vst v3;
	v0 =	vadd.f32 v5, v0  }
0x2f6: {  	[tilespmem:s17+$0xFFFFFFD0] =	vst v2;
	v1 =	vadd.f32 v7, v1  }
0x2f7: {  	[tilespmem:s17+$0xFFFFFFE0] =	vst v0  }
0x2f8: {  	[tilespmem:s17+$0xFFFFFFF0] =	vst v1  }
0x2f9: {  	[tilespmem:s25], [sflag:$0x8] =	stream.linear.gather [hbm4b:s4+s2], $0x800, $0x38;
	[tilespmem:$0x1F700] =	vst v63  }
0x2fa: {  	_ =	swait.ge [sflag:s0], $0x800  }
0x2fb: {  	[sflag:s0] =	ssyncset.done $0x0  }
0x2fc: {  	s19 =	simm.s32 $0x1C740;
	[sflag:s0] =	ssyncadd.s32 $0xFFFFF800  }
0x2fd: {  	v0 =	vld [tilespmem:s19+$0x30]  }
0x2fe: {  	v1 =	vld [tilespmem:s19+$0xFFFFFFD0]  }
0x2ff: {  	v2 =	vld [tilespmem:s19+$0xFFFFFFE0]  }
0x300: {  	v3 =	vld [tilespmem:s19+$0xFFFFFFF0]  }
0x301: {  	v5 =	vld [tilespmem:s19+$0x0]  }
0x302: {  	v6 =	vld [tilespmem:s19+$0x10]  }
0x303: {  	v7 =	vld [tilespmem:s19+$0x20]  }
0x304: {  	s17 =	simm.s32 $0x1A770;
	v8 =	vld [tilespmem:s19+$0xFFFFFFC0]  }
0x305: {  	v11 =	vld [tilespmem:s17+$0x0]  }
0x306: {  	v14 =	vld [tilespmem:s17+$0xFFFFFFA0]  }
0x307: {  	v9 =	vld [tilespmem:s17+$0xFFFFFFB0]  }
0x308: {  	v10 =	vld.idx.msk [tilespmem:v0+s2+$0x0], $0xffff  }
0x309: {  	v12 =	vld.idx.msk [tilespmem:v1+s2+$0x0], $0xffff  }
0x30a: {  	v4 =	vld.idx.msk [tilespmem:v2+s2+$0x0], $0xffff  }
0x30b: {  	v3 =	vld.idx.msk [tilespmem:v3+s2+$0x0], $0xffff  }
0x30c: {  	v13 =	vld.idx.msk [tilespmem:v8+s2+$0x0], $0xffff  }
0x30d: {  	v1 =	vld.idx.msk [tilespmem:v7+s2+$0x0], $0xffff  }
0x30e: {  	v7 =	vld [tilespmem:s17+$0xFFFFFF90]  }
0x30f: {  	v2 =	vld.idx.msk [tilespmem:v5+s2+$0x0], $0xffff  }
0x310: {  	v0 =	vld.idx.msk [tilespmem:v6+s2+$0x0], $0xffff  }
0x311: {  	v8 =	vld [tilespmem:s17+$0xFFFFFFC0]  }
0x312: {  	v6 =	vld [tilespmem:s17+$0xFFFFFFD0];
	v10 =	vadd.f32 v11, v10  }
0x313: {  	v5 =	vld [tilespmem:s17+$0xFFFFFFE0];
	v11 =	vadd.f32 v7, v13  }
0x314: {  	s18 =	simm.s32 $0x0;
	s19 =	simm.s32 $0x1C7C0;
	v7 =	vld [tilespmem:s17+$0xFFFFFFF0];
	[tilespmem:s17+$0x0] =	vst v10;
	v10 =	vadd.f32 v14, v12  }
.LBB2_26:
0x315: {  	v12 =	vld [tilespmem:s19+$0x30];
	s18 =	sadd.s32 $0x80, s18;
	[tilespmem:s17+$0xFFFFFF90] =	vst v11;
	v4 =	vadd.f32 v9, v4  }
0x316: {  	v9 =	vld [tilespmem:s19+$0xFFFFFFD0];
	p0 =	slt.u32 s18, $0x780;
	[tilespmem:s17+$0xFFFFFFA0] =	vst v10;
	v3 =	vadd.f32 v8, v3  }
0x317: {  	v8 =	vld [tilespmem:s19+$0xFFFFFFE0];
	[tilespmem:s17+$0xFFFFFFB0] =	vst v4;
	v2 =	vadd.f32 v6, v2  }
0x318: {  	v6 =	vld [tilespmem:s19+$0xFFFFFFF0];
	[tilespmem:s17+$0xFFFFFFC0] =	vst v3;
	v0 =	vadd.f32 v5, v0  }
0x319: {  	v5 =	vld [tilespmem:s19+$0x0];
	[tilespmem:s17+$0xFFFFFFD0] =	vst v2;
	v1 =	vadd.f32 v7, v1  }
0x31a: {  	v7 =	vld [tilespmem:s19+$0x10];
	[tilespmem:s17+$0xFFFFFFE0] =	vst v0  }
0x31b: {  	v10 =	vld [tilespmem:s19+$0x20];
	[tilespmem:s17+$0xFFFFFFF0] =	vst v1  }
0x31c: {  	v1 =	vld [tilespmem:s19+$0xFFFFFFC0]  }
0x31d: {  	s17 =	sadd.s32 $0x80, s17;
	v11 =	vld.idx.msk [tilespmem:v12+s2+$0x0], $0xffff  }
0x31e: {  	v12 =	vld [tilespmem:s17+$0x0]  }
0x31f: {  	v13 =	vld.idx.msk [tilespmem:v9+s2+$0x0], $0xffff  }
0x320: {  	v4 =	vld.idx.msk [tilespmem:v8+s2+$0x0], $0xffff  }
0x321: {  	v3 =	vld.idx.msk [tilespmem:v6+s2+$0x0], $0xffff  }
0x322: {  	v2 =	vld.idx.msk [tilespmem:v5+s2+$0x0], $0xffff  }
0x323: {  	v0 =	vld.idx.msk [tilespmem:v7+s2+$0x0], $0xffff;
	v5 =	vadd.f32 v12, v11  }
0x324: {  	v7 =	vld.idx.msk [tilespmem:v1+s2+$0x0], $0xffff  }
0x325: {  	v1 =	vld.idx.msk [tilespmem:v10+s2+$0x0], $0xffff;
	[tilespmem:s17+$0x0] =	vst v5  }
0x326: {  	v5 =	vld [tilespmem:s17+$0xFFFFFF90]  }
0x327: {  	v10 =	vld [tilespmem:s17+$0xFFFFFFA0]  }
.Ltmp12:
0x328: {  	v9 =	vld [tilespmem:s17+$0xFFFFFFB0];
	(pc) =	sbr.rel @p0 .LBB2_26-.Ltmp12, $4  }
0x329: {  	v8 =	vld [tilespmem:s17+$0xFFFFFFC0]  }
0x32a: {  	v6 =	vld [tilespmem:s17+$0xFFFFFFD0]  }
0x32b: {  	v11 =	vadd.f32 v5, v7;
	v5 =	vld [tilespmem:s17+$0xFFFFFFE0]  }
0x32c: {  	s19 =	sadd.s32 $0x80, s19;
	v10 =	vadd.f32 v10, v13;
	v7 =	vld [tilespmem:s17+$0xFFFFFFF0]  }
0x32d: {  	[tilespmem:s17+$0xFFFFFF90] =	vst v11;
	v4 =	vadd.f32 v9, v4  }
0x32e: {  	[tilespmem:s17+$0xFFFFFFA0] =	vst v10;
	v3 =	vadd.f32 v8, v3  }
0x32f: {  	[tilespmem:s17+$0xFFFFFFB0] =	vst v4;
	v2 =	vadd.f32 v6, v2  }
0x330: {  	[tilespmem:s17+$0xFFFFFFC0] =	vst v3;
	v0 =	vadd.f32 v5, v0  }
0x331: {  	[tilespmem:s17+$0xFFFFFFD0] =	vst v2;
	v1 =	vadd.f32 v7, v1  }
0x332: {  	[tilespmem:s17+$0xFFFFFFE0] =	vst v0  }
0x333: {  	[tilespmem:s17+$0xFFFFFFF0] =	vst v1  }
0x334: {  	[tilespmem:s20], [sflag:$0x3] =	stream.linear.gather [hbm4b:s5+s2], $0x800, $0x38;
	[tilespmem:$0x1F700] =	vst v63  }
0x335: {  	_ =	swait.ge [sflag:s3], $0x800  }
0x336: {  	[sflag:s3] =	ssyncset.done $0x0  }
0x337: {  	s19 =	simm.s32 $0x1CF40;
	[sflag:s3] =	ssyncadd.s32 $0xFFFFF800  }
0x338: {  	v0 =	vld [tilespmem:s19+$0x30]  }
0x339: {  	v1 =	vld [tilespmem:s19+$0xFFFFFFD0]  }
0x33a: {  	v2 =	vld [tilespmem:s19+$0xFFFFFFE0]  }
0x33b: {  	v3 =	vld [tilespmem:s19+$0xFFFFFFF0]  }
0x33c: {  	v5 =	vld [tilespmem:s19+$0x0]  }
0x33d: {  	v6 =	vld [tilespmem:s19+$0x10]  }
0x33e: {  	v7 =	vld [tilespmem:s19+$0x20]  }
0x33f: {  	s17 =	simm.s32 $0x1AF70;
	v8 =	vld [tilespmem:s19+$0xFFFFFFC0]  }
0x340: {  	v11 =	vld [tilespmem:s17+$0x0]  }
0x341: {  	v14 =	vld [tilespmem:s17+$0xFFFFFFA0]  }
0x342: {  	v9 =	vld [tilespmem:s17+$0xFFFFFFB0]  }
0x343: {  	v10 =	vld.idx.msk [tilespmem:v0+s2+$0x0], $0xffff  }
0x344: {  	v12 =	vld.idx.msk [tilespmem:v1+s2+$0x0], $0xffff  }
0x345: {  	v4 =	vld.idx.msk [tilespmem:v2+s2+$0x0], $0xffff  }
0x346: {  	v3 =	vld.idx.msk [tilespmem:v3+s2+$0x0], $0xffff  }
0x347: {  	v13 =	vld.idx.msk [tilespmem:v8+s2+$0x0], $0xffff  }
0x348: {  	v1 =	vld.idx.msk [tilespmem:v7+s2+$0x0], $0xffff  }
0x349: {  	v7 =	vld [tilespmem:s17+$0xFFFFFF90]  }
0x34a: {  	v2 =	vld.idx.msk [tilespmem:v5+s2+$0x0], $0xffff  }
0x34b: {  	v0 =	vld.idx.msk [tilespmem:v6+s2+$0x0], $0xffff  }
0x34c: {  	v8 =	vld [tilespmem:s17+$0xFFFFFFC0]  }
0x34d: {  	v6 =	vld [tilespmem:s17+$0xFFFFFFD0];
	v10 =	vadd.f32 v11, v10  }
0x34e: {  	v5 =	vld [tilespmem:s17+$0xFFFFFFE0];
	v11 =	vadd.f32 v7, v13  }
0x34f: {  	s18 =	simm.s32 $0x0;
	s19 =	simm.s32 $0x1CFC0;
	v7 =	vld [tilespmem:s17+$0xFFFFFFF0];
	[tilespmem:s17+$0x0] =	vst v10;
	v10 =	vadd.f32 v14, v12  }
.LBB2_28:
0x350: {  	v12 =	vld [tilespmem:s19+$0x30];
	s18 =	sadd.s32 $0x80, s18;
	[tilespmem:s17+$0xFFFFFF90] =	vst v11;
	v4 =	vadd.f32 v9, v4  }
0x351: {  	v9 =	vld [tilespmem:s19+$0xFFFFFFD0];
	p0 =	slt.u32 s18, $0x780;
	[tilespmem:s17+$0xFFFFFFA0] =	vst v10;
	v3 =	vadd.f32 v8, v3  }
0x352: {  	v8 =	vld [tilespmem:s19+$0xFFFFFFE0];
	[tilespmem:s17+$0xFFFFFFB0] =	vst v4;
	v2 =	vadd.f32 v6, v2  }
0x353: {  	v6 =	vld [tilespmem:s19+$0xFFFFFFF0];
	[tilespmem:s17+$0xFFFFFFC0] =	vst v3;
	v0 =	vadd.f32 v5, v0  }
0x354: {  	v5 =	vld [tilespmem:s19+$0x0];
	[tilespmem:s17+$0xFFFFFFD0] =	vst v2;
	v1 =	vadd.f32 v7, v1  }
0x355: {  	v7 =	vld [tilespmem:s19+$0x10];
	[tilespmem:s17+$0xFFFFFFE0] =	vst v0  }
0x356: {  	v10 =	vld [tilespmem:s19+$0x20];
	[tilespmem:s17+$0xFFFFFFF0] =	vst v1  }
0x357: {  	v1 =	vld [tilespmem:s19+$0xFFFFFFC0]  }
0x358: {  	s17 =	sadd.s32 $0x80, s17;
	v11 =	vld.idx.msk [tilespmem:v12+s2+$0x0], $0xffff  }
0x359: {  	v12 =	vld [tilespmem:s17+$0x0]  }
0x35a: {  	v13 =	vld.idx.msk [tilespmem:v9+s2+$0x0], $0xffff  }
0x35b: {  	v4 =	vld.idx.msk [tilespmem:v8+s2+$0x0], $0xffff  }
0x35c: {  	v3 =	vld.idx.msk [tilespmem:v6+s2+$0x0], $0xffff  }
0x35d: {  	v2 =	vld.idx.msk [tilespmem:v5+s2+$0x0], $0xffff  }
0x35e: {  	v0 =	vld.idx.msk [tilespmem:v7+s2+$0x0], $0xffff;
	v5 =	vadd.f32 v12, v11  }
0x35f: {  	v7 =	vld.idx.msk [tilespmem:v1+s2+$0x0], $0xffff  }
0x360: {  	v1 =	vld.idx.msk [tilespmem:v10+s2+$0x0], $0xffff;
	[tilespmem:s17+$0x0] =	vst v5  }
0x361: {  	v5 =	vld [tilespmem:s17+$0xFFFFFF90]  }
0x362: {  	v10 =	vld [tilespmem:s17+$0xFFFFFFA0]  }
.Ltmp13:
0x363: {  	v9 =	vld [tilespmem:s17+$0xFFFFFFB0];
	(pc) =	sbr.rel @p0 .LBB2_28-.Ltmp13, $4  }
0x364: {  	v8 =	vld [tilespmem:s17+$0xFFFFFFC0]  }
0x365: {  	v6 =	vld [tilespmem:s17+$0xFFFFFFD0]  }
0x366: {  	v11 =	vadd.f32 v5, v7;
	v5 =	vld [tilespmem:s17+$0xFFFFFFE0]  }
0x367: {  	s19 =	sadd.s32 $0x80, s19;
	v10 =	vadd.f32 v10, v13;
	v7 =	vld [tilespmem:s17+$0xFFFFFFF0]  }
0x368: {  	[tilespmem:s17+$0xFFFFFF90] =	vst v11;
	v4 =	vadd.f32 v9, v4  }
0x369: {  	[tilespmem:s17+$0xFFFFFFA0] =	vst v10;
	v3 =	vadd.f32 v8, v3  }
0x36a: {  	[tilespmem:s17+$0xFFFFFFB0] =	vst v4;
	v2 =	vadd.f32 v6, v2  }
0x36b: {  	[tilespmem:s17+$0xFFFFFFC0] =	vst v3;
	v0 =	vadd.f32 v5, v0  }
0x36c: {  	[tilespmem:s17+$0xFFFFFFD0] =	vst v2;
	v1 =	vadd.f32 v7, v1  }
0x36d: {  	[tilespmem:s17+$0xFFFFFFE0] =	vst v0  }
0x36e: {  	[tilespmem:s17+$0xFFFFFFF0] =	vst v1  }
0x36f: {  	[tilespmem:s21], [sflag:$0x4] =	stream.linear.gather [hbm4b:s6+s2], $0x800, $0x38;
	[tilespmem:$0x1F700] =	vst v63  }
0x370: {  	_ =	swait.ge [sflag:s9], $0x800  }
0x371: {  	[sflag:s9] =	ssyncset.done $0x0  }
0x372: {  	s19 =	simm.s32 $0x1D740;
	[sflag:s9] =	ssyncadd.s32 $0xFFFFF800  }
0x373: {  	v0 =	vld [tilespmem:s19+$0x30]  }
0x374: {  	v1 =	vld [tilespmem:s19+$0xFFFFFFD0]  }
0x375: {  	v2 =	vld [tilespmem:s19+$0xFFFFFFE0]  }
0x376: {  	v3 =	vld [tilespmem:s19+$0xFFFFFFF0]  }
0x377: {  	v5 =	vld [tilespmem:s19+$0x0]  }
0x378: {  	v6 =	vld [tilespmem:s19+$0x10]  }
0x379: {  	v7 =	vld [tilespmem:s19+$0x20]  }
0x37a: {  	s17 =	simm.s32 $0x1B770;
	v8 =	vld [tilespmem:s19+$0xFFFFFFC0]  }
0x37b: {  	v11 =	vld [tilespmem:s17+$0x0]  }
0x37c: {  	v14 =	vld [tilespmem:s17+$0xFFFFFFA0]  }
0x37d: {  	v9 =	vld [tilespmem:s17+$0xFFFFFFB0]  }
0x37e: {  	v10 =	vld.idx.msk [tilespmem:v0+s2+$0x0], $0xffff  }
0x37f: {  	v12 =	vld.idx.msk [tilespmem:v1+s2+$0x0], $0xffff  }
0x380: {  	v4 =	vld.idx.msk [tilespmem:v2+s2+$0x0], $0xffff  }
0x381: {  	v3 =	vld.idx.msk [tilespmem:v3+s2+$0x0], $0xffff  }
0x382: {  	v13 =	vld.idx.msk [tilespmem:v8+s2+$0x0], $0xffff  }
0x383: {  	v1 =	vld.idx.msk [tilespmem:v7+s2+$0x0], $0xffff  }
0x384: {  	v7 =	vld [tilespmem:s17+$0xFFFFFF90]  }
0x385: {  	v2 =	vld.idx.msk [tilespmem:v5+s2+$0x0], $0xffff  }
0x386: {  	v0 =	vld.idx.msk [tilespmem:v6+s2+$0x0], $0xffff  }
0x387: {  	v8 =	vld [tilespmem:s17+$0xFFFFFFC0]  }
0x388: {  	v6 =	vld [tilespmem:s17+$0xFFFFFFD0];
	v10 =	vadd.f32 v11, v10  }
0x389: {  	v5 =	vld [tilespmem:s17+$0xFFFFFFE0];
	v11 =	vadd.f32 v7, v13  }
0x38a: {  	s18 =	simm.s32 $0x0;
	s19 =	simm.s32 $0x1D7C0;
	v7 =	vld [tilespmem:s17+$0xFFFFFFF0];
	[tilespmem:s17+$0x0] =	vst v10;
	v10 =	vadd.f32 v14, v12  }
.LBB2_30:
0x38b: {  	v12 =	vld [tilespmem:s19+$0x30];
	s18 =	sadd.s32 $0x80, s18;
	[tilespmem:s17+$0xFFFFFF90] =	vst v11;
	v4 =	vadd.f32 v9, v4  }
0x38c: {  	v9 =	vld [tilespmem:s19+$0xFFFFFFD0];
	p0 =	slt.u32 s18, $0x780;
	[tilespmem:s17+$0xFFFFFFA0] =	vst v10;
	v3 =	vadd.f32 v8, v3  }
0x38d: {  	v8 =	vld [tilespmem:s19+$0xFFFFFFE0];
	[tilespmem:s17+$0xFFFFFFB0] =	vst v4;
	v2 =	vadd.f32 v6, v2  }
0x38e: {  	v6 =	vld [tilespmem:s19+$0xFFFFFFF0];
	[tilespmem:s17+$0xFFFFFFC0] =	vst v3;
	v0 =	vadd.f32 v5, v0  }
0x38f: {  	v5 =	vld [tilespmem:s19+$0x0];
	[tilespmem:s17+$0xFFFFFFD0] =	vst v2;
	v1 =	vadd.f32 v7, v1  }
0x390: {  	v7 =	vld [tilespmem:s19+$0x10];
	[tilespmem:s17+$0xFFFFFFE0] =	vst v0  }
0x391: {  	v10 =	vld [tilespmem:s19+$0x20];
	[tilespmem:s17+$0xFFFFFFF0] =	vst v1  }
0x392: {  	v1 =	vld [tilespmem:s19+$0xFFFFFFC0]  }
0x393: {  	s17 =	sadd.s32 $0x80, s17;
	v11 =	vld.idx.msk [tilespmem:v12+s2+$0x0], $0xffff  }
0x394: {  	v12 =	vld [tilespmem:s17+$0x0]  }
0x395: {  	v13 =	vld.idx.msk [tilespmem:v9+s2+$0x0], $0xffff  }
0x396: {  	v4 =	vld.idx.msk [tilespmem:v8+s2+$0x0], $0xffff  }
0x397: {  	v3 =	vld.idx.msk [tilespmem:v6+s2+$0x0], $0xffff  }
0x398: {  	v2 =	vld.idx.msk [tilespmem:v5+s2+$0x0], $0xffff  }
0x399: {  	v0 =	vld.idx.msk [tilespmem:v7+s2+$0x0], $0xffff;
	v5 =	vadd.f32 v12, v11  }
0x39a: {  	v7 =	vld.idx.msk [tilespmem:v1+s2+$0x0], $0xffff  }
0x39b: {  	v1 =	vld.idx.msk [tilespmem:v10+s2+$0x0], $0xffff;
	[tilespmem:s17+$0x0] =	vst v5  }
0x39c: {  	v5 =	vld [tilespmem:s17+$0xFFFFFF90]  }
0x39d: {  	v10 =	vld [tilespmem:s17+$0xFFFFFFA0]  }
.Ltmp14:
0x39e: {  	v9 =	vld [tilespmem:s17+$0xFFFFFFB0];
	(pc) =	sbr.rel @p0 .LBB2_30-.Ltmp14, $4  }
0x39f: {  	v8 =	vld [tilespmem:s17+$0xFFFFFFC0]  }
0x3a0: {  	v6 =	vld [tilespmem:s17+$0xFFFFFFD0]  }
0x3a1: {  	v11 =	vadd.f32 v5, v7;
	v5 =	vld [tilespmem:s17+$0xFFFFFFE0]  }
0x3a2: {  	s19 =	sadd.s32 $0x80, s19;
	v10 =	vadd.f32 v10, v13;
	v7 =	vld [tilespmem:s17+$0xFFFFFFF0]  }
0x3a3: {  	[tilespmem:s17+$0xFFFFFF90] =	vst v11;
	v4 =	vadd.f32 v9, v4  }
0x3a4: {  	[tilespmem:s17+$0xFFFFFFA0] =	vst v10;
	v3 =	vadd.f32 v8, v3  }
0x3a5: {  	[tilespmem:s17+$0xFFFFFFB0] =	vst v4;
	v2 =	vadd.f32 v6, v2  }
0x3a6: {  	[tilespmem:s17+$0xFFFFFFC0] =	vst v3;
	v0 =	vadd.f32 v5, v0  }
0x3a7: {  	[tilespmem:s17+$0xFFFFFFD0] =	vst v2;
	v1 =	vadd.f32 v7, v1  }
0x3a8: {  	[tilespmem:s17+$0xFFFFFFE0] =	vst v0  }
0x3a9: {  	[tilespmem:s17+$0xFFFFFFF0] =	vst v1  }
0x3aa: {  	[tilespmem:s22], [sflag:$0x5] =	stream.linear.gather [hbm4b:s7+s2], $0x800, $0x38;
	[tilespmem:$0x1F700] =	vst v63  }
0x3ab: {  	_ =	swait.ge [sflag:s10], $0x800  }
0x3ac: {  	[sflag:s10] =	ssyncset.done $0x0  }
0x3ad: {  	s19 =	simm.s32 $0x1DF40;
	[sflag:s10] =	ssyncadd.s32 $0xFFFFF800  }
0x3ae: {  	v0 =	vld [tilespmem:s19+$0x30]  }
0x3af: {  	v1 =	vld [tilespmem:s19+$0xFFFFFFD0]  }
0x3b0: {  	v2 =	vld [tilespmem:s19+$0xFFFFFFE0]  }
0x3b1: {  	v3 =	vld [tilespmem:s19+$0xFFFFFFF0]  }
0x3b2: {  	v5 =	vld [tilespmem:s19+$0x0]  }
0x3b3: {  	v6 =	vld [tilespmem:s19+$0x10]  }
0x3b4: {  	v7 =	vld [tilespmem:s19+$0x20]  }
0x3b5: {  	s17 =	simm.s32 $0x1BF70;
	v8 =	vld [tilespmem:s19+$0xFFFFFFC0]  }
0x3b6: {  	v11 =	vld [tilespmem:s17+$0x0]  }
0x3b7: {  	v14 =	vld [tilespmem:s17+$0xFFFFFFA0]  }
0x3b8: {  	v9 =	vld [tilespmem:s17+$0xFFFFFFB0]  }
0x3b9: {  	v10 =	vld.idx.msk [tilespmem:v0+s2+$0x0], $0xffff  }
0x3ba: {  	v12 =	vld.idx.msk [tilespmem:v1+s2+$0x0], $0xffff  }
0x3bb: {  	v4 =	vld.idx.msk [tilespmem:v2+s2+$0x0], $0xffff  }
0x3bc: {  	v3 =	vld.idx.msk [tilespmem:v3+s2+$0x0], $0xffff  }
0x3bd: {  	v13 =	vld.idx.msk [tilespmem:v8+s2+$0x0], $0xffff  }
0x3be: {  	v1 =	vld.idx.msk [tilespmem:v7+s2+$0x0], $0xffff  }
0x3bf: {  	v7 =	vld [tilespmem:s17+$0xFFFFFF90]  }
0x3c0: {  	v2 =	vld.idx.msk [tilespmem:v5+s2+$0x0], $0xffff  }
0x3c1: {  	v0 =	vld.idx.msk [tilespmem:v6+s2+$0x0], $0xffff  }
0x3c2: {  	v8 =	vld [tilespmem:s17+$0xFFFFFFC0]  }
0x3c3: {  	v6 =	vld [tilespmem:s17+$0xFFFFFFD0];
	v10 =	vadd.f32 v11, v10  }
0x3c4: {  	v5 =	vld [tilespmem:s17+$0xFFFFFFE0];
	v11 =	vadd.f32 v7, v13  }
0x3c5: {  	s18 =	simm.s32 $0x0;
	s19 =	simm.s32 $0x1DFC0;
	v7 =	vld [tilespmem:s17+$0xFFFFFFF0];
	[tilespmem:s17+$0x0] =	vst v10;
	v10 =	vadd.f32 v14, v12  }
.LBB2_32:
0x3c6: {  	v12 =	vld [tilespmem:s19+$0x30];
	s18 =	sadd.s32 $0x80, s18;
	[tilespmem:s17+$0xFFFFFF90] =	vst v11;
	v4 =	vadd.f32 v9, v4  }
0x3c7: {  	v9 =	vld [tilespmem:s19+$0xFFFFFFD0];
	p0 =	slt.u32 s18, $0x780;
	[tilespmem:s17+$0xFFFFFFA0] =	vst v10;
	v3 =	vadd.f32 v8, v3  }
0x3c8: {  	v8 =	vld [tilespmem:s19+$0xFFFFFFE0];
	[tilespmem:s17+$0xFFFFFFB0] =	vst v4;
	v2 =	vadd.f32 v6, v2  }
0x3c9: {  	v6 =	vld [tilespmem:s19+$0xFFFFFFF0];
	[tilespmem:s17+$0xFFFFFFC0] =	vst v3;
	v0 =	vadd.f32 v5, v0  }
0x3ca: {  	v5 =	vld [tilespmem:s19+$0x0];
	[tilespmem:s17+$0xFFFFFFD0] =	vst v2;
	v1 =	vadd.f32 v7, v1  }
0x3cb: {  	v7 =	vld [tilespmem:s19+$0x10];
	[tilespmem:s17+$0xFFFFFFE0] =	vst v0  }
0x3cc: {  	v10 =	vld [tilespmem:s19+$0x20];
	[tilespmem:s17+$0xFFFFFFF0] =	vst v1  }
0x3cd: {  	v1 =	vld [tilespmem:s19+$0xFFFFFFC0]  }
0x3ce: {  	s17 =	sadd.s32 $0x80, s17;
	v11 =	vld.idx.msk [tilespmem:v12+s2+$0x0], $0xffff  }
0x3cf: {  	v12 =	vld [tilespmem:s17+$0x0]  }
0x3d0: {  	v13 =	vld.idx.msk [tilespmem:v9+s2+$0x0], $0xffff  }
0x3d1: {  	v4 =	vld.idx.msk [tilespmem:v8+s2+$0x0], $0xffff  }
0x3d2: {  	v3 =	vld.idx.msk [tilespmem:v6+s2+$0x0], $0xffff  }
0x3d3: {  	v2 =	vld.idx.msk [tilespmem:v5+s2+$0x0], $0xffff  }
0x3d4: {  	v0 =	vld.idx.msk [tilespmem:v7+s2+$0x0], $0xffff;
	v5 =	vadd.f32 v12, v11  }
0x3d5: {  	v7 =	vld.idx.msk [tilespmem:v1+s2+$0x0], $0xffff  }
0x3d6: {  	v1 =	vld.idx.msk [tilespmem:v10+s2+$0x0], $0xffff;
	[tilespmem:s17+$0x0] =	vst v5  }
0x3d7: {  	v5 =	vld [tilespmem:s17+$0xFFFFFF90]  }
0x3d8: {  	v10 =	vld [tilespmem:s17+$0xFFFFFFA0]  }
.Ltmp15:
0x3d9: {  	v9 =	vld [tilespmem:s17+$0xFFFFFFB0];
	(pc) =	sbr.rel @p0 .LBB2_32-.Ltmp15, $4  }
0x3da: {  	v8 =	vld [tilespmem:s17+$0xFFFFFFC0]  }
0x3db: {  	v6 =	vld [tilespmem:s17+$0xFFFFFFD0]  }
0x3dc: {  	v11 =	vadd.f32 v5, v7;
	v5 =	vld [tilespmem:s17+$0xFFFFFFE0]  }
0x3dd: {  	s19 =	sadd.s32 $0x80, s19;
	v10 =	vadd.f32 v10, v13;
	v7 =	vld [tilespmem:s17+$0xFFFFFFF0]  }
0x3de: {  	[tilespmem:s17+$0xFFFFFF90] =	vst v11;
	v4 =	vadd.f32 v9, v4  }
0x3df: {  	[tilespmem:s17+$0xFFFFFFA0] =	vst v10;
	v3 =	vadd.f32 v8, v3  }
0x3e0: {  	[tilespmem:s17+$0xFFFFFFB0] =	vst v4;
	v2 =	vadd.f32 v6, v2  }
0x3e1: {  	[tilespmem:s17+$0xFFFFFFC0] =	vst v3;
	v0 =	vadd.f32 v5, v0  }
0x3e2: {  	[tilespmem:s17+$0xFFFFFFD0] =	vst v2;
	v1 =	vadd.f32 v7, v1  }
0x3e3: {  	[tilespmem:s17+$0xFFFFFFE0] =	vst v0  }
0x3e4: {  	[tilespmem:s17+$0xFFFFFFF0] =	vst v1  }
0x3e5: {  	[tilespmem:s23], [sflag:$0x6] =	stream.linear.gather [hbm4b:s8+s2], $0x800, $0x38;
	[tilespmem:$0x1F700] =	vst v63  }
0x3e6: {  	s17 =	rddreg [dreg:$0x9]  }
0x3e7: {  	[hbm4b:s17+s26] =	stream.strided.scatter [tilespmem:s29], [sflag:$0x9], $0x4000, s28, s26, $0x38;
	[tilespmem:$0x1F700] =	vst v63  }
0x3e8: {  	_ =	swait.ge [sflag:s15], $0x4000  }
0x3e9: {  	[sflag:s15] =	ssyncset.done $0x0  }
0x3ea: {  	s19 =	rddreg [dreg:$0xa];
	[sflag:s15] =	ssyncadd.s32 $0xFFFFC000  }
0x3eb: {  	[tilespmem:s29], [sflag:$0x2] =	stream.strided.gather [hbm4b:s19+s26], $0x4000, s28, s26, $0x38;
	[tilespmem:$0x1F700] =	vst v63  }
0x3ec: {  	s18 =	rddreg [dreg:$0xb]  }
0x3ed: {  	[tilespmem:s2], [sflag:$0x1] =	stream.strided.gather [hbm4b:s18+s26], $0x18700, s28, s26, $0x38;
	[tilespmem:$0x1F700] =	vst v63  }
0x3ee: {  	_ =	swait.ge [sflag:s30], $0x18700  }
0x3ef: {  	[sflag:s30] =	ssyncset.done $0x0  }
0x3f0: {  	[sflag:s30] =	ssyncadd.s32 $0xFFFE7900  }
0x3f1: {  	_ =	swait.ge [sflag:s31], $0x4000  }
0x3f2: {  	[sflag:s31] =	ssyncset.done $0x0  }
0x3f3: {  	[sflag:s31] =	ssyncadd.s32 $0xFFFFC000  }
0x3f4: {  	_ =	swait.ge [sflag:s13], $0x800  }
0x3f5: {  	[sflag:s13] =	ssyncset.done $0x0  }
0x3f6: {  	s19 =	simm.s32 $0x1E740;
	[sflag:s13] =	ssyncadd.s32 $0xFFFFF800  }
0x3f7: {  	v0 =	vld [tilespmem:s19+$0x30]  }
0x3f8: {  	v1 =	vld [tilespmem:s19+$0xFFFFFFD0]  }
0x3f9: {  	v2 =	vld [tilespmem:s19+$0xFFFFFFE0]  }
0x3fa: {  	v3 =	vld [tilespmem:s19+$0xFFFFFFF0]  }
0x3fb: {  	v5 =	vld [tilespmem:s19+$0x0]  }
0x3fc: {  	v6 =	vld [tilespmem:s19+$0x10]  }
0x3fd: {  	v7 =	vld [tilespmem:s19+$0x20]  }
0x3fe: {  	s17 =	simm.s32 $0x18740;
	v8 =	vld [tilespmem:s19+$0xFFFFFFC0]  }
0x3ff: {  	v11 =	vld [tilespmem:s17+$0x30]  }
0x400: {  	v14 =	vld [tilespmem:s17+$0xFFFFFFD0]  }
0x401: {  	v9 =	vld [tilespmem:s17+$0xFFFFFFE0]  }
0x402: {  	v10 =	vld.idx.msk [tilespmem:v0+s2+$0x0], $0xffff  }
0x403: {  	v12 =	vld.idx.msk [tilespmem:v1+s2+$0x0], $0xffff  }
0x404: {  	v4 =	vld.idx.msk [tilespmem:v2+s2+$0x0], $0xffff  }
0x405: {  	v3 =	vld.idx.msk [tilespmem:v3+s2+$0x0], $0xffff  }
0x406: {  	v13 =	vld.idx.msk [tilespmem:v8+s2+$0x0], $0xffff  }
0x407: {  	v1 =	vld.idx.msk [tilespmem:v7+s2+$0x0], $0xffff  }
0x408: {  	v7 =	vld [tilespmem:s17+$0xFFFFFFC0]  }
0x409: {  	v2 =	vld.idx.msk [tilespmem:v5+s2+$0x0], $0xffff  }
0x40a: {  	v0 =	vld.idx.msk [tilespmem:v6+s2+$0x0], $0xffff  }
0x40b: {  	v8 =	vld [tilespmem:s17+$0xFFFFFFF0]  }
0x40c: {  	v6 =	vld [tilespmem:s17+$0x0];
	v10 =	vmul.f32 v11, v10  }
0x40d: {  	v5 =	vld [tilespmem:s17+$0x10];
	v11 =	vmul.f32 v7, v13  }
0x40e: {  	s18 =	simm.s32 $0x0;
	s19 =	simm.s32 $0x1E7C0;
	v7 =	vld [tilespmem:s17+$0x20];
	[tilespmem:s17+$0x30] =	vst v10;
	v10 =	vmul.f32 v14, v12  }
.LBB2_34:
0x40f: {  	v12 =	vld [tilespmem:s19+$0x30];
	s18 =	sadd.s32 $0x80, s18;
	[tilespmem:s17+$0xFFFFFFC0] =	vst v11;
	v4 =	vmul.f32 v9, v4  }
0x410: {  	v9 =	vld [tilespmem:s19+$0xFFFFFFD0];
	p0 =	slt.u32 s18, $0x780;
	[tilespmem:s17+$0xFFFFFFD0] =	vst v10;
	v3 =	vmul.f32 v8, v3  }
0x411: {  	v8 =	vld [tilespmem:s19+$0xFFFFFFE0];
	[tilespmem:s17+$0xFFFFFFE0] =	vst v4;
	v2 =	vmul.f32 v6, v2  }
0x412: {  	v6 =	vld [tilespmem:s19+$0xFFFFFFF0];
	[tilespmem:s17+$0xFFFFFFF0] =	vst v3;
	v0 =	vmul.f32 v5, v0  }
0x413: {  	v5 =	vld [tilespmem:s19+$0x0];
	[tilespmem:s17+$0x0] =	vst v2;
	v1 =	vmul.f32 v7, v1  }
0x414: {  	v7 =	vld [tilespmem:s19+$0x10];
	[tilespmem:s17+$0x10] =	vst v0  }
0x415: {  	v10 =	vld [tilespmem:s19+$0x20];
	[tilespmem:s17+$0x20] =	vst v1  }
0x416: {  	v1 =	vld [tilespmem:s19+$0xFFFFFFC0]  }
0x417: {  	s17 =	sadd.s32 $0x80, s17;
	v11 =	vld.idx.msk [tilespmem:v12+s2+$0x0], $0xffff  }
0x418: {  	v12 =	vld [tilespmem:s17+$0x30]  }
0x419: {  	v13 =	vld.idx.msk [tilespmem:v9+s2+$0x0], $0xffff  }
0x41a: {  	v4 =	vld.idx.msk [tilespmem:v8+s2+$0x0], $0xffff  }
0x41b: {  	v3 =	vld.idx.msk [tilespmem:v6+s2+$0x0], $0xffff  }
0x41c: {  	v2 =	vld.idx.msk [tilespmem:v5+s2+$0x0], $0xffff  }
0x41d: {  	v0 =	vld.idx.msk [tilespmem:v7+s2+$0x0], $0xffff;
	v5 =	vmul.f32 v12, v11  }
0x41e: {  	v7 =	vld.idx.msk [tilespmem:v1+s2+$0x0], $0xffff  }
0x41f: {  	v1 =	vld.idx.msk [tilespmem:v10+s2+$0x0], $0xffff;
	[tilespmem:s17+$0x30] =	vst v5  }
0x420: {  	v5 =	vld [tilespmem:s17+$0xFFFFFFC0]  }
0x421: {  	v10 =	vld [tilespmem:s17+$0xFFFFFFD0]  }
.Ltmp16:
0x422: {  	v9 =	vld [tilespmem:s17+$0xFFFFFFE0];
	(pc) =	sbr.rel @p0 .LBB2_34-.Ltmp16, $4  }
0x423: {  	v8 =	vld [tilespmem:s17+$0xFFFFFFF0]  }
0x424: {  	v6 =	vld [tilespmem:s17+$0x0]  }
0x425: {  	v11 =	vmul.f32 v5, v7;
	v5 =	vld [tilespmem:s17+$0x10]  }
0x426: {  	s19 =	sadd.s32 $0x80, s19;
	v10 =	vmul.f32 v10, v13;
	v7 =	vld [tilespmem:s17+$0x20]  }
0x427: {  	[tilespmem:s17+$0xFFFFFFC0] =	vst v11;
	v4 =	vmul.f32 v9, v4  }
0x428: {  	[tilespmem:s17+$0xFFFFFFD0] =	vst v10;
	v3 =	vmul.f32 v8, v3  }
0x429: {  	[tilespmem:s17+$0xFFFFFFE0] =	vst v4;
	v2 =	vmul.f32 v6, v2  }
0x42a: {  	[tilespmem:s17+$0xFFFFFFF0] =	vst v3;
	v0 =	vmul.f32 v5, v0  }
0x42b: {  	[tilespmem:s17+$0x0] =	vst v2;
	v1 =	vmul.f32 v7, v1  }
0x42c: {  	[tilespmem:s17+$0x10] =	vst v0  }
0x42d: {  	[tilespmem:s17+$0x20] =	vst v1  }
0x42e: {  	[tilespmem:s24], [sflag:$0x7] =	stream.linear.gather [hbm4b:s11+s2], $0x800, $0x38;
	[tilespmem:$0x1F700] =	vst v63  }
0x42f: {  	_ =	swait.ge [sflag:s14], $0x800  }
0x430: {  	[sflag:s14] =	ssyncset.done $0x0  }
0x431: {  	s19 =	simm.s32 $0x1EF40;
	[sflag:s14] =	ssyncadd.s32 $0xFFFFF800  }
0x432: {  	v0 =	vld [tilespmem:s19+$0x30]  }
0x433: {  	v1 =	vld [tilespmem:s19+$0xFFFFFFD0]  }
0x434: {  	v2 =	vld [tilespmem:s19+$0xFFFFFFE0]  }
0x435: {  	v3 =	vld [tilespmem:s19+$0xFFFFFFF0]  }
0x436: {  	v5 =	vld [tilespmem:s19+$0x0]  }
0x437: {  	v6 =	vld [tilespmem:s19+$0x10]  }
0x438: {  	v7 =	vld [tilespmem:s19+$0x20]  }
0x439: {  	s17 =	simm.s32 $0x18F70;
	v8 =	vld [tilespmem:s19+$0xFFFFFFC0]  }
0x43a: {  	v11 =	vld [tilespmem:s17+$0x0]  }
0x43b: {  	v14 =	vld [tilespmem:s17+$0xFFFFFFA0]  }
0x43c: {  	v9 =	vld [tilespmem:s17+$0xFFFFFFB0]  }
0x43d: {  	v10 =	vld.idx.msk [tilespmem:v0+s2+$0x0], $0xffff  }
0x43e: {  	v12 =	vld.idx.msk [tilespmem:v1+s2+$0x0], $0xffff  }
0x43f: {  	v4 =	vld.idx.msk [tilespmem:v2+s2+$0x0], $0xffff  }
0x440: {  	v3 =	vld.idx.msk [tilespmem:v3+s2+$0x0], $0xffff  }
0x441: {  	v13 =	vld.idx.msk [tilespmem:v8+s2+$0x0], $0xffff  }
0x442: {  	v1 =	vld.idx.msk [tilespmem:v7+s2+$0x0], $0xffff  }
0x443: {  	v7 =	vld [tilespmem:s17+$0xFFFFFF90]  }
0x444: {  	v2 =	vld.idx.msk [tilespmem:v5+s2+$0x0], $0xffff  }
0x445: {  	v0 =	vld.idx.msk [tilespmem:v6+s2+$0x0], $0xffff  }
0x446: {  	v8 =	vld [tilespmem:s17+$0xFFFFFFC0]  }
0x447: {  	v6 =	vld [tilespmem:s17+$0xFFFFFFD0];
	v10 =	vmul.f32 v11, v10  }
0x448: {  	v5 =	vld [tilespmem:s17+$0xFFFFFFE0];
	v11 =	vmul.f32 v7, v13  }
0x449: {  	s18 =	simm.s32 $0x0;
	s19 =	simm.s32 $0x1EFC0;
	v7 =	vld [tilespmem:s17+$0xFFFFFFF0];
	[tilespmem:s17+$0x0] =	vst v10;
	v10 =	vmul.f32 v14, v12  }
.LBB2_36:
0x44a: {  	v12 =	vld [tilespmem:s19+$0x30];
	s18 =	sadd.s32 $0x80, s18;
	[tilespmem:s17+$0xFFFFFF90] =	vst v11;
	v4 =	vmul.f32 v9, v4  }
0x44b: {  	v9 =	vld [tilespmem:s19+$0xFFFFFFD0];
	p0 =	slt.u32 s18, $0x780;
	[tilespmem:s17+$0xFFFFFFA0] =	vst v10;
	v3 =	vmul.f32 v8, v3  }
0x44c: {  	v8 =	vld [tilespmem:s19+$0xFFFFFFE0];
	[tilespmem:s17+$0xFFFFFFB0] =	vst v4;
	v2 =	vmul.f32 v6, v2  }
0x44d: {  	v6 =	vld [tilespmem:s19+$0xFFFFFFF0];
	[tilespmem:s17+$0xFFFFFFC0] =	vst v3;
	v0 =	vmul.f32 v5, v0  }
0x44e: {  	v5 =	vld [tilespmem:s19+$0x0];
	[tilespmem:s17+$0xFFFFFFD0] =	vst v2;
	v1 =	vmul.f32 v7, v1  }
0x44f: {  	v7 =	vld [tilespmem:s19+$0x10];
	[tilespmem:s17+$0xFFFFFFE0] =	vst v0  }
0x450: {  	v10 =	vld [tilespmem:s19+$0x20];
	[tilespmem:s17+$0xFFFFFFF0] =	vst v1  }
0x451: {  	v1 =	vld [tilespmem:s19+$0xFFFFFFC0]  }
0x452: {  	s17 =	sadd.s32 $0x80, s17;
	v11 =	vld.idx.msk [tilespmem:v12+s2+$0x0], $0xffff  }
0x453: {  	v12 =	vld [tilespmem:s17+$0x0]  }
0x454: {  	v13 =	vld.idx.msk [tilespmem:v9+s2+$0x0], $0xffff  }
0x455: {  	v4 =	vld.idx.msk [tilespmem:v8+s2+$0x0], $0xffff  }
0x456: {  	v3 =	vld.idx.msk [tilespmem:v6+s2+$0x0], $0xffff  }
0x457: {  	v2 =	vld.idx.msk [tilespmem:v5+s2+$0x0], $0xffff  }
0x458: {  	v0 =	vld.idx.msk [tilespmem:v7+s2+$0x0], $0xffff;
	v5 =	vmul.f32 v12, v11  }
0x459: {  	v7 =	vld.idx.msk [tilespmem:v1+s2+$0x0], $0xffff  }
0x45a: {  	v1 =	vld.idx.msk [tilespmem:v10+s2+$0x0], $0xffff;
	[tilespmem:s17+$0x0] =	vst v5  }
0x45b: {  	v5 =	vld [tilespmem:s17+$0xFFFFFF90]  }
0x45c: {  	v10 =	vld [tilespmem:s17+$0xFFFFFFA0]  }
.Ltmp17:
0x45d: {  	v9 =	vld [tilespmem:s17+$0xFFFFFFB0];
	(pc) =	sbr.rel @p0 .LBB2_36-.Ltmp17, $4  }
0x45e: {  	v8 =	vld [tilespmem:s17+$0xFFFFFFC0]  }
0x45f: {  	v6 =	vld [tilespmem:s17+$0xFFFFFFD0]  }
0x460: {  	v11 =	vmul.f32 v5, v7;
	v5 =	vld [tilespmem:s17+$0xFFFFFFE0]  }
0x461: {  	s19 =	sadd.s32 $0x80, s19;
	v10 =	vmul.f32 v10, v13;
	v7 =	vld [tilespmem:s17+$0xFFFFFFF0]  }
0x462: {  	[tilespmem:s17+$0xFFFFFF90] =	vst v11;
	v4 =	vmul.f32 v9, v4  }
0x463: {  	[tilespmem:s17+$0xFFFFFFA0] =	vst v10;
	v3 =	vmul.f32 v8, v3  }
0x464: {  	[tilespmem:s17+$0xFFFFFFB0] =	vst v4;
	v2 =	vmul.f32 v6, v2  }
0x465: {  	[tilespmem:s17+$0xFFFFFFC0] =	vst v3;
	v0 =	vmul.f32 v5, v0  }
0x466: {  	[tilespmem:s17+$0xFFFFFFD0] =	vst v2;
	v1 =	vmul.f32 v7, v1  }
0x467: {  	[tilespmem:s17+$0xFFFFFFE0] =	vst v0  }
0x468: {  	[tilespmem:s17+$0xFFFFFFF0] =	vst v1  }
0x469: {  	[tilespmem:s25], [sflag:$0x8] =	stream.linear.gather [hbm4b:s12+s2], $0x800, $0x38;
	[tilespmem:$0x1F700] =	vst v63  }
0x46a: {  	_ =	swait.ge [sflag:s0], $0x800  }
0x46b: {  	[sflag:s0] =	ssyncset.done $0x0  }
0x46c: {  	s19 =	simm.s32 $0x1C740;
	[sflag:s0] =	ssyncadd.s32 $0xFFFFF800  }
0x46d: {  	v0 =	vld [tilespmem:s19+$0x30]  }
0x46e: {  	v1 =	vld [tilespmem:s19+$0xFFFFFFD0]  }
0x46f: {  	v2 =	vld [tilespmem:s19+$0xFFFFFFE0]  }
0x470: {  	v3 =	vld [tilespmem:s19+$0xFFFFFFF0]  }
0x471: {  	v5 =	vld [tilespmem:s19+$0x0]  }
0x472: {  	v6 =	vld [tilespmem:s19+$0x10]  }
0x473: {  	v7 =	vld [tilespmem:s19+$0x20]  }
0x474: {  	s17 =	simm.s32 $0x19770;
	v8 =	vld [tilespmem:s19+$0xFFFFFFC0]  }
0x475: {  	v11 =	vld [tilespmem:s17+$0x0]  }
0x476: {  	v14 =	vld [tilespmem:s17+$0xFFFFFFA0]  }
0x477: {  	v9 =	vld [tilespmem:s17+$0xFFFFFFB0]  }
0x478: {  	v10 =	vld.idx.msk [tilespmem:v0+s2+$0x0], $0xffff  }
0x479: {  	v12 =	vld.idx.msk [tilespmem:v1+s2+$0x0], $0xffff  }
0x47a: {  	v4 =	vld.idx.msk [tilespmem:v2+s2+$0x0], $0xffff  }
0x47b: {  	v3 =	vld.idx.msk [tilespmem:v3+s2+$0x0], $0xffff  }
0x47c: {  	v13 =	vld.idx.msk [tilespmem:v8+s2+$0x0], $0xffff  }
0x47d: {  	v1 =	vld.idx.msk [tilespmem:v7+s2+$0x0], $0xffff  }
0x47e: {  	v7 =	vld [tilespmem:s17+$0xFFFFFF90]  }
0x47f: {  	v2 =	vld.idx.msk [tilespmem:v5+s2+$0x0], $0xffff  }
0x480: {  	v0 =	vld.idx.msk [tilespmem:v6+s2+$0x0], $0xffff  }
0x481: {  	v8 =	vld [tilespmem:s17+$0xFFFFFFC0]  }
0x482: {  	v6 =	vld [tilespmem:s17+$0xFFFFFFD0];
	v10 =	vmul.f32 v11, v10  }
0x483: {  	v5 =	vld [tilespmem:s17+$0xFFFFFFE0];
	v11 =	vmul.f32 v7, v13  }
0x484: {  	s18 =	simm.s32 $0x0;
	s19 =	simm.s32 $0x1C7C0;
	v7 =	vld [tilespmem:s17+$0xFFFFFFF0];
	[tilespmem:s17+$0x0] =	vst v10;
	v10 =	vmul.f32 v14, v12  }
.LBB2_38:
0x485: {  	v12 =	vld [tilespmem:s19+$0x30];
	s18 =	sadd.s32 $0x80, s18;
	[tilespmem:s17+$0xFFFFFF90] =	vst v11;
	v4 =	vmul.f32 v9, v4  }
0x486: {  	v9 =	vld [tilespmem:s19+$0xFFFFFFD0];
	p0 =	slt.u32 s18, $0x780;
	[tilespmem:s17+$0xFFFFFFA0] =	vst v10;
	v3 =	vmul.f32 v8, v3  }
0x487: {  	v8 =	vld [tilespmem:s19+$0xFFFFFFE0];
	[tilespmem:s17+$0xFFFFFFB0] =	vst v4;
	v2 =	vmul.f32 v6, v2  }
0x488: {  	v6 =	vld [tilespmem:s19+$0xFFFFFFF0];
	[tilespmem:s17+$0xFFFFFFC0] =	vst v3;
	v0 =	vmul.f32 v5, v0  }
0x489: {  	v5 =	vld [tilespmem:s19+$0x0];
	[tilespmem:s17+$0xFFFFFFD0] =	vst v2;
	v1 =	vmul.f32 v7, v1  }
0x48a: {  	v7 =	vld [tilespmem:s19+$0x10];
	[tilespmem:s17+$0xFFFFFFE0] =	vst v0  }
0x48b: {  	v10 =	vld [tilespmem:s19+$0x20];
	[tilespmem:s17+$0xFFFFFFF0] =	vst v1  }
0x48c: {  	v1 =	vld [tilespmem:s19+$0xFFFFFFC0]  }
0x48d: {  	s17 =	sadd.s32 $0x80, s17;
	v11 =	vld.idx.msk [tilespmem:v12+s2+$0x0], $0xffff  }
0x48e: {  	v12 =	vld [tilespmem:s17+$0x0]  }
0x48f: {  	v13 =	vld.idx.msk [tilespmem:v9+s2+$0x0], $0xffff  }
0x490: {  	v4 =	vld.idx.msk [tilespmem:v8+s2+$0x0], $0xffff  }
0x491: {  	v3 =	vld.idx.msk [tilespmem:v6+s2+$0x0], $0xffff  }
0x492: {  	v2 =	vld.idx.msk [tilespmem:v5+s2+$0x0], $0xffff  }
0x493: {  	v0 =	vld.idx.msk [tilespmem:v7+s2+$0x0], $0xffff;
	v5 =	vmul.f32 v12, v11  }
0x494: {  	v7 =	vld.idx.msk [tilespmem:v1+s2+$0x0], $0xffff  }
0x495: {  	v1 =	vld.idx.msk [tilespmem:v10+s2+$0x0], $0xffff;
	[tilespmem:s17+$0x0] =	vst v5  }
0x496: {  	v5 =	vld [tilespmem:s17+$0xFFFFFF90]  }
0x497: {  	v10 =	vld [tilespmem:s17+$0xFFFFFFA0]  }
.Ltmp18:
0x498: {  	v9 =	vld [tilespmem:s17+$0xFFFFFFB0];
	(pc) =	sbr.rel @p0 .LBB2_38-.Ltmp18, $4  }
0x499: {  	v8 =	vld [tilespmem:s17+$0xFFFFFFC0]  }
0x49a: {  	v6 =	vld [tilespmem:s17+$0xFFFFFFD0]  }
0x49b: {  	v11 =	vmul.f32 v5, v7;
	v5 =	vld [tilespmem:s17+$0xFFFFFFE0]  }
0x49c: {  	s19 =	sadd.s32 $0x80, s19;
	v10 =	vmul.f32 v10, v13;
	v7 =	vld [tilespmem:s17+$0xFFFFFFF0]  }
0x49d: {  	[tilespmem:s17+$0xFFFFFF90] =	vst v11;
	v4 =	vmul.f32 v9, v4  }
0x49e: {  	[tilespmem:s17+$0xFFFFFFA0] =	vst v10;
	v3 =	vmul.f32 v8, v3  }
0x49f: {  	[tilespmem:s17+$0xFFFFFFB0] =	vst v4;
	v2 =	vmul.f32 v6, v2  }
0x4a0: {  	[tilespmem:s17+$0xFFFFFFC0] =	vst v3;
	v0 =	vmul.f32 v5, v0  }
0x4a1: {  	[tilespmem:s17+$0xFFFFFFD0] =	vst v2;
	v1 =	vmul.f32 v7, v1  }
0x4a2: {  	[tilespmem:s17+$0xFFFFFFE0] =	vst v0  }
0x4a3: {  	[tilespmem:s17+$0xFFFFFFF0] =	vst v1  }
0x4a4: {  	[tilespmem:s20], [sflag:$0x3] =	stream.linear.gather [hbm4b:s1+s2], $0x800, $0x38;
	[tilespmem:$0x1F700] =	vst v63  }
0x4a5: {  	_ =	swait.ge [sflag:s3], $0x800  }
0x4a6: {  	[sflag:s3] =	ssyncset.done $0x0  }
0x4a7: {  	s19 =	simm.s32 $0x1CF40;
	[sflag:s3] =	ssyncadd.s32 $0xFFFFF800  }
0x4a8: {  	v0 =	vld [tilespmem:s19+$0x30]  }
0x4a9: {  	v1 =	vld [tilespmem:s19+$0xFFFFFFD0]  }
0x4aa: {  	v2 =	vld [tilespmem:s19+$0xFFFFFFE0]  }
0x4ab: {  	v3 =	vld [tilespmem:s19+$0xFFFFFFF0]  }
0x4ac: {  	v5 =	vld [tilespmem:s19+$0x0]  }
0x4ad: {  	v6 =	vld [tilespmem:s19+$0x10]  }
0x4ae: {  	v7 =	vld [tilespmem:s19+$0x20]  }
0x4af: {  	s17 =	simm.s32 $0x19F70;
	v8 =	vld [tilespmem:s19+$0xFFFFFFC0]  }
0x4b0: {  	v11 =	vld [tilespmem:s17+$0x0]  }
0x4b1: {  	v14 =	vld [tilespmem:s17+$0xFFFFFFA0]  }
0x4b2: {  	v9 =	vld [tilespmem:s17+$0xFFFFFFB0]  }
0x4b3: {  	v10 =	vld.idx.msk [tilespmem:v0+s2+$0x0], $0xffff  }
0x4b4: {  	v12 =	vld.idx.msk [tilespmem:v1+s2+$0x0], $0xffff  }
0x4b5: {  	v4 =	vld.idx.msk [tilespmem:v2+s2+$0x0], $0xffff  }
0x4b6: {  	v3 =	vld.idx.msk [tilespmem:v3+s2+$0x0], $0xffff  }
0x4b7: {  	v13 =	vld.idx.msk [tilespmem:v8+s2+$0x0], $0xffff  }
0x4b8: {  	v1 =	vld.idx.msk [tilespmem:v7+s2+$0x0], $0xffff  }
0x4b9: {  	v7 =	vld [tilespmem:s17+$0xFFFFFF90]  }
0x4ba: {  	v2 =	vld.idx.msk [tilespmem:v5+s2+$0x0], $0xffff  }
0x4bb: {  	v0 =	vld.idx.msk [tilespmem:v6+s2+$0x0], $0xffff  }
0x4bc: {  	v8 =	vld [tilespmem:s17+$0xFFFFFFC0]  }
0x4bd: {  	v6 =	vld [tilespmem:s17+$0xFFFFFFD0];
	v10 =	vmul.f32 v11, v10  }
0x4be: {  	v5 =	vld [tilespmem:s17+$0xFFFFFFE0];
	v11 =	vmul.f32 v7, v13  }
0x4bf: {  	s18 =	simm.s32 $0x0;
	s19 =	simm.s32 $0x1CFC0;
	v7 =	vld [tilespmem:s17+$0xFFFFFFF0];
	[tilespmem:s17+$0x0] =	vst v10;
	v10 =	vmul.f32 v14, v12  }
.LBB2_40:
0x4c0: {  	v12 =	vld [tilespmem:s19+$0x30];
	s18 =	sadd.s32 $0x80, s18;
	[tilespmem:s17+$0xFFFFFF90] =	vst v11;
	v4 =	vmul.f32 v9, v4  }
0x4c1: {  	v9 =	vld [tilespmem:s19+$0xFFFFFFD0];
	p0 =	slt.u32 s18, $0x780;
	[tilespmem:s17+$0xFFFFFFA0] =	vst v10;
	v3 =	vmul.f32 v8, v3  }
0x4c2: {  	v8 =	vld [tilespmem:s19+$0xFFFFFFE0];
	[tilespmem:s17+$0xFFFFFFB0] =	vst v4;
	v2 =	vmul.f32 v6, v2  }
0x4c3: {  	v6 =	vld [tilespmem:s19+$0xFFFFFFF0];
	[tilespmem:s17+$0xFFFFFFC0] =	vst v3;
	v0 =	vmul.f32 v5, v0  }
0x4c4: {  	v5 =	vld [tilespmem:s19+$0x0];
	[tilespmem:s17+$0xFFFFFFD0] =	vst v2;
	v1 =	vmul.f32 v7, v1  }
0x4c5: {  	v7 =	vld [tilespmem:s19+$0x10];
	[tilespmem:s17+$0xFFFFFFE0] =	vst v0  }
0x4c6: {  	v10 =	vld [tilespmem:s19+$0x20];
	[tilespmem:s17+$0xFFFFFFF0] =	vst v1  }
0x4c7: {  	v1 =	vld [tilespmem:s19+$0xFFFFFFC0]  }
0x4c8: {  	s17 =	sadd.s32 $0x80, s17;
	v11 =	vld.idx.msk [tilespmem:v12+s2+$0x0], $0xffff  }
0x4c9: {  	v12 =	vld [tilespmem:s17+$0x0]  }
0x4ca: {  	v13 =	vld.idx.msk [tilespmem:v9+s2+$0x0], $0xffff  }
0x4cb: {  	v4 =	vld.idx.msk [tilespmem:v8+s2+$0x0], $0xffff  }
0x4cc: {  	v3 =	vld.idx.msk [tilespmem:v6+s2+$0x0], $0xffff  }
0x4cd: {  	v2 =	vld.idx.msk [tilespmem:v5+s2+$0x0], $0xffff  }
0x4ce: {  	v0 =	vld.idx.msk [tilespmem:v7+s2+$0x0], $0xffff;
	v5 =	vmul.f32 v12, v11  }
0x4cf: {  	v7 =	vld.idx.msk [tilespmem:v1+s2+$0x0], $0xffff  }
0x4d0: {  	v1 =	vld.idx.msk [tilespmem:v10+s2+$0x0], $0xffff;
	[tilespmem:s17+$0x0] =	vst v5  }
0x4d1: {  	v5 =	vld [tilespmem:s17+$0xFFFFFF90]  }
0x4d2: {  	v10 =	vld [tilespmem:s17+$0xFFFFFFA0]  }
.Ltmp19:
0x4d3: {  	v9 =	vld [tilespmem:s17+$0xFFFFFFB0];
	(pc) =	sbr.rel @p0 .LBB2_40-.Ltmp19, $4  }
0x4d4: {  	v8 =	vld [tilespmem:s17+$0xFFFFFFC0]  }
0x4d5: {  	v6 =	vld [tilespmem:s17+$0xFFFFFFD0]  }
0x4d6: {  	v11 =	vmul.f32 v5, v7;
	v5 =	vld [tilespmem:s17+$0xFFFFFFE0]  }
0x4d7: {  	s19 =	sadd.s32 $0x80, s19;
	v10 =	vmul.f32 v10, v13;
	v7 =	vld [tilespmem:s17+$0xFFFFFFF0]  }
0x4d8: {  	[tilespmem:s17+$0xFFFFFF90] =	vst v11;
	v4 =	vmul.f32 v9, v4  }
0x4d9: {  	[tilespmem:s17+$0xFFFFFFA0] =	vst v10;
	v3 =	vmul.f32 v8, v3  }
0x4da: {  	[tilespmem:s17+$0xFFFFFFB0] =	vst v4;
	v2 =	vmul.f32 v6, v2  }
0x4db: {  	[tilespmem:s17+$0xFFFFFFC0] =	vst v3;
	v0 =	vmul.f32 v5, v0  }
0x4dc: {  	[tilespmem:s17+$0xFFFFFFD0] =	vst v2;
	v1 =	vmul.f32 v7, v1  }
0x4dd: {  	[tilespmem:s17+$0xFFFFFFE0] =	vst v0  }
0x4de: {  	[tilespmem:s17+$0xFFFFFFF0] =	vst v1  }
0x4df: {  	[tilespmem:s21], [sflag:$0x4] =	stream.linear.gather [hbm4b:s4+s2], $0x800, $0x38;
	[tilespmem:$0x1F700] =	vst v63  }
0x4e0: {  	_ =	swait.ge [sflag:s9], $0x800  }
0x4e1: {  	[sflag:s9] =	ssyncset.done $0x0  }
0x4e2: {  	s19 =	simm.s32 $0x1D740;
	[sflag:s9] =	ssyncadd.s32 $0xFFFFF800  }
0x4e3: {  	v0 =	vld [tilespmem:s19+$0x30]  }
0x4e4: {  	v1 =	vld [tilespmem:s19+$0xFFFFFFD0]  }
0x4e5: {  	v2 =	vld [tilespmem:s19+$0xFFFFFFE0]  }
0x4e6: {  	v3 =	vld [tilespmem:s19+$0xFFFFFFF0]  }
0x4e7: {  	v5 =	vld [tilespmem:s19+$0x0]  }
0x4e8: {  	v6 =	vld [tilespmem:s19+$0x10]  }
0x4e9: {  	v7 =	vld [tilespmem:s19+$0x20]  }
0x4ea: {  	s17 =	simm.s32 $0x1A770;
	v8 =	vld [tilespmem:s19+$0xFFFFFFC0]  }
0x4eb: {  	v11 =	vld [tilespmem:s17+$0x0]  }
0x4ec: {  	v14 =	vld [tilespmem:s17+$0xFFFFFFA0]  }
0x4ed: {  	v9 =	vld [tilespmem:s17+$0xFFFFFFB0]  }
0x4ee: {  	v10 =	vld.idx.msk [tilespmem:v0+s2+$0x0], $0xffff  }
0x4ef: {  	v12 =	vld.idx.msk [tilespmem:v1+s2+$0x0], $0xffff  }
0x4f0: {  	v4 =	vld.idx.msk [tilespmem:v2+s2+$0x0], $0xffff  }
0x4f1: {  	v3 =	vld.idx.msk [tilespmem:v3+s2+$0x0], $0xffff  }
0x4f2: {  	v13 =	vld.idx.msk [tilespmem:v8+s2+$0x0], $0xffff  }
0x4f3: {  	v1 =	vld.idx.msk [tilespmem:v7+s2+$0x0], $0xffff  }
0x4f4: {  	v7 =	vld [tilespmem:s17+$0xFFFFFF90]  }
0x4f5: {  	v2 =	vld.idx.msk [tilespmem:v5+s2+$0x0], $0xffff  }
0x4f6: {  	v0 =	vld.idx.msk [tilespmem:v6+s2+$0x0], $0xffff  }
0x4f7: {  	v8 =	vld [tilespmem:s17+$0xFFFFFFC0]  }
0x4f8: {  	v6 =	vld [tilespmem:s17+$0xFFFFFFD0];
	v10 =	vmul.f32 v11, v10  }
0x4f9: {  	v5 =	vld [tilespmem:s17+$0xFFFFFFE0];
	v11 =	vmul.f32 v7, v13  }
0x4fa: {  	s18 =	simm.s32 $0x0;
	s19 =	simm.s32 $0x1D7C0;
	v7 =	vld [tilespmem:s17+$0xFFFFFFF0];
	[tilespmem:s17+$0x0] =	vst v10;
	v10 =	vmul.f32 v14, v12  }
.LBB2_42:
0x4fb: {  	v12 =	vld [tilespmem:s19+$0x30];
	s18 =	sadd.s32 $0x80, s18;
	[tilespmem:s17+$0xFFFFFF90] =	vst v11;
	v4 =	vmul.f32 v9, v4  }
0x4fc: {  	v9 =	vld [tilespmem:s19+$0xFFFFFFD0];
	p0 =	slt.u32 s18, $0x780;
	[tilespmem:s17+$0xFFFFFFA0] =	vst v10;
	v3 =	vmul.f32 v8, v3  }
0x4fd: {  	v8 =	vld [tilespmem:s19+$0xFFFFFFE0];
	[tilespmem:s17+$0xFFFFFFB0] =	vst v4;
	v2 =	vmul.f32 v6, v2  }
0x4fe: {  	v6 =	vld [tilespmem:s19+$0xFFFFFFF0];
	[tilespmem:s17+$0xFFFFFFC0] =	vst v3;
	v0 =	vmul.f32 v5, v0  }
0x4ff: {  	v5 =	vld [tilespmem:s19+$0x0];
	[tilespmem:s17+$0xFFFFFFD0] =	vst v2;
	v1 =	vmul.f32 v7, v1  }
0x500: {  	v7 =	vld [tilespmem:s19+$0x10];
	[tilespmem:s17+$0xFFFFFFE0] =	vst v0  }
0x501: {  	v10 =	vld [tilespmem:s19+$0x20];
	[tilespmem:s17+$0xFFFFFFF0] =	vst v1  }
0x502: {  	v1 =	vld [tilespmem:s19+$0xFFFFFFC0]  }
0x503: {  	s17 =	sadd.s32 $0x80, s17;
	v11 =	vld.idx.msk [tilespmem:v12+s2+$0x0], $0xffff  }
0x504: {  	v12 =	vld [tilespmem:s17+$0x0]  }
0x505: {  	v13 =	vld.idx.msk [tilespmem:v9+s2+$0x0], $0xffff  }
0x506: {  	v4 =	vld.idx.msk [tilespmem:v8+s2+$0x0], $0xffff  }
0x507: {  	v3 =	vld.idx.msk [tilespmem:v6+s2+$0x0], $0xffff  }
0x508: {  	v2 =	vld.idx.msk [tilespmem:v5+s2+$0x0], $0xffff  }
0x509: {  	v0 =	vld.idx.msk [tilespmem:v7+s2+$0x0], $0xffff;
	v5 =	vmul.f32 v12, v11  }
0x50a: {  	v7 =	vld.idx.msk [tilespmem:v1+s2+$0x0], $0xffff  }
0x50b: {  	v1 =	vld.idx.msk [tilespmem:v10+s2+$0x0], $0xffff;
	[tilespmem:s17+$0x0] =	vst v5  }
0x50c: {  	v5 =	vld [tilespmem:s17+$0xFFFFFF90]  }
0x50d: {  	v10 =	vld [tilespmem:s17+$0xFFFFFFA0]  }
.Ltmp20:
0x50e: {  	v9 =	vld [tilespmem:s17+$0xFFFFFFB0];
	(pc) =	sbr.rel @p0 .LBB2_42-.Ltmp20, $4  }
0x50f: {  	v8 =	vld [tilespmem:s17+$0xFFFFFFC0]  }
0x510: {  	v6 =	vld [tilespmem:s17+$0xFFFFFFD0]  }
0x511: {  	v11 =	vmul.f32 v5, v7;
	v5 =	vld [tilespmem:s17+$0xFFFFFFE0]  }
0x512: {  	s19 =	sadd.s32 $0x80, s19;
	v10 =	vmul.f32 v10, v13;
	v7 =	vld [tilespmem:s17+$0xFFFFFFF0]  }
0x513: {  	[tilespmem:s17+$0xFFFFFF90] =	vst v11;
	v4 =	vmul.f32 v9, v4  }
0x514: {  	[tilespmem:s17+$0xFFFFFFA0] =	vst v10;
	v3 =	vmul.f32 v8, v3  }
0x515: {  	[tilespmem:s17+$0xFFFFFFB0] =	vst v4;
	v2 =	vmul.f32 v6, v2  }
0x516: {  	[tilespmem:s17+$0xFFFFFFC0] =	vst v3;
	v0 =	vmul.f32 v5, v0  }
0x517: {  	[tilespmem:s17+$0xFFFFFFD0] =	vst v2;
	v1 =	vmul.f32 v7, v1  }
0x518: {  	[tilespmem:s17+$0xFFFFFFE0] =	vst v0  }
0x519: {  	[tilespmem:s17+$0xFFFFFFF0] =	vst v1  }
0x51a: {  	[tilespmem:s22], [sflag:$0x5] =	stream.linear.gather [hbm4b:s5+s2], $0x800, $0x38;
	[tilespmem:$0x1F700] =	vst v63  }
0x51b: {  	_ =	swait.ge [sflag:s10], $0x800  }
0x51c: {  	[sflag:s10] =	ssyncset.done $0x0  }
0x51d: {  	s19 =	simm.s32 $0x1DF40;
	[sflag:s10] =	ssyncadd.s32 $0xFFFFF800  }
0x51e: {  	v0 =	vld [tilespmem:s19+$0x30]  }
0x51f: {  	v1 =	vld [tilespmem:s19+$0xFFFFFFD0]  }
0x520: {  	v2 =	vld [tilespmem:s19+$0xFFFFFFE0]  }
0x521: {  	v3 =	vld [tilespmem:s19+$0xFFFFFFF0]  }
0x522: {  	v5 =	vld [tilespmem:s19+$0x0]  }
0x523: {  	v6 =	vld [tilespmem:s19+$0x10]  }
0x524: {  	v7 =	vld [tilespmem:s19+$0x20]  }
0x525: {  	s17 =	simm.s32 $0x1AF70;
	v8 =	vld [tilespmem:s19+$0xFFFFFFC0]  }
0x526: {  	v11 =	vld [tilespmem:s17+$0x0]  }
0x527: {  	v14 =	vld [tilespmem:s17+$0xFFFFFFA0]  }
0x528: {  	v9 =	vld [tilespmem:s17+$0xFFFFFFB0]  }
0x529: {  	v10 =	vld.idx.msk [tilespmem:v0+s2+$0x0], $0xffff  }
0x52a: {  	v12 =	vld.idx.msk [tilespmem:v1+s2+$0x0], $0xffff  }
0x52b: {  	v4 =	vld.idx.msk [tilespmem:v2+s2+$0x0], $0xffff  }
0x52c: {  	v3 =	vld.idx.msk [tilespmem:v3+s2+$0x0], $0xffff  }
0x52d: {  	v13 =	vld.idx.msk [tilespmem:v8+s2+$0x0], $0xffff  }
0x52e: {  	v1 =	vld.idx.msk [tilespmem:v7+s2+$0x0], $0xffff  }
0x52f: {  	v7 =	vld [tilespmem:s17+$0xFFFFFF90]  }
0x530: {  	v2 =	vld.idx.msk [tilespmem:v5+s2+$0x0], $0xffff  }
0x531: {  	v0 =	vld.idx.msk [tilespmem:v6+s2+$0x0], $0xffff  }
0x532: {  	v8 =	vld [tilespmem:s17+$0xFFFFFFC0]  }
0x533: {  	v6 =	vld [tilespmem:s17+$0xFFFFFFD0];
	v10 =	vmul.f32 v11, v10  }
0x534: {  	v5 =	vld [tilespmem:s17+$0xFFFFFFE0];
	v11 =	vmul.f32 v7, v13  }
0x535: {  	s18 =	simm.s32 $0x0;
	s19 =	simm.s32 $0x1DFC0;
	v7 =	vld [tilespmem:s17+$0xFFFFFFF0];
	[tilespmem:s17+$0x0] =	vst v10;
	v10 =	vmul.f32 v14, v12  }
.LBB2_44:
0x536: {  	v12 =	vld [tilespmem:s19+$0x30];
	s18 =	sadd.s32 $0x80, s18;
	[tilespmem:s17+$0xFFFFFF90] =	vst v11;
	v4 =	vmul.f32 v9, v4  }
0x537: {  	v9 =	vld [tilespmem:s19+$0xFFFFFFD0];
	p0 =	slt.u32 s18, $0x780;
	[tilespmem:s17+$0xFFFFFFA0] =	vst v10;
	v3 =	vmul.f32 v8, v3  }
0x538: {  	v8 =	vld [tilespmem:s19+$0xFFFFFFE0];
	[tilespmem:s17+$0xFFFFFFB0] =	vst v4;
	v2 =	vmul.f32 v6, v2  }
0x539: {  	v6 =	vld [tilespmem:s19+$0xFFFFFFF0];
	[tilespmem:s17+$0xFFFFFFC0] =	vst v3;
	v0 =	vmul.f32 v5, v0  }
0x53a: {  	v5 =	vld [tilespmem:s19+$0x0];
	[tilespmem:s17+$0xFFFFFFD0] =	vst v2;
	v1 =	vmul.f32 v7, v1  }
0x53b: {  	v7 =	vld [tilespmem:s19+$0x10];
	[tilespmem:s17+$0xFFFFFFE0] =	vst v0  }
0x53c: {  	v10 =	vld [tilespmem:s19+$0x20];
	[tilespmem:s17+$0xFFFFFFF0] =	vst v1  }
0x53d: {  	v1 =	vld [tilespmem:s19+$0xFFFFFFC0]  }
0x53e: {  	s17 =	sadd.s32 $0x80, s17;
	v11 =	vld.idx.msk [tilespmem:v12+s2+$0x0], $0xffff  }
0x53f: {  	v12 =	vld [tilespmem:s17+$0x0]  }
0x540: {  	v13 =	vld.idx.msk [tilespmem:v9+s2+$0x0], $0xffff  }
0x541: {  	v4 =	vld.idx.msk [tilespmem:v8+s2+$0x0], $0xffff  }
0x542: {  	v3 =	vld.idx.msk [tilespmem:v6+s2+$0x0], $0xffff  }
0x543: {  	v2 =	vld.idx.msk [tilespmem:v5+s2+$0x0], $0xffff  }
0x544: {  	v0 =	vld.idx.msk [tilespmem:v7+s2+$0x0], $0xffff;
	v5 =	vmul.f32 v12, v11  }
0x545: {  	v7 =	vld.idx.msk [tilespmem:v1+s2+$0x0], $0xffff  }
0x546: {  	v1 =	vld.idx.msk [tilespmem:v10+s2+$0x0], $0xffff;
	[tilespmem:s17+$0x0] =	vst v5  }
0x547: {  	v5 =	vld [tilespmem:s17+$0xFFFFFF90]  }
0x548: {  	v10 =	vld [tilespmem:s17+$0xFFFFFFA0]  }
.Ltmp21:
0x549: {  	v9 =	vld [tilespmem:s17+$0xFFFFFFB0];
	(pc) =	sbr.rel @p0 .LBB2_44-.Ltmp21, $4  }
0x54a: {  	v8 =	vld [tilespmem:s17+$0xFFFFFFC0]  }
0x54b: {  	v6 =	vld [tilespmem:s17+$0xFFFFFFD0]  }
0x54c: {  	v11 =	vmul.f32 v5, v7;
	v5 =	vld [tilespmem:s17+$0xFFFFFFE0]  }
0x54d: {  	s19 =	sadd.s32 $0x80, s19;
	v10 =	vmul.f32 v10, v13;
	v7 =	vld [tilespmem:s17+$0xFFFFFFF0]  }
0x54e: {  	[tilespmem:s17+$0xFFFFFF90] =	vst v11;
	v4 =	vmul.f32 v9, v4  }
0x54f: {  	[tilespmem:s17+$0xFFFFFFA0] =	vst v10;
	v3 =	vmul.f32 v8, v3  }
0x550: {  	[tilespmem:s17+$0xFFFFFFB0] =	vst v4;
	v2 =	vmul.f32 v6, v2  }
0x551: {  	[tilespmem:s17+$0xFFFFFFC0] =	vst v3;
	v0 =	vmul.f32 v5, v0  }
0x552: {  	[tilespmem:s17+$0xFFFFFFD0] =	vst v2;
	v1 =	vmul.f32 v7, v1  }
0x553: {  	[tilespmem:s17+$0xFFFFFFE0] =	vst v0  }
0x554: {  	[tilespmem:s17+$0xFFFFFFF0] =	vst v1  }
0x555: {  	[tilespmem:s23], [sflag:$0x6] =	stream.linear.gather [hbm4b:s6+s2], $0x800, $0x38;
	[tilespmem:$0x1F700] =	vst v63  }
0x556: {  	_ =	swait.ge [sflag:s13], $0x800  }
0x557: {  	[sflag:s13] =	ssyncset.done $0x0  }
0x558: {  	s19 =	simm.s32 $0x1E740;
	[sflag:s13] =	ssyncadd.s32 $0xFFFFF800  }
0x559: {  	v0 =	vld [tilespmem:s19+$0x30]  }
0x55a: {  	v1 =	vld [tilespmem:s19+$0xFFFFFFD0]  }
0x55b: {  	v2 =	vld [tilespmem:s19+$0xFFFFFFE0]  }
0x55c: {  	v3 =	vld [tilespmem:s19+$0xFFFFFFF0]  }
0x55d: {  	v5 =	vld [tilespmem:s19+$0x0]  }
0x55e: {  	v6 =	vld [tilespmem:s19+$0x10]  }
0x55f: {  	v7 =	vld [tilespmem:s19+$0x20]  }
0x560: {  	s17 =	simm.s32 $0x1B770;
	v8 =	vld [tilespmem:s19+$0xFFFFFFC0]  }
0x561: {  	v11 =	vld [tilespmem:s17+$0x0]  }
0x562: {  	v14 =	vld [tilespmem:s17+$0xFFFFFFA0]  }
0x563: {  	v9 =	vld [tilespmem:s17+$0xFFFFFFB0]  }
0x564: {  	v10 =	vld.idx.msk [tilespmem:v0+s2+$0x0], $0xffff  }
0x565: {  	v12 =	vld.idx.msk [tilespmem:v1+s2+$0x0], $0xffff  }
0x566: {  	v4 =	vld.idx.msk [tilespmem:v2+s2+$0x0], $0xffff  }
0x567: {  	v3 =	vld.idx.msk [tilespmem:v3+s2+$0x0], $0xffff  }
0x568: {  	v13 =	vld.idx.msk [tilespmem:v8+s2+$0x0], $0xffff  }
0x569: {  	v1 =	vld.idx.msk [tilespmem:v7+s2+$0x0], $0xffff  }
0x56a: {  	v7 =	vld [tilespmem:s17+$0xFFFFFF90]  }
0x56b: {  	v2 =	vld.idx.msk [tilespmem:v5+s2+$0x0], $0xffff  }
0x56c: {  	v0 =	vld.idx.msk [tilespmem:v6+s2+$0x0], $0xffff  }
0x56d: {  	v8 =	vld [tilespmem:s17+$0xFFFFFFC0]  }
0x56e: {  	v6 =	vld [tilespmem:s17+$0xFFFFFFD0];
	v10 =	vmul.f32 v11, v10  }
0x56f: {  	v5 =	vld [tilespmem:s17+$0xFFFFFFE0];
	v11 =	vmul.f32 v7, v13  }
0x570: {  	s18 =	simm.s32 $0x0;
	s19 =	simm.s32 $0x1E7C0;
	v7 =	vld [tilespmem:s17+$0xFFFFFFF0];
	[tilespmem:s17+$0x0] =	vst v10;
	v10 =	vmul.f32 v14, v12  }
.LBB2_46:
0x571: {  	v12 =	vld [tilespmem:s19+$0x30];
	s18 =	sadd.s32 $0x80, s18;
	[tilespmem:s17+$0xFFFFFF90] =	vst v11;
	v4 =	vmul.f32 v9, v4  }
0x572: {  	v9 =	vld [tilespmem:s19+$0xFFFFFFD0];
	p0 =	slt.u32 s18, $0x780;
	[tilespmem:s17+$0xFFFFFFA0] =	vst v10;
	v3 =	vmul.f32 v8, v3  }
0x573: {  	v8 =	vld [tilespmem:s19+$0xFFFFFFE0];
	[tilespmem:s17+$0xFFFFFFB0] =	vst v4;
	v2 =	vmul.f32 v6, v2  }
0x574: {  	v6 =	vld [tilespmem:s19+$0xFFFFFFF0];
	[tilespmem:s17+$0xFFFFFFC0] =	vst v3;
	v0 =	vmul.f32 v5, v0  }
0x575: {  	v5 =	vld [tilespmem:s19+$0x0];
	[tilespmem:s17+$0xFFFFFFD0] =	vst v2;
	v1 =	vmul.f32 v7, v1  }
0x576: {  	v7 =	vld [tilespmem:s19+$0x10];
	[tilespmem:s17+$0xFFFFFFE0] =	vst v0  }
0x577: {  	v10 =	vld [tilespmem:s19+$0x20];
	[tilespmem:s17+$0xFFFFFFF0] =	vst v1  }
0x578: {  	v1 =	vld [tilespmem:s19+$0xFFFFFFC0]  }
0x579: {  	s17 =	sadd.s32 $0x80, s17;
	v11 =	vld.idx.msk [tilespmem:v12+s2+$0x0], $0xffff  }
0x57a: {  	v12 =	vld [tilespmem:s17+$0x0]  }
0x57b: {  	v13 =	vld.idx.msk [tilespmem:v9+s2+$0x0], $0xffff  }
0x57c: {  	v4 =	vld.idx.msk [tilespmem:v8+s2+$0x0], $0xffff  }
0x57d: {  	v3 =	vld.idx.msk [tilespmem:v6+s2+$0x0], $0xffff  }
0x57e: {  	v2 =	vld.idx.msk [tilespmem:v5+s2+$0x0], $0xffff  }
0x57f: {  	v0 =	vld.idx.msk [tilespmem:v7+s2+$0x0], $0xffff;
	v5 =	vmul.f32 v12, v11  }
0x580: {  	v7 =	vld.idx.msk [tilespmem:v1+s2+$0x0], $0xffff  }
0x581: {  	v1 =	vld.idx.msk [tilespmem:v10+s2+$0x0], $0xffff;
	[tilespmem:s17+$0x0] =	vst v5  }
0x582: {  	v5 =	vld [tilespmem:s17+$0xFFFFFF90]  }
0x583: {  	v10 =	vld [tilespmem:s17+$0xFFFFFFA0]  }
.Ltmp22:
0x584: {  	v9 =	vld [tilespmem:s17+$0xFFFFFFB0];
	(pc) =	sbr.rel @p0 .LBB2_46-.Ltmp22, $4  }
0x585: {  	v8 =	vld [tilespmem:s17+$0xFFFFFFC0]  }
0x586: {  	v6 =	vld [tilespmem:s17+$0xFFFFFFD0]  }
0x587: {  	v11 =	vmul.f32 v5, v7;
	v5 =	vld [tilespmem:s17+$0xFFFFFFE0]  }
0x588: {  	s19 =	sadd.s32 $0x80, s19;
	v10 =	vmul.f32 v10, v13;
	v7 =	vld [tilespmem:s17+$0xFFFFFFF0]  }
0x589: {  	[tilespmem:s17+$0xFFFFFF90] =	vst v11;
	v4 =	vmul.f32 v9, v4  }
0x58a: {  	[tilespmem:s17+$0xFFFFFFA0] =	vst v10;
	v3 =	vmul.f32 v8, v3  }
0x58b: {  	[tilespmem:s17+$0xFFFFFFB0] =	vst v4;
	v2 =	vmul.f32 v6, v2  }
0x58c: {  	[tilespmem:s17+$0xFFFFFFC0] =	vst v3;
	v0 =	vmul.f32 v5, v0  }
0x58d: {  	[tilespmem:s17+$0xFFFFFFD0] =	vst v2;
	v1 =	vmul.f32 v7, v1  }
0x58e: {  	[tilespmem:s17+$0xFFFFFFE0] =	vst v0  }
0x58f: {  	[tilespmem:s17+$0xFFFFFFF0] =	vst v1  }
0x590: {  	[tilespmem:s24], [sflag:$0x7] =	stream.linear.gather [hbm4b:s7+s2], $0x800, $0x38;
	[tilespmem:$0x1F700] =	vst v63  }
0x591: {  	_ =	swait.ge [sflag:s14], $0x800  }
0x592: {  	[sflag:s14] =	ssyncset.done $0x0  }
0x593: {  	s19 =	simm.s32 $0x1EF40;
	[sflag:s14] =	ssyncadd.s32 $0xFFFFF800  }
0x594: {  	v0 =	vld [tilespmem:s19+$0x30]  }
0x595: {  	v1 =	vld [tilespmem:s19+$0xFFFFFFD0]  }
0x596: {  	v2 =	vld [tilespmem:s19+$0xFFFFFFE0]  }
0x597: {  	v3 =	vld [tilespmem:s19+$0xFFFFFFF0]  }
0x598: {  	v5 =	vld [tilespmem:s19+$0x0]  }
0x599: {  	v6 =	vld [tilespmem:s19+$0x10]  }
0x59a: {  	v7 =	vld [tilespmem:s19+$0x20]  }
0x59b: {  	s17 =	simm.s32 $0x1BF70;
	v8 =	vld [tilespmem:s19+$0xFFFFFFC0]  }
0x59c: {  	v11 =	vld [tilespmem:s17+$0x0]  }
0x59d: {  	v14 =	vld [tilespmem:s17+$0xFFFFFFA0]  }
0x59e: {  	v9 =	vld [tilespmem:s17+$0xFFFFFFB0]  }
0x59f: {  	v10 =	vld.idx.msk [tilespmem:v0+s2+$0x0], $0xffff  }
0x5a0: {  	v12 =	vld.idx.msk [tilespmem:v1+s2+$0x0], $0xffff  }
0x5a1: {  	v4 =	vld.idx.msk [tilespmem:v2+s2+$0x0], $0xffff  }
0x5a2: {  	v3 =	vld.idx.msk [tilespmem:v3+s2+$0x0], $0xffff  }
0x5a3: {  	v13 =	vld.idx.msk [tilespmem:v8+s2+$0x0], $0xffff  }
0x5a4: {  	v1 =	vld.idx.msk [tilespmem:v7+s2+$0x0], $0xffff  }
0x5a5: {  	v7 =	vld [tilespmem:s17+$0xFFFFFF90]  }
0x5a6: {  	v2 =	vld.idx.msk [tilespmem:v5+s2+$0x0], $0xffff  }
0x5a7: {  	v0 =	vld.idx.msk [tilespmem:v6+s2+$0x0], $0xffff  }
0x5a8: {  	v8 =	vld [tilespmem:s17+$0xFFFFFFC0]  }
0x5a9: {  	v6 =	vld [tilespmem:s17+$0xFFFFFFD0];
	v10 =	vmul.f32 v11, v10  }
0x5aa: {  	v5 =	vld [tilespmem:s17+$0xFFFFFFE0];
	v11 =	vmul.f32 v7, v13  }
0x5ab: {  	s18 =	simm.s32 $0x0;
	s19 =	simm.s32 $0x1EFC0;
	v7 =	vld [tilespmem:s17+$0xFFFFFFF0];
	[tilespmem:s17+$0x0] =	vst v10;
	v10 =	vmul.f32 v14, v12  }
.LBB2_48:
0x5ac: {  	v12 =	vld [tilespmem:s19+$0x30];
	s18 =	sadd.s32 $0x80, s18;
	[tilespmem:s17+$0xFFFFFF90] =	vst v11;
	v4 =	vmul.f32 v9, v4  }
0x5ad: {  	v9 =	vld [tilespmem:s19+$0xFFFFFFD0];
	p0 =	slt.u32 s18, $0x780;
	[tilespmem:s17+$0xFFFFFFA0] =	vst v10;
	v3 =	vmul.f32 v8, v3  }
0x5ae: {  	v8 =	vld [tilespmem:s19+$0xFFFFFFE0];
	[tilespmem:s17+$0xFFFFFFB0] =	vst v4;
	v2 =	vmul.f32 v6, v2  }
0x5af: {  	v6 =	vld [tilespmem:s19+$0xFFFFFFF0];
	[tilespmem:s17+$0xFFFFFFC0] =	vst v3;
	v0 =	vmul.f32 v5, v0  }
0x5b0: {  	v5 =	vld [tilespmem:s19+$0x0];
	[tilespmem:s17+$0xFFFFFFD0] =	vst v2;
	v1 =	vmul.f32 v7, v1  }
0x5b1: {  	v7 =	vld [tilespmem:s19+$0x10];
	[tilespmem:s17+$0xFFFFFFE0] =	vst v0  }
0x5b2: {  	v10 =	vld [tilespmem:s19+$0x20];
	[tilespmem:s17+$0xFFFFFFF0] =	vst v1  }
0x5b3: {  	v1 =	vld [tilespmem:s19+$0xFFFFFFC0]  }
0x5b4: {  	s17 =	sadd.s32 $0x80, s17;
	v11 =	vld.idx.msk [tilespmem:v12+s2+$0x0], $0xffff  }
0x5b5: {  	v12 =	vld [tilespmem:s17+$0x0]  }
0x5b6: {  	v13 =	vld.idx.msk [tilespmem:v9+s2+$0x0], $0xffff  }
0x5b7: {  	v4 =	vld.idx.msk [tilespmem:v8+s2+$0x0], $0xffff  }
0x5b8: {  	v3 =	vld.idx.msk [tilespmem:v6+s2+$0x0], $0xffff  }
0x5b9: {  	v2 =	vld.idx.msk [tilespmem:v5+s2+$0x0], $0xffff  }
0x5ba: {  	v0 =	vld.idx.msk [tilespmem:v7+s2+$0x0], $0xffff;
	v5 =	vmul.f32 v12, v11  }
0x5bb: {  	v7 =	vld.idx.msk [tilespmem:v1+s2+$0x0], $0xffff  }
0x5bc: {  	v1 =	vld.idx.msk [tilespmem:v10+s2+$0x0], $0xffff;
	[tilespmem:s17+$0x0] =	vst v5  }
0x5bd: {  	v5 =	vld [tilespmem:s17+$0xFFFFFF90]  }
0x5be: {  	v10 =	vld [tilespmem:s17+$0xFFFFFFA0]  }
.Ltmp23:
0x5bf: {  	v9 =	vld [tilespmem:s17+$0xFFFFFFB0];
	(pc) =	sbr.rel @p0 .LBB2_48-.Ltmp23, $4  }
0x5c0: {  	v8 =	vld [tilespmem:s17+$0xFFFFFFC0]  }
0x5c1: {  	v6 =	vld [tilespmem:s17+$0xFFFFFFD0]  }
0x5c2: {  	v11 =	vmul.f32 v5, v7;
	v5 =	vld [tilespmem:s17+$0xFFFFFFE0]  }
0x5c3: {  	s19 =	sadd.s32 $0x80, s19;
	v10 =	vmul.f32 v10, v13;
	v7 =	vld [tilespmem:s17+$0xFFFFFFF0]  }
0x5c4: {  	[tilespmem:s17+$0xFFFFFF90] =	vst v11;
	v4 =	vmul.f32 v9, v4  }
0x5c5: {  	[tilespmem:s17+$0xFFFFFFA0] =	vst v10;
	v3 =	vmul.f32 v8, v3  }
0x5c6: {  	[tilespmem:s17+$0xFFFFFFB0] =	vst v4;
	v2 =	vmul.f32 v6, v2  }
0x5c7: {  	[tilespmem:s17+$0xFFFFFFC0] =	vst v3;
	v0 =	vmul.f32 v5, v0  }
0x5c8: {  	[tilespmem:s17+$0xFFFFFFD0] =	vst v2;
	v1 =	vmul.f32 v7, v1  }
0x5c9: {  	[tilespmem:s17+$0xFFFFFFE0] =	vst v0  }
0x5ca: {  	[tilespmem:s17+$0xFFFFFFF0] =	vst v1  }
0x5cb: {  	[tilespmem:s25], [sflag:$0x8] =	stream.linear.gather [hbm4b:s8+s2], $0x800, $0x38;
	[tilespmem:$0x1F700] =	vst v63  }
0x5cc: {  	s17 =	rddreg [dreg:$0xc]  }
0x5cd: {  	[tilespmem:s2], [sflag:$0x1] =	stream.strided.gather [hbm4b:s17+s26], $0x18700, s28, s26, $0x38;
	[tilespmem:$0x1F700] =	vst v63  }
0x5ce: {  	_ =	swait.ge [sflag:s30], $0x18700  }
0x5cf: {  	[sflag:s30] =	ssyncset.done $0x0  }
0x5d0: {  	[sflag:s30] =	ssyncadd.s32 $0xFFFE7900  }
0x5d1: {  	_ =	swait.ge [sflag:s0], $0x800  }
0x5d2: {  	[sflag:s0] =	ssyncset.done $0x0  }
0x5d3: {  	s19 =	simm.s32 $0x1C740;
	[sflag:s0] =	ssyncadd.s32 $0xFFFFF800  }
0x5d4: {  	v0 =	vld [tilespmem:s19+$0x30]  }
0x5d5: {  	v1 =	vld [tilespmem:s19+$0xFFFFFFD0]  }
0x5d6: {  	v2 =	vld [tilespmem:s19+$0xFFFFFFE0]  }
0x5d7: {  	v3 =	vld [tilespmem:s19+$0xFFFFFFF0]  }
0x5d8: {  	v5 =	vld [tilespmem:s19+$0x0]  }
0x5d9: {  	v6 =	vld [tilespmem:s19+$0x10]  }
0x5da: {  	v7 =	vld [tilespmem:s19+$0x20]  }
0x5db: {  	s17 =	simm.s32 $0x18740;
	v8 =	vld [tilespmem:s19+$0xFFFFFFC0]  }
0x5dc: {  	v11 =	vld [tilespmem:s17+$0x30]  }
0x5dd: {  	v14 =	vld [tilespmem:s17+$0xFFFFFFD0]  }
0x5de: {  	v9 =	vld [tilespmem:s17+$0xFFFFFFE0]  }
0x5df: {  	v10 =	vld.idx.msk [tilespmem:v0+s2+$0x0], $0xffff  }
0x5e0: {  	v12 =	vld.idx.msk [tilespmem:v1+s2+$0x0], $0xffff  }
0x5e1: {  	v4 =	vld.idx.msk [tilespmem:v2+s2+$0x0], $0xffff  }
0x5e2: {  	v3 =	vld.idx.msk [tilespmem:v3+s2+$0x0], $0xffff  }
0x5e3: {  	v13 =	vld.idx.msk [tilespmem:v8+s2+$0x0], $0xffff  }
0x5e4: {  	v1 =	vld.idx.msk [tilespmem:v7+s2+$0x0], $0xffff  }
0x5e5: {  	v7 =	vld [tilespmem:s17+$0xFFFFFFC0]  }
0x5e6: {  	v2 =	vld.idx.msk [tilespmem:v5+s2+$0x0], $0xffff  }
0x5e7: {  	v0 =	vld.idx.msk [tilespmem:v6+s2+$0x0], $0xffff  }
0x5e8: {  	v8 =	vld [tilespmem:s17+$0xFFFFFFF0]  }
0x5e9: {  	v6 =	vld [tilespmem:s17+$0x0];
	v10 =	vadd.f32 v11, v10  }
0x5ea: {  	v5 =	vld [tilespmem:s17+$0x10];
	v11 =	vadd.f32 v7, v13  }
0x5eb: {  	s18 =	simm.s32 $0x0;
	s19 =	simm.s32 $0x1C7C0;
	v7 =	vld [tilespmem:s17+$0x20];
	[tilespmem:s17+$0x30] =	vst v10;
	v10 =	vadd.f32 v14, v12  }
.LBB2_50:
0x5ec: {  	v12 =	vld [tilespmem:s19+$0x30];
	s18 =	sadd.s32 $0x80, s18;
	[tilespmem:s17+$0xFFFFFFC0] =	vst v11;
	v4 =	vadd.f32 v9, v4  }
0x5ed: {  	v9 =	vld [tilespmem:s19+$0xFFFFFFD0];
	p0 =	slt.u32 s18, $0x780;
	[tilespmem:s17+$0xFFFFFFD0] =	vst v10;
	v3 =	vadd.f32 v8, v3  }
0x5ee: {  	v8 =	vld [tilespmem:s19+$0xFFFFFFE0];
	[tilespmem:s17+$0xFFFFFFE0] =	vst v4;
	v2 =	vadd.f32 v6, v2  }
0x5ef: {  	v6 =	vld [tilespmem:s19+$0xFFFFFFF0];
	[tilespmem:s17+$0xFFFFFFF0] =	vst v3;
	v0 =	vadd.f32 v5, v0  }
0x5f0: {  	v5 =	vld [tilespmem:s19+$0x0];
	[tilespmem:s17+$0x0] =	vst v2;
	v1 =	vadd.f32 v7, v1  }
0x5f1: {  	v7 =	vld [tilespmem:s19+$0x10];
	[tilespmem:s17+$0x10] =	vst v0  }
0x5f2: {  	v10 =	vld [tilespmem:s19+$0x20];
	[tilespmem:s17+$0x20] =	vst v1  }
0x5f3: {  	v1 =	vld [tilespmem:s19+$0xFFFFFFC0]  }
0x5f4: {  	s17 =	sadd.s32 $0x80, s17;
	v11 =	vld.idx.msk [tilespmem:v12+s2+$0x0], $0xffff  }
0x5f5: {  	v12 =	vld [tilespmem:s17+$0x30]  }
0x5f6: {  	v13 =	vld.idx.msk [tilespmem:v9+s2+$0x0], $0xffff  }
0x5f7: {  	v4 =	vld.idx.msk [tilespmem:v8+s2+$0x0], $0xffff  }
0x5f8: {  	v3 =	vld.idx.msk [tilespmem:v6+s2+$0x0], $0xffff  }
0x5f9: {  	v2 =	vld.idx.msk [tilespmem:v5+s2+$0x0], $0xffff  }
0x5fa: {  	v0 =	vld.idx.msk [tilespmem:v7+s2+$0x0], $0xffff;
	v5 =	vadd.f32 v12, v11  }
0x5fb: {  	v7 =	vld.idx.msk [tilespmem:v1+s2+$0x0], $0xffff  }
0x5fc: {  	v1 =	vld.idx.msk [tilespmem:v10+s2+$0x0], $0xffff;
	[tilespmem:s17+$0x30] =	vst v5  }
0x5fd: {  	v5 =	vld [tilespmem:s17+$0xFFFFFFC0]  }
0x5fe: {  	v10 =	vld [tilespmem:s17+$0xFFFFFFD0]  }
.Ltmp24:
0x5ff: {  	v9 =	vld [tilespmem:s17+$0xFFFFFFE0];
	(pc) =	sbr.rel @p0 .LBB2_50-.Ltmp24, $4  }
0x600: {  	v8 =	vld [tilespmem:s17+$0xFFFFFFF0]  }
0x601: {  	v6 =	vld [tilespmem:s17+$0x0]  }
0x602: {  	v11 =	vadd.f32 v5, v7;
	v5 =	vld [tilespmem:s17+$0x10]  }
0x603: {  	s19 =	sadd.s32 $0x80, s19;
	v10 =	vadd.f32 v10, v13;
	v7 =	vld [tilespmem:s17+$0x20]  }
0x604: {  	[tilespmem:s17+$0xFFFFFFC0] =	vst v11;
	v4 =	vadd.f32 v9, v4  }
0x605: {  	[tilespmem:s17+$0xFFFFFFD0] =	vst v10;
	v3 =	vadd.f32 v8, v3  }
0x606: {  	[tilespmem:s17+$0xFFFFFFE0] =	vst v4;
	v2 =	vadd.f32 v6, v2  }
0x607: {  	[tilespmem:s17+$0xFFFFFFF0] =	vst v3;
	v0 =	vadd.f32 v5, v0  }
0x608: {  	[tilespmem:s17+$0x0] =	vst v2;
	v1 =	vadd.f32 v7, v1  }
0x609: {  	[tilespmem:s17+$0x10] =	vst v0  }
0x60a: {  	[tilespmem:s17+$0x20] =	vst v1  }
0x60b: {  	[tilespmem:s20], [sflag:$0x3] =	stream.linear.gather [hbm4b:s11+s2], $0x800, $0x38;
	[tilespmem:$0x1F700] =	vst v63  }
0x60c: {  	_ =	swait.ge [sflag:s3], $0x800  }
0x60d: {  	[sflag:s3] =	ssyncset.done $0x0  }
0x60e: {  	s19 =	simm.s32 $0x1CF40;
	[sflag:s3] =	ssyncadd.s32 $0xFFFFF800  }
0x60f: {  	v0 =	vld [tilespmem:s19+$0x30]  }
0x610: {  	v1 =	vld [tilespmem:s19+$0xFFFFFFD0]  }
0x611: {  	v2 =	vld [tilespmem:s19+$0xFFFFFFE0]  }
0x612: {  	v3 =	vld [tilespmem:s19+$0xFFFFFFF0]  }
0x613: {  	v5 =	vld [tilespmem:s19+$0x0]  }
0x614: {  	v6 =	vld [tilespmem:s19+$0x10]  }
0x615: {  	v7 =	vld [tilespmem:s19+$0x20]  }
0x616: {  	s17 =	simm.s32 $0x18F70;
	v8 =	vld [tilespmem:s19+$0xFFFFFFC0]  }
0x617: {  	v11 =	vld [tilespmem:s17+$0x0]  }
0x618: {  	v14 =	vld [tilespmem:s17+$0xFFFFFFA0]  }
0x619: {  	v9 =	vld [tilespmem:s17+$0xFFFFFFB0]  }
0x61a: {  	v10 =	vld.idx.msk [tilespmem:v0+s2+$0x0], $0xffff  }
0x61b: {  	v12 =	vld.idx.msk [tilespmem:v1+s2+$0x0], $0xffff  }
0x61c: {  	v4 =	vld.idx.msk [tilespmem:v2+s2+$0x0], $0xffff  }
0x61d: {  	v3 =	vld.idx.msk [tilespmem:v3+s2+$0x0], $0xffff  }
0x61e: {  	v13 =	vld.idx.msk [tilespmem:v8+s2+$0x0], $0xffff  }
0x61f: {  	v1 =	vld.idx.msk [tilespmem:v7+s2+$0x0], $0xffff  }
0x620: {  	v7 =	vld [tilespmem:s17+$0xFFFFFF90]  }
0x621: {  	v2 =	vld.idx.msk [tilespmem:v5+s2+$0x0], $0xffff  }
0x622: {  	v0 =	vld.idx.msk [tilespmem:v6+s2+$0x0], $0xffff  }
0x623: {  	v8 =	vld [tilespmem:s17+$0xFFFFFFC0]  }
0x624: {  	v6 =	vld [tilespmem:s17+$0xFFFFFFD0];
	v10 =	vadd.f32 v11, v10  }
0x625: {  	v5 =	vld [tilespmem:s17+$0xFFFFFFE0];
	v11 =	vadd.f32 v7, v13  }
0x626: {  	s18 =	simm.s32 $0x0;
	s19 =	simm.s32 $0x1CFC0;
	v7 =	vld [tilespmem:s17+$0xFFFFFFF0];
	[tilespmem:s17+$0x0] =	vst v10;
	v10 =	vadd.f32 v14, v12  }
.LBB2_52:
0x627: {  	v12 =	vld [tilespmem:s19+$0x30];
	s18 =	sadd.s32 $0x80, s18;
	[tilespmem:s17+$0xFFFFFF90] =	vst v11;
	v4 =	vadd.f32 v9, v4  }
0x628: {  	v9 =	vld [tilespmem:s19+$0xFFFFFFD0];
	p0 =	slt.u32 s18, $0x780;
	[tilespmem:s17+$0xFFFFFFA0] =	vst v10;
	v3 =	vadd.f32 v8, v3  }
0x629: {  	v8 =	vld [tilespmem:s19+$0xFFFFFFE0];
	[tilespmem:s17+$0xFFFFFFB0] =	vst v4;
	v2 =	vadd.f32 v6, v2  }
0x62a: {  	v6 =	vld [tilespmem:s19+$0xFFFFFFF0];
	[tilespmem:s17+$0xFFFFFFC0] =	vst v3;
	v0 =	vadd.f32 v5, v0  }
0x62b: {  	v5 =	vld [tilespmem:s19+$0x0];
	[tilespmem:s17+$0xFFFFFFD0] =	vst v2;
	v1 =	vadd.f32 v7, v1  }
0x62c: {  	v7 =	vld [tilespmem:s19+$0x10];
	[tilespmem:s17+$0xFFFFFFE0] =	vst v0  }
0x62d: {  	v10 =	vld [tilespmem:s19+$0x20];
	[tilespmem:s17+$0xFFFFFFF0] =	vst v1  }
0x62e: {  	v1 =	vld [tilespmem:s19+$0xFFFFFFC0]  }
0x62f: {  	s17 =	sadd.s32 $0x80, s17;
	v11 =	vld.idx.msk [tilespmem:v12+s2+$0x0], $0xffff  }
0x630: {  	v12 =	vld [tilespmem:s17+$0x0]  }
0x631: {  	v13 =	vld.idx.msk [tilespmem:v9+s2+$0x0], $0xffff  }
0x632: {  	v4 =	vld.idx.msk [tilespmem:v8+s2+$0x0], $0xffff  }
0x633: {  	v3 =	vld.idx.msk [tilespmem:v6+s2+$0x0], $0xffff  }
0x634: {  	v2 =	vld.idx.msk [tilespmem:v5+s2+$0x0], $0xffff  }
0x635: {  	v0 =	vld.idx.msk [tilespmem:v7+s2+$0x0], $0xffff;
	v5 =	vadd.f32 v12, v11  }
0x636: {  	v7 =	vld.idx.msk [tilespmem:v1+s2+$0x0], $0xffff  }
0x637: {  	v1 =	vld.idx.msk [tilespmem:v10+s2+$0x0], $0xffff;
	[tilespmem:s17+$0x0] =	vst v5  }
0x638: {  	v5 =	vld [tilespmem:s17+$0xFFFFFF90]  }
0x639: {  	v10 =	vld [tilespmem:s17+$0xFFFFFFA0]  }
.Ltmp25:
0x63a: {  	v9 =	vld [tilespmem:s17+$0xFFFFFFB0];
	(pc) =	sbr.rel @p0 .LBB2_52-.Ltmp25, $4  }
0x63b: {  	v8 =	vld [tilespmem:s17+$0xFFFFFFC0]  }
0x63c: {  	v6 =	vld [tilespmem:s17+$0xFFFFFFD0]  }
0x63d: {  	v11 =	vadd.f32 v5, v7;
	v5 =	vld [tilespmem:s17+$0xFFFFFFE0]  }
0x63e: {  	s19 =	sadd.s32 $0x80, s19;
	v10 =	vadd.f32 v10, v13;
	v7 =	vld [tilespmem:s17+$0xFFFFFFF0]  }
0x63f: {  	[tilespmem:s17+$0xFFFFFF90] =	vst v11;
	v4 =	vadd.f32 v9, v4  }
0x640: {  	[tilespmem:s17+$0xFFFFFFA0] =	vst v10;
	v3 =	vadd.f32 v8, v3  }
0x641: {  	[tilespmem:s17+$0xFFFFFFB0] =	vst v4;
	v2 =	vadd.f32 v6, v2  }
0x642: {  	[tilespmem:s17+$0xFFFFFFC0] =	vst v3;
	v0 =	vadd.f32 v5, v0  }
0x643: {  	[tilespmem:s17+$0xFFFFFFD0] =	vst v2;
	v1 =	vadd.f32 v7, v1  }
0x644: {  	[tilespmem:s17+$0xFFFFFFE0] =	vst v0  }
0x645: {  	[tilespmem:s17+$0xFFFFFFF0] =	vst v1  }
0x646: {  	[tilespmem:s21], [sflag:$0x4] =	stream.linear.gather [hbm4b:s12+s2], $0x800, $0x38;
	[tilespmem:$0x1F700] =	vst v63  }
0x647: {  	_ =	swait.ge [sflag:s9], $0x800  }
0x648: {  	[sflag:s9] =	ssyncset.done $0x0  }
0x649: {  	s19 =	simm.s32 $0x1D740;
	[sflag:s9] =	ssyncadd.s32 $0xFFFFF800  }
0x64a: {  	v0 =	vld [tilespmem:s19+$0x30]  }
0x64b: {  	v1 =	vld [tilespmem:s19+$0xFFFFFFD0]  }
0x64c: {  	v2 =	vld [tilespmem:s19+$0xFFFFFFE0]  }
0x64d: {  	v3 =	vld [tilespmem:s19+$0xFFFFFFF0]  }
0x64e: {  	v5 =	vld [tilespmem:s19+$0x0]  }
0x64f: {  	v6 =	vld [tilespmem:s19+$0x10]  }
0x650: {  	v7 =	vld [tilespmem:s19+$0x20]  }
0x651: {  	s17 =	simm.s32 $0x19770;
	v8 =	vld [tilespmem:s19+$0xFFFFFFC0]  }
0x652: {  	v11 =	vld [tilespmem:s17+$0x0]  }
0x653: {  	v14 =	vld [tilespmem:s17+$0xFFFFFFA0]  }
0x654: {  	v9 =	vld [tilespmem:s17+$0xFFFFFFB0]  }
0x655: {  	v10 =	vld.idx.msk [tilespmem:v0+s2+$0x0], $0xffff  }
0x656: {  	v12 =	vld.idx.msk [tilespmem:v1+s2+$0x0], $0xffff  }
0x657: {  	v4 =	vld.idx.msk [tilespmem:v2+s2+$0x0], $0xffff  }
0x658: {  	v3 =	vld.idx.msk [tilespmem:v3+s2+$0x0], $0xffff  }
0x659: {  	v13 =	vld.idx.msk [tilespmem:v8+s2+$0x0], $0xffff  }
0x65a: {  	v1 =	vld.idx.msk [tilespmem:v7+s2+$0x0], $0xffff  }
0x65b: {  	v7 =	vld [tilespmem:s17+$0xFFFFFF90]  }
0x65c: {  	v2 =	vld.idx.msk [tilespmem:v5+s2+$0x0], $0xffff  }
0x65d: {  	v0 =	vld.idx.msk [tilespmem:v6+s2+$0x0], $0xffff  }
0x65e: {  	v8 =	vld [tilespmem:s17+$0xFFFFFFC0]  }
0x65f: {  	v6 =	vld [tilespmem:s17+$0xFFFFFFD0];
	v10 =	vadd.f32 v11, v10  }
0x660: {  	v5 =	vld [tilespmem:s17+$0xFFFFFFE0];
	v11 =	vadd.f32 v7, v13  }
0x661: {  	s18 =	simm.s32 $0x0;
	s19 =	simm.s32 $0x1D7C0;
	v7 =	vld [tilespmem:s17+$0xFFFFFFF0];
	[tilespmem:s17+$0x0] =	vst v10;
	v10 =	vadd.f32 v14, v12  }
.LBB2_54:
0x662: {  	v12 =	vld [tilespmem:s19+$0x30];
	s18 =	sadd.s32 $0x80, s18;
	[tilespmem:s17+$0xFFFFFF90] =	vst v11;
	v4 =	vadd.f32 v9, v4  }
0x663: {  	v9 =	vld [tilespmem:s19+$0xFFFFFFD0];
	p0 =	slt.u32 s18, $0x780;
	[tilespmem:s17+$0xFFFFFFA0] =	vst v10;
	v3 =	vadd.f32 v8, v3  }
0x664: {  	v8 =	vld [tilespmem:s19+$0xFFFFFFE0];
	[tilespmem:s17+$0xFFFFFFB0] =	vst v4;
	v2 =	vadd.f32 v6, v2  }
0x665: {  	v6 =	vld [tilespmem:s19+$0xFFFFFFF0];
	[tilespmem:s17+$0xFFFFFFC0] =	vst v3;
	v0 =	vadd.f32 v5, v0  }
0x666: {  	v5 =	vld [tilespmem:s19+$0x0];
	[tilespmem:s17+$0xFFFFFFD0] =	vst v2;
	v1 =	vadd.f32 v7, v1  }
0x667: {  	v7 =	vld [tilespmem:s19+$0x10];
	[tilespmem:s17+$0xFFFFFFE0] =	vst v0  }
0x668: {  	v10 =	vld [tilespmem:s19+$0x20];
	[tilespmem:s17+$0xFFFFFFF0] =	vst v1  }
0x669: {  	v1 =	vld [tilespmem:s19+$0xFFFFFFC0]  }
0x66a: {  	s17 =	sadd.s32 $0x80, s17;
	v11 =	vld.idx.msk [tilespmem:v12+s2+$0x0], $0xffff  }
0x66b: {  	v12 =	vld [tilespmem:s17+$0x0]  }
0x66c: {  	v13 =	vld.idx.msk [tilespmem:v9+s2+$0x0], $0xffff  }
0x66d: {  	v4 =	vld.idx.msk [tilespmem:v8+s2+$0x0], $0xffff  }
0x66e: {  	v3 =	vld.idx.msk [tilespmem:v6+s2+$0x0], $0xffff  }
0x66f: {  	v2 =	vld.idx.msk [tilespmem:v5+s2+$0x0], $0xffff  }
0x670: {  	v0 =	vld.idx.msk [tilespmem:v7+s2+$0x0], $0xffff;
	v5 =	vadd.f32 v12, v11  }
0x671: {  	v7 =	vld.idx.msk [tilespmem:v1+s2+$0x0], $0xffff  }
0x672: {  	v1 =	vld.idx.msk [tilespmem:v10+s2+$0x0], $0xffff;
	[tilespmem:s17+$0x0] =	vst v5  }
0x673: {  	v5 =	vld [tilespmem:s17+$0xFFFFFF90]  }
0x674: {  	v10 =	vld [tilespmem:s17+$0xFFFFFFA0]  }
.Ltmp26:
0x675: {  	v9 =	vld [tilespmem:s17+$0xFFFFFFB0];
	(pc) =	sbr.rel @p0 .LBB2_54-.Ltmp26, $4  }
0x676: {  	v8 =	vld [tilespmem:s17+$0xFFFFFFC0]  }
0x677: {  	v6 =	vld [tilespmem:s17+$0xFFFFFFD0]  }
0x678: {  	v11 =	vadd.f32 v5, v7;
	v5 =	vld [tilespmem:s17+$0xFFFFFFE0]  }
0x679: {  	s19 =	sadd.s32 $0x80, s19;
	v10 =	vadd.f32 v10, v13;
	v7 =	vld [tilespmem:s17+$0xFFFFFFF0]  }
0x67a: {  	[tilespmem:s17+$0xFFFFFF90] =	vst v11;
	v4 =	vadd.f32 v9, v4  }
0x67b: {  	[tilespmem:s17+$0xFFFFFFA0] =	vst v10;
	v3 =	vadd.f32 v8, v3  }
0x67c: {  	[tilespmem:s17+$0xFFFFFFB0] =	vst v4;
	v2 =	vadd.f32 v6, v2  }
0x67d: {  	[tilespmem:s17+$0xFFFFFFC0] =	vst v3;
	v0 =	vadd.f32 v5, v0  }
0x67e: {  	[tilespmem:s17+$0xFFFFFFD0] =	vst v2;
	v1 =	vadd.f32 v7, v1  }
0x67f: {  	[tilespmem:s17+$0xFFFFFFE0] =	vst v0  }
0x680: {  	[tilespmem:s17+$0xFFFFFFF0] =	vst v1  }
0x681: {  	[tilespmem:s22], [sflag:$0x5] =	stream.linear.gather [hbm4b:s1+s2], $0x800, $0x38;
	[tilespmem:$0x1F700] =	vst v63  }
0x682: {  	_ =	swait.ge [sflag:s10], $0x800  }
0x683: {  	[sflag:s10] =	ssyncset.done $0x0  }
0x684: {  	s19 =	simm.s32 $0x1DF40;
	[sflag:s10] =	ssyncadd.s32 $0xFFFFF800  }
0x685: {  	v0 =	vld [tilespmem:s19+$0x30]  }
0x686: {  	v1 =	vld [tilespmem:s19+$0xFFFFFFD0]  }
0x687: {  	v2 =	vld [tilespmem:s19+$0xFFFFFFE0]  }
0x688: {  	v3 =	vld [tilespmem:s19+$0xFFFFFFF0]  }
0x689: {  	v5 =	vld [tilespmem:s19+$0x0]  }
0x68a: {  	v6 =	vld [tilespmem:s19+$0x10]  }
0x68b: {  	v7 =	vld [tilespmem:s19+$0x20]  }
0x68c: {  	s17 =	simm.s32 $0x19F70;
	v8 =	vld [tilespmem:s19+$0xFFFFFFC0]  }
0x68d: {  	v11 =	vld [tilespmem:s17+$0x0]  }
0x68e: {  	v14 =	vld [tilespmem:s17+$0xFFFFFFA0]  }
0x68f: {  	v9 =	vld [tilespmem:s17+$0xFFFFFFB0]  }
0x690: {  	v10 =	vld.idx.msk [tilespmem:v0+s2+$0x0], $0xffff  }
0x691: {  	v12 =	vld.idx.msk [tilespmem:v1+s2+$0x0], $0xffff  }
0x692: {  	v4 =	vld.idx.msk [tilespmem:v2+s2+$0x0], $0xffff  }
0x693: {  	v3 =	vld.idx.msk [tilespmem:v3+s2+$0x0], $0xffff  }
0x694: {  	v13 =	vld.idx.msk [tilespmem:v8+s2+$0x0], $0xffff  }
0x695: {  	v1 =	vld.idx.msk [tilespmem:v7+s2+$0x0], $0xffff  }
0x696: {  	v7 =	vld [tilespmem:s17+$0xFFFFFF90]  }
0x697: {  	v2 =	vld.idx.msk [tilespmem:v5+s2+$0x0], $0xffff  }
0x698: {  	v0 =	vld.idx.msk [tilespmem:v6+s2+$0x0], $0xffff  }
0x699: {  	v8 =	vld [tilespmem:s17+$0xFFFFFFC0]  }
0x69a: {  	v6 =	vld [tilespmem:s17+$0xFFFFFFD0];
	v10 =	vadd.f32 v11, v10  }
0x69b: {  	v5 =	vld [tilespmem:s17+$0xFFFFFFE0];
	v11 =	vadd.f32 v7, v13  }
0x69c: {  	s18 =	simm.s32 $0x0;
	s19 =	simm.s32 $0x1DFC0;
	v7 =	vld [tilespmem:s17+$0xFFFFFFF0];
	[tilespmem:s17+$0x0] =	vst v10;
	v10 =	vadd.f32 v14, v12  }
.LBB2_56:
0x69d: {  	v12 =	vld [tilespmem:s19+$0x30];
	s18 =	sadd.s32 $0x80, s18;
	[tilespmem:s17+$0xFFFFFF90] =	vst v11;
	v4 =	vadd.f32 v9, v4  }
0x69e: {  	v9 =	vld [tilespmem:s19+$0xFFFFFFD0];
	p0 =	slt.u32 s18, $0x780;
	[tilespmem:s17+$0xFFFFFFA0] =	vst v10;
	v3 =	vadd.f32 v8, v3  }
0x69f: {  	v8 =	vld [tilespmem:s19+$0xFFFFFFE0];
	[tilespmem:s17+$0xFFFFFFB0] =	vst v4;
	v2 =	vadd.f32 v6, v2  }
0x6a0: {  	v6 =	vld [tilespmem:s19+$0xFFFFFFF0];
	[tilespmem:s17+$0xFFFFFFC0] =	vst v3;
	v0 =	vadd.f32 v5, v0  }
0x6a1: {  	v5 =	vld [tilespmem:s19+$0x0];
	[tilespmem:s17+$0xFFFFFFD0] =	vst v2;
	v1 =	vadd.f32 v7, v1  }
0x6a2: {  	v7 =	vld [tilespmem:s19+$0x10];
	[tilespmem:s17+$0xFFFFFFE0] =	vst v0  }
0x6a3: {  	v10 =	vld [tilespmem:s19+$0x20];
	[tilespmem:s17+$0xFFFFFFF0] =	vst v1  }
0x6a4: {  	v1 =	vld [tilespmem:s19+$0xFFFFFFC0]  }
0x6a5: {  	s17 =	sadd.s32 $0x80, s17;
	v11 =	vld.idx.msk [tilespmem:v12+s2+$0x0], $0xffff  }
0x6a6: {  	v12 =	vld [tilespmem:s17+$0x0]  }
0x6a7: {  	v13 =	vld.idx.msk [tilespmem:v9+s2+$0x0], $0xffff  }
0x6a8: {  	v4 =	vld.idx.msk [tilespmem:v8+s2+$0x0], $0xffff  }
0x6a9: {  	v3 =	vld.idx.msk [tilespmem:v6+s2+$0x0], $0xffff  }
0x6aa: {  	v2 =	vld.idx.msk [tilespmem:v5+s2+$0x0], $0xffff  }
0x6ab: {  	v0 =	vld.idx.msk [tilespmem:v7+s2+$0x0], $0xffff;
	v5 =	vadd.f32 v12, v11  }
0x6ac: {  	v7 =	vld.idx.msk [tilespmem:v1+s2+$0x0], $0xffff  }
0x6ad: {  	v1 =	vld.idx.msk [tilespmem:v10+s2+$0x0], $0xffff;
	[tilespmem:s17+$0x0] =	vst v5  }
0x6ae: {  	v5 =	vld [tilespmem:s17+$0xFFFFFF90]  }
0x6af: {  	v10 =	vld [tilespmem:s17+$0xFFFFFFA0]  }
.Ltmp27:
0x6b0: {  	v9 =	vld [tilespmem:s17+$0xFFFFFFB0];
	(pc) =	sbr.rel @p0 .LBB2_56-.Ltmp27, $4  }
0x6b1: {  	v8 =	vld [tilespmem:s17+$0xFFFFFFC0]  }
0x6b2: {  	v6 =	vld [tilespmem:s17+$0xFFFFFFD0]  }
0x6b3: {  	v11 =	vadd.f32 v5, v7;
	v5 =	vld [tilespmem:s17+$0xFFFFFFE0]  }
0x6b4: {  	s19 =	sadd.s32 $0x80, s19;
	v10 =	vadd.f32 v10, v13;
	v7 =	vld [tilespmem:s17+$0xFFFFFFF0]  }
0x6b5: {  	[tilespmem:s17+$0xFFFFFF90] =	vst v11;
	v4 =	vadd.f32 v9, v4  }
0x6b6: {  	[tilespmem:s17+$0xFFFFFFA0] =	vst v10;
	v3 =	vadd.f32 v8, v3  }
0x6b7: {  	[tilespmem:s17+$0xFFFFFFB0] =	vst v4;
	v2 =	vadd.f32 v6, v2  }
0x6b8: {  	[tilespmem:s17+$0xFFFFFFC0] =	vst v3;
	v0 =	vadd.f32 v5, v0  }
0x6b9: {  	[tilespmem:s17+$0xFFFFFFD0] =	vst v2;
	v1 =	vadd.f32 v7, v1  }
0x6ba: {  	[tilespmem:s17+$0xFFFFFFE0] =	vst v0  }
0x6bb: {  	[tilespmem:s17+$0xFFFFFFF0] =	vst v1  }
0x6bc: {  	[tilespmem:s23], [sflag:$0x6] =	stream.linear.gather [hbm4b:s4+s2], $0x800, $0x38;
	[tilespmem:$0x1F700] =	vst v63  }
0x6bd: {  	_ =	swait.ge [sflag:s13], $0x800  }
0x6be: {  	[sflag:s13] =	ssyncset.done $0x0  }
0x6bf: {  	s19 =	simm.s32 $0x1E740;
	[sflag:s13] =	ssyncadd.s32 $0xFFFFF800  }
0x6c0: {  	v0 =	vld [tilespmem:s19+$0x30]  }
0x6c1: {  	v1 =	vld [tilespmem:s19+$0xFFFFFFD0]  }
0x6c2: {  	v2 =	vld [tilespmem:s19+$0xFFFFFFE0]  }
0x6c3: {  	v3 =	vld [tilespmem:s19+$0xFFFFFFF0]  }
0x6c4: {  	v5 =	vld [tilespmem:s19+$0x0]  }
0x6c5: {  	v6 =	vld [tilespmem:s19+$0x10]  }
0x6c6: {  	v7 =	vld [tilespmem:s19+$0x20]  }
0x6c7: {  	s17 =	simm.s32 $0x1A770;
	v8 =	vld [tilespmem:s19+$0xFFFFFFC0]  }
0x6c8: {  	v11 =	vld [tilespmem:s17+$0x0]  }
0x6c9: {  	v14 =	vld [tilespmem:s17+$0xFFFFFFA0]  }
0x6ca: {  	v9 =	vld [tilespmem:s17+$0xFFFFFFB0]  }
0x6cb: {  	v10 =	vld.idx.msk [tilespmem:v0+s2+$0x0], $0xffff  }
0x6cc: {  	v12 =	vld.idx.msk [tilespmem:v1+s2+$0x0], $0xffff  }
0x6cd: {  	v4 =	vld.idx.msk [tilespmem:v2+s2+$0x0], $0xffff  }
0x6ce: {  	v3 =	vld.idx.msk [tilespmem:v3+s2+$0x0], $0xffff  }
0x6cf: {  	v13 =	vld.idx.msk [tilespmem:v8+s2+$0x0], $0xffff  }
0x6d0: {  	v1 =	vld.idx.msk [tilespmem:v7+s2+$0x0], $0xffff  }
0x6d1: {  	v7 =	vld [tilespmem:s17+$0xFFFFFF90]  }
0x6d2: {  	v2 =	vld.idx.msk [tilespmem:v5+s2+$0x0], $0xffff  }
0x6d3: {  	v0 =	vld.idx.msk [tilespmem:v6+s2+$0x0], $0xffff  }
0x6d4: {  	v8 =	vld [tilespmem:s17+$0xFFFFFFC0]  }
0x6d5: {  	v6 =	vld [tilespmem:s17+$0xFFFFFFD0];
	v10 =	vadd.f32 v11, v10  }
0x6d6: {  	v5 =	vld [tilespmem:s17+$0xFFFFFFE0];
	v11 =	vadd.f32 v7, v13  }
0x6d7: {  	s18 =	simm.s32 $0x0;
	s19 =	simm.s32 $0x1E7C0;
	v7 =	vld [tilespmem:s17+$0xFFFFFFF0];
	[tilespmem:s17+$0x0] =	vst v10;
	v10 =	vadd.f32 v14, v12  }
.LBB2_58:
0x6d8: {  	v12 =	vld [tilespmem:s19+$0x30];
	s18 =	sadd.s32 $0x80, s18;
	[tilespmem:s17+$0xFFFFFF90] =	vst v11;
	v4 =	vadd.f32 v9, v4  }
0x6d9: {  	v9 =	vld [tilespmem:s19+$0xFFFFFFD0];
	p0 =	slt.u32 s18, $0x780;
	[tilespmem:s17+$0xFFFFFFA0] =	vst v10;
	v3 =	vadd.f32 v8, v3  }
0x6da: {  	v8 =	vld [tilespmem:s19+$0xFFFFFFE0];
	[tilespmem:s17+$0xFFFFFFB0] =	vst v4;
	v2 =	vadd.f32 v6, v2  }
0x6db: {  	v6 =	vld [tilespmem:s19+$0xFFFFFFF0];
	[tilespmem:s17+$0xFFFFFFC0] =	vst v3;
	v0 =	vadd.f32 v5, v0  }
0x6dc: {  	v5 =	vld [tilespmem:s19+$0x0];
	[tilespmem:s17+$0xFFFFFFD0] =	vst v2;
	v1 =	vadd.f32 v7, v1  }
0x6dd: {  	v7 =	vld [tilespmem:s19+$0x10];
	[tilespmem:s17+$0xFFFFFFE0] =	vst v0  }
0x6de: {  	v10 =	vld [tilespmem:s19+$0x20];
	[tilespmem:s17+$0xFFFFFFF0] =	vst v1  }
0x6df: {  	v1 =	vld [tilespmem:s19+$0xFFFFFFC0]  }
0x6e0: {  	s17 =	sadd.s32 $0x80, s17;
	v11 =	vld.idx.msk [tilespmem:v12+s2+$0x0], $0xffff  }
0x6e1: {  	v12 =	vld [tilespmem:s17+$0x0]  }
0x6e2: {  	v13 =	vld.idx.msk [tilespmem:v9+s2+$0x0], $0xffff  }
0x6e3: {  	v4 =	vld.idx.msk [tilespmem:v8+s2+$0x0], $0xffff  }
0x6e4: {  	v3 =	vld.idx.msk [tilespmem:v6+s2+$0x0], $0xffff  }
0x6e5: {  	v2 =	vld.idx.msk [tilespmem:v5+s2+$0x0], $0xffff  }
0x6e6: {  	v0 =	vld.idx.msk [tilespmem:v7+s2+$0x0], $0xffff;
	v5 =	vadd.f32 v12, v11  }
0x6e7: {  	v7 =	vld.idx.msk [tilespmem:v1+s2+$0x0], $0xffff  }
0x6e8: {  	v1 =	vld.idx.msk [tilespmem:v10+s2+$0x0], $0xffff;
	[tilespmem:s17+$0x0] =	vst v5  }
0x6e9: {  	v5 =	vld [tilespmem:s17+$0xFFFFFF90]  }
0x6ea: {  	v10 =	vld [tilespmem:s17+$0xFFFFFFA0]  }
.Ltmp28:
0x6eb: {  	v9 =	vld [tilespmem:s17+$0xFFFFFFB0];
	(pc) =	sbr.rel @p0 .LBB2_58-.Ltmp28, $4  }
0x6ec: {  	v8 =	vld [tilespmem:s17+$0xFFFFFFC0]  }
0x6ed: {  	v6 =	vld [tilespmem:s17+$0xFFFFFFD0]  }
0x6ee: {  	v11 =	vadd.f32 v5, v7;
	v5 =	vld [tilespmem:s17+$0xFFFFFFE0]  }
0x6ef: {  	s19 =	sadd.s32 $0x80, s19;
	v10 =	vadd.f32 v10, v13;
	v7 =	vld [tilespmem:s17+$0xFFFFFFF0]  }
0x6f0: {  	[tilespmem:s17+$0xFFFFFF90] =	vst v11;
	v4 =	vadd.f32 v9, v4  }
0x6f1: {  	[tilespmem:s17+$0xFFFFFFA0] =	vst v10;
	v3 =	vadd.f32 v8, v3  }
0x6f2: {  	[tilespmem:s17+$0xFFFFFFB0] =	vst v4;
	v2 =	vadd.f32 v6, v2  }
0x6f3: {  	[tilespmem:s17+$0xFFFFFFC0] =	vst v3;
	v0 =	vadd.f32 v5, v0  }
0x6f4: {  	[tilespmem:s17+$0xFFFFFFD0] =	vst v2;
	v1 =	vadd.f32 v7, v1  }
0x6f5: {  	[tilespmem:s17+$0xFFFFFFE0] =	vst v0  }
0x6f6: {  	[tilespmem:s17+$0xFFFFFFF0] =	vst v1  }
0x6f7: {  	[tilespmem:s24], [sflag:$0x7] =	stream.linear.gather [hbm4b:s5+s2], $0x800, $0x38;
	[tilespmem:$0x1F700] =	vst v63  }
0x6f8: {  	_ =	swait.ge [sflag:s14], $0x800  }
0x6f9: {  	[sflag:s14] =	ssyncset.done $0x0  }
0x6fa: {  	s19 =	simm.s32 $0x1EF40;
	[sflag:s14] =	ssyncadd.s32 $0xFFFFF800  }
0x6fb: {  	v0 =	vld [tilespmem:s19+$0x30]  }
0x6fc: {  	v1 =	vld [tilespmem:s19+$0xFFFFFFD0]  }
0x6fd: {  	v2 =	vld [tilespmem:s19+$0xFFFFFFE0]  }
0x6fe: {  	v3 =	vld [tilespmem:s19+$0xFFFFFFF0]  }
0x6ff: {  	v5 =	vld [tilespmem:s19+$0x0]  }
0x700: {  	v6 =	vld [tilespmem:s19+$0x10]  }
0x701: {  	v7 =	vld [tilespmem:s19+$0x20]  }
0x702: {  	s17 =	simm.s32 $0x1AF70;
	v8 =	vld [tilespmem:s19+$0xFFFFFFC0]  }
0x703: {  	v11 =	vld [tilespmem:s17+$0x0]  }
0x704: {  	v14 =	vld [tilespmem:s17+$0xFFFFFFA0]  }
0x705: {  	v9 =	vld [tilespmem:s17+$0xFFFFFFB0]  }
0x706: {  	v10 =	vld.idx.msk [tilespmem:v0+s2+$0x0], $0xffff  }
0x707: {  	v12 =	vld.idx.msk [tilespmem:v1+s2+$0x0], $0xffff  }
0x708: {  	v4 =	vld.idx.msk [tilespmem:v2+s2+$0x0], $0xffff  }
0x709: {  	v3 =	vld.idx.msk [tilespmem:v3+s2+$0x0], $0xffff  }
0x70a: {  	v13 =	vld.idx.msk [tilespmem:v8+s2+$0x0], $0xffff  }
0x70b: {  	v1 =	vld.idx.msk [tilespmem:v7+s2+$0x0], $0xffff  }
0x70c: {  	v7 =	vld [tilespmem:s17+$0xFFFFFF90]  }
0x70d: {  	v2 =	vld.idx.msk [tilespmem:v5+s2+$0x0], $0xffff  }
0x70e: {  	v0 =	vld.idx.msk [tilespmem:v6+s2+$0x0], $0xffff  }
0x70f: {  	v8 =	vld [tilespmem:s17+$0xFFFFFFC0]  }
0x710: {  	v6 =	vld [tilespmem:s17+$0xFFFFFFD0];
	v10 =	vadd.f32 v11, v10  }
0x711: {  	v5 =	vld [tilespmem:s17+$0xFFFFFFE0];
	v11 =	vadd.f32 v7, v13  }
0x712: {  	s18 =	simm.s32 $0x0;
	s19 =	simm.s32 $0x1EFC0;
	v7 =	vld [tilespmem:s17+$0xFFFFFFF0];
	[tilespmem:s17+$0x0] =	vst v10;
	v10 =	vadd.f32 v14, v12  }
.LBB2_60:
0x713: {  	v12 =	vld [tilespmem:s19+$0x30];
	s18 =	sadd.s32 $0x80, s18;
	[tilespmem:s17+$0xFFFFFF90] =	vst v11;
	v4 =	vadd.f32 v9, v4  }
0x714: {  	v9 =	vld [tilespmem:s19+$0xFFFFFFD0];
	p0 =	slt.u32 s18, $0x780;
	[tilespmem:s17+$0xFFFFFFA0] =	vst v10;
	v3 =	vadd.f32 v8, v3  }
0x715: {  	v8 =	vld [tilespmem:s19+$0xFFFFFFE0];
	[tilespmem:s17+$0xFFFFFFB0] =	vst v4;
	v2 =	vadd.f32 v6, v2  }
0x716: {  	v6 =	vld [tilespmem:s19+$0xFFFFFFF0];
	[tilespmem:s17+$0xFFFFFFC0] =	vst v3;
	v0 =	vadd.f32 v5, v0  }
0x717: {  	v5 =	vld [tilespmem:s19+$0x0];
	[tilespmem:s17+$0xFFFFFFD0] =	vst v2;
	v1 =	vadd.f32 v7, v1  }
0x718: {  	v7 =	vld [tilespmem:s19+$0x10];
	[tilespmem:s17+$0xFFFFFFE0] =	vst v0  }
0x719: {  	v10 =	vld [tilespmem:s19+$0x20];
	[tilespmem:s17+$0xFFFFFFF0] =	vst v1  }
0x71a: {  	v1 =	vld [tilespmem:s19+$0xFFFFFFC0]  }
0x71b: {  	s17 =	sadd.s32 $0x80, s17;
	v11 =	vld.idx.msk [tilespmem:v12+s2+$0x0], $0xffff  }
0x71c: {  	v12 =	vld [tilespmem:s17+$0x0]  }
0x71d: {  	v13 =	vld.idx.msk [tilespmem:v9+s2+$0x0], $0xffff  }
0x71e: {  	v4 =	vld.idx.msk [tilespmem:v8+s2+$0x0], $0xffff  }
0x71f: {  	v3 =	vld.idx.msk [tilespmem:v6+s2+$0x0], $0xffff  }
0x720: {  	v2 =	vld.idx.msk [tilespmem:v5+s2+$0x0], $0xffff  }
0x721: {  	v0 =	vld.idx.msk [tilespmem:v7+s2+$0x0], $0xffff;
	v5 =	vadd.f32 v12, v11  }
0x722: {  	v7 =	vld.idx.msk [tilespmem:v1+s2+$0x0], $0xffff  }
0x723: {  	v1 =	vld.idx.msk [tilespmem:v10+s2+$0x0], $0xffff;
	[tilespmem:s17+$0x0] =	vst v5  }
0x724: {  	v5 =	vld [tilespmem:s17+$0xFFFFFF90]  }
0x725: {  	v10 =	vld [tilespmem:s17+$0xFFFFFFA0]  }
.Ltmp29:
0x726: {  	v9 =	vld [tilespmem:s17+$0xFFFFFFB0];
	(pc) =	sbr.rel @p0 .LBB2_60-.Ltmp29, $4  }
0x727: {  	v8 =	vld [tilespmem:s17+$0xFFFFFFC0]  }
0x728: {  	v6 =	vld [tilespmem:s17+$0xFFFFFFD0]  }
0x729: {  	v11 =	vadd.f32 v5, v7;
	v5 =	vld [tilespmem:s17+$0xFFFFFFE0]  }
0x72a: {  	s19 =	sadd.s32 $0x80, s19;
	v10 =	vadd.f32 v10, v13;
	v7 =	vld [tilespmem:s17+$0xFFFFFFF0]  }
0x72b: {  	[tilespmem:s17+$0xFFFFFF90] =	vst v11;
	v4 =	vadd.f32 v9, v4  }
0x72c: {  	[tilespmem:s17+$0xFFFFFFA0] =	vst v10;
	v3 =	vadd.f32 v8, v3  }
0x72d: {  	[tilespmem:s17+$0xFFFFFFB0] =	vst v4;
	v2 =	vadd.f32 v6, v2  }
0x72e: {  	[tilespmem:s17+$0xFFFFFFC0] =	vst v3;
	v0 =	vadd.f32 v5, v0  }
0x72f: {  	[tilespmem:s17+$0xFFFFFFD0] =	vst v2;
	v1 =	vadd.f32 v7, v1  }
0x730: {  	[tilespmem:s17+$0xFFFFFFE0] =	vst v0  }
0x731: {  	[tilespmem:s17+$0xFFFFFFF0] =	vst v1  }
0x732: {  	[tilespmem:s25], [sflag:$0x8] =	stream.linear.gather [hbm4b:s6+s2], $0x800, $0x38;
	[tilespmem:$0x1F700] =	vst v63  }
0x733: {  	_ =	swait.ge [sflag:s0], $0x800  }
0x734: {  	[sflag:s0] =	ssyncset.done $0x0  }
0x735: {  	s19 =	simm.s32 $0x1C740;
	[sflag:s0] =	ssyncadd.s32 $0xFFFFF800  }
0x736: {  	v0 =	vld [tilespmem:s19+$0x30]  }
0x737: {  	v1 =	vld [tilespmem:s19+$0xFFFFFFD0]  }
0x738: {  	v2 =	vld [tilespmem:s19+$0xFFFFFFE0]  }
0x739: {  	v3 =	vld [tilespmem:s19+$0xFFFFFFF0]  }
0x73a: {  	v5 =	vld [tilespmem:s19+$0x0]  }
0x73b: {  	v6 =	vld [tilespmem:s19+$0x10]  }
0x73c: {  	v7 =	vld [tilespmem:s19+$0x20]  }
0x73d: {  	s17 =	simm.s32 $0x1B770;
	v8 =	vld [tilespmem:s19+$0xFFFFFFC0]  }
0x73e: {  	v11 =	vld [tilespmem:s17+$0x0]  }
0x73f: {  	v14 =	vld [tilespmem:s17+$0xFFFFFFA0]  }
0x740: {  	v9 =	vld [tilespmem:s17+$0xFFFFFFB0]  }
0x741: {  	v10 =	vld.idx.msk [tilespmem:v0+s2+$0x0], $0xffff  }
0x742: {  	v12 =	vld.idx.msk [tilespmem:v1+s2+$0x0], $0xffff  }
0x743: {  	v4 =	vld.idx.msk [tilespmem:v2+s2+$0x0], $0xffff  }
0x744: {  	v3 =	vld.idx.msk [tilespmem:v3+s2+$0x0], $0xffff  }
0x745: {  	v13 =	vld.idx.msk [tilespmem:v8+s2+$0x0], $0xffff  }
0x746: {  	v1 =	vld.idx.msk [tilespmem:v7+s2+$0x0], $0xffff  }
0x747: {  	v7 =	vld [tilespmem:s17+$0xFFFFFF90]  }
0x748: {  	v2 =	vld.idx.msk [tilespmem:v5+s2+$0x0], $0xffff  }
0x749: {  	v0 =	vld.idx.msk [tilespmem:v6+s2+$0x0], $0xffff  }
0x74a: {  	v8 =	vld [tilespmem:s17+$0xFFFFFFC0]  }
0x74b: {  	v6 =	vld [tilespmem:s17+$0xFFFFFFD0];
	v10 =	vadd.f32 v11, v10  }
0x74c: {  	v5 =	vld [tilespmem:s17+$0xFFFFFFE0];
	v11 =	vadd.f32 v7, v13  }
0x74d: {  	s18 =	simm.s32 $0x0;
	s19 =	simm.s32 $0x1C7C0;
	v7 =	vld [tilespmem:s17+$0xFFFFFFF0];
	[tilespmem:s17+$0x0] =	vst v10;
	v10 =	vadd.f32 v14, v12  }
.LBB2_62:
0x74e: {  	v12 =	vld [tilespmem:s19+$0x30];
	s18 =	sadd.s32 $0x80, s18;
	[tilespmem:s17+$0xFFFFFF90] =	vst v11;
	v4 =	vadd.f32 v9, v4  }
0x74f: {  	v9 =	vld [tilespmem:s19+$0xFFFFFFD0];
	p0 =	slt.u32 s18, $0x780;
	[tilespmem:s17+$0xFFFFFFA0] =	vst v10;
	v3 =	vadd.f32 v8, v3  }
0x750: {  	v8 =	vld [tilespmem:s19+$0xFFFFFFE0];
	[tilespmem:s17+$0xFFFFFFB0] =	vst v4;
	v2 =	vadd.f32 v6, v2  }
0x751: {  	v6 =	vld [tilespmem:s19+$0xFFFFFFF0];
	[tilespmem:s17+$0xFFFFFFC0] =	vst v3;
	v0 =	vadd.f32 v5, v0  }
0x752: {  	v5 =	vld [tilespmem:s19+$0x0];
	[tilespmem:s17+$0xFFFFFFD0] =	vst v2;
	v1 =	vadd.f32 v7, v1  }
0x753: {  	v7 =	vld [tilespmem:s19+$0x10];
	[tilespmem:s17+$0xFFFFFFE0] =	vst v0  }
0x754: {  	v10 =	vld [tilespmem:s19+$0x20];
	[tilespmem:s17+$0xFFFFFFF0] =	vst v1  }
0x755: {  	v1 =	vld [tilespmem:s19+$0xFFFFFFC0]  }
0x756: {  	s17 =	sadd.s32 $0x80, s17;
	v11 =	vld.idx.msk [tilespmem:v12+s2+$0x0], $0xffff  }
0x757: {  	v12 =	vld [tilespmem:s17+$0x0]  }
0x758: {  	v13 =	vld.idx.msk [tilespmem:v9+s2+$0x0], $0xffff  }
0x759: {  	v4 =	vld.idx.msk [tilespmem:v8+s2+$0x0], $0xffff  }
0x75a: {  	v3 =	vld.idx.msk [tilespmem:v6+s2+$0x0], $0xffff  }
0x75b: {  	v2 =	vld.idx.msk [tilespmem:v5+s2+$0x0], $0xffff  }
0x75c: {  	v0 =	vld.idx.msk [tilespmem:v7+s2+$0x0], $0xffff;
	v5 =	vadd.f32 v12, v11  }
0x75d: {  	v7 =	vld.idx.msk [tilespmem:v1+s2+$0x0], $0xffff  }
0x75e: {  	v1 =	vld.idx.msk [tilespmem:v10+s2+$0x0], $0xffff;
	[tilespmem:s17+$0x0] =	vst v5  }
0x75f: {  	v5 =	vld [tilespmem:s17+$0xFFFFFF90]  }
0x760: {  	v10 =	vld [tilespmem:s17+$0xFFFFFFA0]  }
.Ltmp30:
0x761: {  	v9 =	vld [tilespmem:s17+$0xFFFFFFB0];
	(pc) =	sbr.rel @p0 .LBB2_62-.Ltmp30, $4  }
0x762: {  	v8 =	vld [tilespmem:s17+$0xFFFFFFC0]  }
0x763: {  	v6 =	vld [tilespmem:s17+$0xFFFFFFD0]  }
0x764: {  	v11 =	vadd.f32 v5, v7;
	v5 =	vld [tilespmem:s17+$0xFFFFFFE0]  }
0x765: {  	s19 =	sadd.s32 $0x80, s19;
	v10 =	vadd.f32 v10, v13;
	v7 =	vld [tilespmem:s17+$0xFFFFFFF0]  }
0x766: {  	[tilespmem:s17+$0xFFFFFF90] =	vst v11;
	v4 =	vadd.f32 v9, v4  }
0x767: {  	[tilespmem:s17+$0xFFFFFFA0] =	vst v10;
	v3 =	vadd.f32 v8, v3  }
0x768: {  	[tilespmem:s17+$0xFFFFFFB0] =	vst v4;
	v2 =	vadd.f32 v6, v2  }
0x769: {  	[tilespmem:s17+$0xFFFFFFC0] =	vst v3;
	v0 =	vadd.f32 v5, v0  }
0x76a: {  	[tilespmem:s17+$0xFFFFFFD0] =	vst v2;
	v1 =	vadd.f32 v7, v1  }
0x76b: {  	[tilespmem:s17+$0xFFFFFFE0] =	vst v0  }
0x76c: {  	[tilespmem:s17+$0xFFFFFFF0] =	vst v1  }
0x76d: {  	[tilespmem:s20], [sflag:$0x3] =	stream.linear.gather [hbm4b:s7+s2], $0x800, $0x38;
	[tilespmem:$0x1F700] =	vst v63  }
0x76e: {  	_ =	swait.ge [sflag:s3], $0x800  }
0x76f: {  	[sflag:s3] =	ssyncset.done $0x0  }
0x770: {  	s19 =	simm.s32 $0x1CF40;
	[sflag:s3] =	ssyncadd.s32 $0xFFFFF800  }
0x771: {  	v0 =	vld [tilespmem:s19+$0x30]  }
0x772: {  	v1 =	vld [tilespmem:s19+$0xFFFFFFD0]  }
0x773: {  	v2 =	vld [tilespmem:s19+$0xFFFFFFE0]  }
0x774: {  	v3 =	vld [tilespmem:s19+$0xFFFFFFF0]  }
0x775: {  	v5 =	vld [tilespmem:s19+$0x0]  }
0x776: {  	v6 =	vld [tilespmem:s19+$0x10]  }
0x777: {  	v7 =	vld [tilespmem:s19+$0x20]  }
0x778: {  	s17 =	simm.s32 $0x1BF70;
	v8 =	vld [tilespmem:s19+$0xFFFFFFC0]  }
0x779: {  	v11 =	vld [tilespmem:s17+$0x0]  }
0x77a: {  	v14 =	vld [tilespmem:s17+$0xFFFFFFA0]  }
0x77b: {  	v9 =	vld [tilespmem:s17+$0xFFFFFFB0]  }
0x77c: {  	v10 =	vld.idx.msk [tilespmem:v0+s2+$0x0], $0xffff  }
0x77d: {  	v12 =	vld.idx.msk [tilespmem:v1+s2+$0x0], $0xffff  }
0x77e: {  	v4 =	vld.idx.msk [tilespmem:v2+s2+$0x0], $0xffff  }
0x77f: {  	v3 =	vld.idx.msk [tilespmem:v3+s2+$0x0], $0xffff  }
0x780: {  	v13 =	vld.idx.msk [tilespmem:v8+s2+$0x0], $0xffff  }
0x781: {  	v1 =	vld.idx.msk [tilespmem:v7+s2+$0x0], $0xffff  }
0x782: {  	v7 =	vld [tilespmem:s17+$0xFFFFFF90]  }
0x783: {  	v2 =	vld.idx.msk [tilespmem:v5+s2+$0x0], $0xffff  }
0x784: {  	v0 =	vld.idx.msk [tilespmem:v6+s2+$0x0], $0xffff  }
0x785: {  	v8 =	vld [tilespmem:s17+$0xFFFFFFC0]  }
0x786: {  	v6 =	vld [tilespmem:s17+$0xFFFFFFD0];
	v10 =	vadd.f32 v11, v10  }
0x787: {  	v5 =	vld [tilespmem:s17+$0xFFFFFFE0];
	v11 =	vadd.f32 v7, v13  }
0x788: {  	s18 =	simm.s32 $0x0;
	s19 =	simm.s32 $0x1CFC0;
	v7 =	vld [tilespmem:s17+$0xFFFFFFF0];
	[tilespmem:s17+$0x0] =	vst v10;
	v10 =	vadd.f32 v14, v12  }
.LBB2_64:
0x789: {  	v12 =	vld [tilespmem:s19+$0x30];
	s18 =	sadd.s32 $0x80, s18;
	[tilespmem:s17+$0xFFFFFF90] =	vst v11;
	v4 =	vadd.f32 v9, v4  }
0x78a: {  	v9 =	vld [tilespmem:s19+$0xFFFFFFD0];
	p0 =	slt.u32 s18, $0x780;
	[tilespmem:s17+$0xFFFFFFA0] =	vst v10;
	v3 =	vadd.f32 v8, v3  }
0x78b: {  	v8 =	vld [tilespmem:s19+$0xFFFFFFE0];
	[tilespmem:s17+$0xFFFFFFB0] =	vst v4;
	v2 =	vadd.f32 v6, v2  }
0x78c: {  	v6 =	vld [tilespmem:s19+$0xFFFFFFF0];
	[tilespmem:s17+$0xFFFFFFC0] =	vst v3;
	v0 =	vadd.f32 v5, v0  }
0x78d: {  	v5 =	vld [tilespmem:s19+$0x0];
	[tilespmem:s17+$0xFFFFFFD0] =	vst v2;
	v1 =	vadd.f32 v7, v1  }
0x78e: {  	v7 =	vld [tilespmem:s19+$0x10];
	[tilespmem:s17+$0xFFFFFFE0] =	vst v0  }
0x78f: {  	v10 =	vld [tilespmem:s19+$0x20];
	[tilespmem:s17+$0xFFFFFFF0] =	vst v1  }
0x790: {  	v1 =	vld [tilespmem:s19+$0xFFFFFFC0]  }
0x791: {  	s17 =	sadd.s32 $0x80, s17;
	v11 =	vld.idx.msk [tilespmem:v12+s2+$0x0], $0xffff  }
0x792: {  	v12 =	vld [tilespmem:s17+$0x0]  }
0x793: {  	v13 =	vld.idx.msk [tilespmem:v9+s2+$0x0], $0xffff  }
0x794: {  	v4 =	vld.idx.msk [tilespmem:v8+s2+$0x0], $0xffff  }
0x795: {  	v3 =	vld.idx.msk [tilespmem:v6+s2+$0x0], $0xffff  }
0x796: {  	v2 =	vld.idx.msk [tilespmem:v5+s2+$0x0], $0xffff  }
0x797: {  	v0 =	vld.idx.msk [tilespmem:v7+s2+$0x0], $0xffff;
	v5 =	vadd.f32 v12, v11  }
0x798: {  	v7 =	vld.idx.msk [tilespmem:v1+s2+$0x0], $0xffff  }
0x799: {  	v1 =	vld.idx.msk [tilespmem:v10+s2+$0x0], $0xffff;
	[tilespmem:s17+$0x0] =	vst v5  }
0x79a: {  	v5 =	vld [tilespmem:s17+$0xFFFFFF90]  }
0x79b: {  	v10 =	vld [tilespmem:s17+$0xFFFFFFA0]  }
.Ltmp31:
0x79c: {  	v9 =	vld [tilespmem:s17+$0xFFFFFFB0];
	(pc) =	sbr.rel @p0 .LBB2_64-.Ltmp31, $4  }
0x79d: {  	v8 =	vld [tilespmem:s17+$0xFFFFFFC0]  }
0x79e: {  	v6 =	vld [tilespmem:s17+$0xFFFFFFD0]  }
0x79f: {  	v11 =	vadd.f32 v5, v7;
	v5 =	vld [tilespmem:s17+$0xFFFFFFE0]  }
0x7a0: {  	s19 =	sadd.s32 $0x80, s19;
	v10 =	vadd.f32 v10, v13;
	v7 =	vld [tilespmem:s17+$0xFFFFFFF0]  }
0x7a1: {  	[tilespmem:s17+$0xFFFFFF90] =	vst v11;
	v4 =	vadd.f32 v9, v4  }
0x7a2: {  	[tilespmem:s17+$0xFFFFFFA0] =	vst v10;
	v3 =	vadd.f32 v8, v3  }
0x7a3: {  	[tilespmem:s17+$0xFFFFFFB0] =	vst v4;
	v2 =	vadd.f32 v6, v2  }
0x7a4: {  	[tilespmem:s17+$0xFFFFFFC0] =	vst v3;
	v0 =	vadd.f32 v5, v0  }
0x7a5: {  	[tilespmem:s17+$0xFFFFFFD0] =	vst v2;
	v1 =	vadd.f32 v7, v1  }
0x7a6: {  	[tilespmem:s17+$0xFFFFFFE0] =	vst v0  }
0x7a7: {  	[tilespmem:s17+$0xFFFFFFF0] =	vst v1  }
0x7a8: {  	[tilespmem:s21], [sflag:$0x4] =	stream.linear.gather [hbm4b:s8+s2], $0x800, $0x38;
	[tilespmem:$0x1F700] =	vst v63  }
0x7a9: {  	s17 =	rddreg [dreg:$0xd]  }
0x7aa: {  	[hbm4b:s17+s26] =	stream.strided.scatter [tilespmem:s29], [sflag:$0x9], $0x4000, s28, s26, $0x38;
	[tilespmem:$0x1F700] =	vst v63  }
0x7ab: {  	_ =	swait.ge [sflag:s15], $0x4000  }
0x7ac: {  	[sflag:s15] =	ssyncset.done $0x0  }
0x7ad: {  	[sflag:s15] =	ssyncadd.s32 $0xFFFFC000  }
0x7ae: {  	_ =	swait.ge [sflag:s0], $0x800  }
0x7af: {  	[sflag:s0] =	ssyncset.done $0x0  }
0x7b0: {  	[sflag:s0] =	ssyncadd.s32 $0xFFFFF800  }
0x7b1: {  	_ =	swait.ge [sflag:s3], $0x800  }
0x7b2: {  	[sflag:s3] =	ssyncset.done $0x0  }
0x7b3: {  	[sflag:s3] =	ssyncadd.s32 $0xFFFFF800  }
0x7b4: {  	_ =	swait.ge [sflag:s9], $0x800  }
0x7b5: {  	[sflag:s9] =	ssyncset.done $0x0  }
0x7b6: {  	[sflag:s9] =	ssyncadd.s32 $0xFFFFF800  }
0x7b7: {  	_ =	swait.ge [sflag:s10], $0x800  }
0x7b8: {  	[sflag:s10] =	ssyncset.done $0x0  }
0x7b9: {  	[sflag:s10] =	ssyncadd.s32 $0xFFFFF800  }
0x7ba: {  	_ =	swait.ge [sflag:s13], $0x800  }
0x7bb: {  	[sflag:s13] =	ssyncset.done $0x0  }
0x7bc: {  	[sflag:s13] =	ssyncadd.s32 $0xFFFFF800  }
0x7bd: {  	_ =	swait.ge [sflag:s14], $0x800  }
0x7be: {  	s16 =	sadd.s32 $0x1, s16;
	s19 =	rddreg [dreg:$0xe]  }
0x7bf: {  	p0 =	sne.s32 s16, s19  }
.Ltmp32:
0x7c0: {  	_ = 	snop;
	(pc) =	sbr.rel @p0 .LBB2_1-.Ltmp32, $3  }
0x7c1: {  	_ =	sdelay $0x1  }
0x7c2: {  	[sflag:s14] =	ssyncset.done $0x0  }
0x7c3: {  	[sflag:s14] =	ssyncadd.s32 $0xFFFFF800  }
0x7c4: {  	_ =	sfence.sel $0x180000  }
0x7c5: {  	[bflag:$0x0] =	sbarrier.arrive $0xFFFF  }
0x7c6: {  	_ =	strace $0x90000047  }
0x7c7: {  	s0 =	stileid.u32;
	[bflag:$0x2] =	sbarrier.arrive $0xFFFF  }
0x7c8: {  	p0 =	sne.s32 s0, $0x0;
	s0 =	rddreg [dreg:$0x5]  }
0x7c9: {  	s0 =	sadd.s32 @!p0 $0x100000, s0  }
0x7ca: {  	[sflag:s0] =	ssyncadd.tile.s32 @!p0 $0x1;
	_ =	shalt  }
.Lfunc_end2:
_tile_overlayer_lowered:
.L_overlay_start_2:
0x7cb: {  	(tag) =	ssettag $0x2  }
0x7cc: {  	s0 =	rddreg [dreg:$0x0];
	s2 =	stileid.u32  }
0x7cd: {  	s1 =	rddreg [dreg:$0x1];
	p0 =	sne.s32 s2, $0x0  }
0x7ce: {  	s3 =	rddreg [dreg:$0x2];
	[bflag:$0x3] =	sbarrier.arrive $0xFFFF;
	s2 =	simm.s32 @!p0 $0x1C0A  }
0x7cf: {  	[timem:s3], [sflag:s2] =	dma.local @!p0 [hbm:s0], s1  }
0x7d0: {  	s0 =	simm.s32 @!p0 $0xA  }
0x7d1: {  	_ =	swait.ge @!p0 [sflag:s0], s1  }
0x7d2: {  	s1 =	ssub.s32 @!p0 $0x0, s1;
	[sflag:s0] =	ssyncset.done @!p0 $0x0  }
0x7d3: {  	[sflag:s0] =	ssyncadd.s32 @!p0 s1  }
0x7d4: {  	[bflag:$0x3] =	sbarrier.arrive $0xFFFF  }
0x7d5: {  	_ =	shalt  }

</sc_bundles>
